<compile_context>
chip_gen: v7x
topology: tpu7x:2x2x1
jax: 0.10.2.dev20260603
libtpu: 0.0.44.dev20260713+nightly
codegen_flags: <defaults>
</compile_context>

<pallas_src>
import functools

import jax
import jax.numpy as jnp
from jax import lax
from jax.experimental import pallas as pl
from jax.experimental.pallas import tpu as pltpu
from jax.experimental.pallas import tpu_sc as plsc

_B, _L, _F = 16384, 50, 64
_NC, _NS = 2, 16
_NW = _NC * _NS
_BPW = _B // _NW
_CB = 8
_NCH = _BPW // _CB
_NP = _NCH // 2


def _sc_pool(x, table):
    mesh = plsc.VectorSubcoreMesh(core_axis_name="c", subcore_axis_name="s")

    @functools.partial(
        pl.kernel,
        out_type=jax.ShapeDtypeStruct((_B, _F), jnp.float32),
        mesh=mesh,
        compiler_params=pltpu.CompilerParams(use_tc_tiling_on_sc=False),
        scratch_types=[
            pltpu.VMEM((2, _CB, _L), jnp.int32),
            pltpu.VMEM((2, _CB, _L, _F), jnp.float32),
            pltpu.VMEM((_CB, _F), jnp.float32),
            pltpu.SemaphoreType.DMA,
            pltpu.SemaphoreType.DMA,
        ],
    )
    def k(x_hbm, table_hbm, out_hbm, idx_v, rows_v, acc_v, sem0, sem1):
        wid = lax.axis_index("s") * _NC + lax.axis_index("c")
        base = wid * _BPW
        sems = (sem0, sem1)

        def fire(c, buf):
            bb = base + c * _CB
            pltpu.sync_copy(x_hbm.at[pl.ds(bb, _CB)], idx_v.at[buf])
            for j in range(_CB):
                pltpu.async_copy(
                    table_hbm.at[idx_v.at[buf, j]], rows_v.at[buf, j], sems[buf]
                )

        def drain(buf):
            for j in range(_CB):
                pltpu.make_async_copy(
                    table_hbm.at[idx_v.at[buf, j]], rows_v.at[buf, j], sems[buf]
                ).wait()

        def accum_store(c, buf):
            for j in range(_CB):
                def lbody(l, a):
                    return (
                        a[0] + rows_v[buf, j, l, pl.ds(0, 16)],
                        a[1] + rows_v[buf, j, l, pl.ds(16, 16)],
                        a[2] + rows_v[buf, j, l, pl.ds(32, 16)],
                        a[3] + rows_v[buf, j, l, pl.ds(48, 16)],
                    )

                z = jnp.zeros((16,), jnp.float32)
                a = lax.fori_loop(0, _L, lbody, (z, z, z, z))
                acc_v[j, pl.ds(0, 16)] = a[0]
                acc_v[j, pl.ds(16, 16)] = a[1]
                acc_v[j, pl.ds(32, 16)] = a[2]
                acc_v[j, pl.ds(48, 16)] = a[3]
            pltpu.sync_copy(acc_v, out_hbm.at[pl.ds(base + c * _CB, _CB)])

        fire(0, 0)

        def body(p, carry):
            c0 = 2 * p
            fire(c0 + 1, 1)
            drain(0)
            accum_store(c0, 0)

            @pl.when(c0 + 2 < _NCH)
            def _():
                fire(c0 + 2, 0)

            drain(1)
            accum_store(c0 + 1, 1)
            return carry

        lax.fori_loop(0, _NP, body, 0)

    return k(x, table)


def _tc_post(pooled_sum, Wp, prm):
    BT = 2048

    def body(p_ref, w_ref, prm_ref, o_ref):
        h = jnp.dot(p_ref[...], w_ref[...], preferred_element_type=jnp.float32)
        h = jnp.maximum(h + prm_ref[0:1, :], 0.0)
        h = h * prm_ref[1:2, :] + prm_ref[2:3, :]
        mu = jnp.mean(h, axis=-1, keepdims=True)
        d = h - mu
        var = jnp.mean(d * d, axis=-1, keepdims=True)
        o_ref[...] = d * lax.rsqrt(var + 1e-3) * prm_ref[3:4, :] + prm_ref[4:5, :]

    return pl.pallas_call(
        body,
        grid=(_B // BT,),
        in_specs=[
            pl.BlockSpec((BT, _F), lambda i: (i, 0)),
            pl.BlockSpec((_F, _F), lambda i: (0, 0)),
            pl.BlockSpec((8, _F), lambda i: (0, 0)),
        ],
        out_specs=pl.BlockSpec((BT, _F), lambda i: (i, 0)),
        out_shape=jax.ShapeDtypeStruct((_B, _F), jnp.float32),
    )(pooled_sum, Wp, prm)


def kernel(x, table, W, b, bn_gamma, bn_beta, bn_mean, bn_var, ln_gamma, ln_beta):
    x = x.astype(jnp.int32)
    pooled_sum = _sc_pool(x, table)
    bn_scale = bn_gamma * lax.rsqrt(bn_var + 1e-3)
    bn_shift = bn_beta - bn_mean * bn_scale
    prm = jnp.zeros((8, _F), jnp.float32)
    prm = prm.at[0].set(b).at[1].set(bn_scale).at[2].set(bn_shift)
    prm = prm.at[3].set(ln_gamma).at[4].set(ln_beta)
    Wp = W * (1.0 / _L)
    return _tc_post(pooled_sum, Wp, prm)

# --- scband reference (transcript-rebuilt; emitter-appended) ---
"""Pipeline reference for scband-triplet-model-18047452578774 (READ-ONLY COPY).

The authoritative reference and input builder live on the scoring server;
editing this copy changes nothing except your own understanding.
"""

import jax, jax.numpy as jnp
import numpy as np

B, L, V, F = 16384, 50, 1000000, 64


def setup_inputs(seed: int = 0) -> dict:
    key = jax.random.key(seed)
    ks = jax.random.split(key, 4)
    x = jax.random.randint(ks[0], (B, L), 0, V, dtype=jnp.int64) if jax.config.jax_enable_x64 else jax.random.randint(ks[0], (B, L), 0, V, dtype=jnp.int32)
    table = jax.random.normal(ks[1], (V, F), dtype=jnp.float32) * 0.05
    W = jax.random.normal(ks[2], (F, F), dtype=jnp.float32) * (1.0 / np.sqrt(F))
    b = jnp.zeros((F,), dtype=jnp.float32)
    bn_gamma = jnp.ones((F,), dtype=jnp.float32)
    bn_beta = jnp.zeros((F,), dtype=jnp.float32)
    bn_mean = jnp.zeros((F,), dtype=jnp.float32)
    bn_var = jnp.ones((F,), dtype=jnp.float32)
    ln_gamma = jnp.ones((F,), dtype=jnp.float32)
    ln_beta = jnp.zeros((F,), dtype=jnp.float32)
    return {"x": x, "table": table, "W": W, "b": b,
            "bn_gamma": bn_gamma, "bn_beta": bn_beta,
            "bn_mean": bn_mean, "bn_var": bn_var,
            "ln_gamma": ln_gamma, "ln_beta": ln_beta}


def reference(x, table, W, b, bn_gamma, bn_beta, bn_mean, bn_var, ln_gamma, ln_beta):
    # Embedding lookup: [B, L] -> [B, L, F]
    emb = jnp.take(table, x, axis=0)
    # GlobalAveragePooling1D over sequence axis: [B, F]
    pooled = jnp.mean(emb, axis=1)
    # Dense + relu
    h = jax.nn.relu(pooled @ W + b)
    # BatchNormalization (inference mode, keras default eps=1e-3)
    h = (h - bn_mean) / jnp.sqrt(bn_var + 1e-3) * bn_gamma + bn_beta
    # LayerNormalization over last axis (keras default eps=1e-3)
    mu = jnp.mean(h, axis=-1, keepdims=True)
    var = jnp.var(h, axis=-1, keepdims=True)
    out = (h - mu) / jnp.sqrt(var + 1e-3) * ln_gamma + ln_beta
    return out

if __name__ == "__main__":
    import jax
    _d = setup_inputs()
    print(jax.jit(kernel)(*tuple(_d.values())))

</pallas_src>

<mosaic_0001>
#map = affine_map<(d0, d1) -> (0, 0)>
module attributes {stable_mosaic.version = 14 : i64} {
  func.func @k(%arg0: i32, %arg1: i32, %arg2: memref<16384x50xi32, #tpu.memory_space<hbm>>, %arg3: memref<1000000x64xf32, #tpu.memory_space<hbm>>, %arg4: memref<16384x64xf32, #tpu.memory_space<hbm>>, %arg5: memref<2x8x50xi32, #tpu.memory_space<vmem>>, %arg6: memref<2x8x50x64xf32, #tpu.memory_space<vmem>>, %arg7: memref<8x64xf32, #tpu.memory_space<vmem>>, %arg8: memref<!tpu.dma_semaphore, #tpu.memory_space<semaphore_mem>>, %arg9: memref<!tpu.dma_semaphore, #tpu.memory_space<semaphore_mem>>) attributes {dimension_semantics = [#tpu.dimension_semantics<core_parallel>, #tpu.dimension_semantics<subcore_parallel>], iteration_bounds = array<i64: 2, 16>, scalar_prefetch = 0 : i64, scratch_operands = 5 : i64, tpu.core_type = #tpu.core_type<sc_vector_subcore>, window_params = [{transform_indices = #map}, {transform_indices = #map}, {transform_indices = #map}]} {
    %mul3A = arith.constant 2 : i32
    %mul3A_0 = arith.muli %arg1, %mul3A : i32
    %add3A = arith.addi %mul3A_0, %arg0 : i32
    %mul3A_1 = arith.constant 512 : i32
    %mul3A_2 = arith.muli %add3A, %mul3A_1 : i32
    %add3A_3 = arith.constant 0 : i32
    %add3A_4 = arith.addi %mul3A_2, %add3A_3 : i32
    %run_scoped3A = arith.constant 0 : i32
    "tpu.region"() ({
      %run_scoped3A_121 = tpu.sem_alloc : memref<!tpu.dma_semaphore, #tpu.memory_space<semaphore_mem>>
      %dma_start3A_122 = arith.constant 0 : i32
      %dma_start3A_123 = arith.constant 0 : i32
      %dma_start3A_124 = tpu.memref_slice %arg5[%run_scoped3A, %dma_start3A_122, %dma_start3A_123] : memref<2x8x50xi32, #tpu.memory_space<vmem>> -> memref<1x8x50xi32, #tpu.memory_space<vmem>>
      %dma_start3A_125 = tpu.memref_squeeze %dma_start3A_124 : memref<1x8x50xi32, #tpu.memory_space<vmem>> -> memref<8x50xi32, #tpu.memory_space<vmem>>
      %dma_start3A_126 = arith.constant 0 : i32
      %dma_start3A_127 = tpu.memref_slice %arg2[%add3A_4, %dma_start3A_126] : memref<16384x50xi32, #tpu.memory_space<hbm>> -> memref<8x50xi32, #tpu.memory_space<hbm>>
      %dma_start3A_128 = arith.constant 0 : i32
      %dma_start3A_129 = arith.constant 0 : i32
      %dma_start3A_130 = tpu.memref_slice %arg5[%run_scoped3A, %dma_start3A_128, %dma_start3A_129] : memref<2x8x50xi32, #tpu.memory_space<vmem>> -> memref<1x8x50xi32, #tpu.memory_space<vmem>>
      %dma_start3A_131 = tpu.memref_squeeze %dma_start3A_130 : memref<1x8x50xi32, #tpu.memory_space<vmem>> -> memref<8x50xi32, #tpu.memory_space<vmem>>
      %dma_start3A_132 = arith.constant 0 : i32
      %dma_start3A_133 = tpu.memref_slice %arg2[%add3A_4, %dma_start3A_132] : memref<16384x50xi32, #tpu.memory_space<hbm>> -> memref<8x50xi32, #tpu.memory_space<hbm>>
      tpu.enqueue_dma source(%dma_start3A_133 : memref<8x50xi32, #tpu.memory_space<hbm>>) target(%dma_start3A_131 : memref<8x50xi32, #tpu.memory_space<vmem>>) target_semaphore(%run_scoped3A_121 : memref<!tpu.dma_semaphore, #tpu.memory_space<semaphore_mem>>)
      %dma_wait3A = arith.constant 0 : i32
      %dma_wait3A_134 = arith.constant 0 : i32
      %dma_wait3A_135 = tpu.memref_slice %arg5[%run_scoped3A, %dma_wait3A, %dma_wait3A_134] : memref<2x8x50xi32, #tpu.memory_space<vmem>> -> memref<1x8x50xi32, #tpu.memory_space<vmem>>
      %dma_wait3A_136 = tpu.memref_squeeze %dma_wait3A_135 : memref<1x8x50xi32, #tpu.memory_space<vmem>> -> memref<8x50xi32, #tpu.memory_space<vmem>>
      %dma_wait3A_137 = arith.constant 0 : i32
      %dma_wait3A_138 = tpu.memref_slice %arg2[%add3A_4, %dma_wait3A_137] : memref<16384x50xi32, #tpu.memory_space<hbm>> -> memref<8x50xi32, #tpu.memory_space<hbm>>
      %dma_wait3A_139 = arith.constant 0 : i32
      %dma_wait3A_140 = arith.constant 0 : i32
      %dma_wait3A_141 = tpu.memref_slice %arg5[%run_scoped3A, %dma_wait3A_139, %dma_wait3A_140] : memref<2x8x50xi32, #tpu.memory_space<vmem>> -> memref<1x8x50xi32, #tpu.memory_space<vmem>>
      %dma_wait3A_142 = tpu.memref_squeeze %dma_wait3A_141 : memref<1x8x50xi32, #tpu.memory_space<vmem>> -> memref<8x50xi32, #tpu.memory_space<vmem>>
      %dma_wait3A_143 = arith.constant 0 : i32
      %dma_wait3A_144 = tpu.memref_slice %arg2[%add3A_4, %dma_wait3A_143] : memref<16384x50xi32, #tpu.memory_space<hbm>> -> memref<8x50xi32, #tpu.memory_space<hbm>>
      tpu.wait_dma2 semaphore(%run_scoped3A_121 : memref<!tpu.dma_semaphore, #tpu.memory_space<semaphore_mem>>) src(%dma_wait3A_144 : memref<8x50xi32, #tpu.memory_space<hbm>>) dst(%dma_wait3A_142 : memref<8x50xi32, #tpu.memory_space<vmem>>)
      tpu.yield
    }) : () -> ()
    %dma_start3A = arith.constant 0 : i32
    %dma_start3A_5 = arith.constant 0 : i32
    %dma_start3A_6 = arith.constant 0 : i32
    %dma_start3A_7 = arith.constant 0 : i32
    %dma_start3A_8 = arith.constant 0 : i32
    %dma_start3A_9 = arith.constant 0 : i32
    %dma_start3A_10 = tpu.memref_slice %arg6[%dma_start3A_6, %dma_start3A_7, %dma_start3A_8, %dma_start3A_9] : memref<2x8x50x64xf32, #tpu.memory_space<vmem>> -> memref<1x1x50x64xf32, #tpu.memory_space<vmem>>
    %dma_start3A_11 = tpu.memref_squeeze %dma_start3A_10 : memref<1x1x50x64xf32, #tpu.memory_space<vmem>> -> memref<50x64xf32, #tpu.memory_space<vmem>>
    %dma_start3A_12 = arith.constant 0 : i32
    %dma_start3A_13 = tpu.memref_slice %arg5[%dma_start3A, %dma_start3A_5, %dma_start3A_12] : memref<2x8x50xi32, #tpu.memory_space<vmem>> -> memref<1x1x50xi32, #tpu.memory_space<vmem>>
    %dma_start3A_14 = tpu.memref_squeeze %dma_start3A_13 : memref<1x1x50xi32, #tpu.memory_space<vmem>> -> memref<50xi32, #tpu.memory_space<vmem>>
    %dma_start3A_15 = arith.constant 0 : i32
    %dma_start3A_16 = arith.constant 0 : i32
    %dma_start3A_17 = tpu.memref_slice %arg3[%dma_start3A_15, %dma_start3A_16] : memref<1000000x64xf32, #tpu.memory_space<hbm>> -> memref<1000000x64xf32, #tpu.memory_space<hbm>>
    tpu.enqueue_indirect_dma source(%dma_start3A_17 : memref<1000000x64xf32, #tpu.memory_space<hbm>>) target(%dma_start3A_11 : memref<50x64xf32, #tpu.memory_space<vmem>>) offsets(%dma_start3A_14 : memref<50xi32, #tpu.memory_space<vmem>>) semaphore(%arg8 : memref<!tpu.dma_semaphore, #tpu.memory_space<semaphore_mem>>)
    %dma_start3A_18 = arith.constant 0 : i32
    %dma_start3A_19 = arith.constant 1 : i32
    %dma_start3A_20 = arith.constant 0 : i32
    %dma_start3A_21 = arith.constant 1 : i32
    %dma_start3A_22 = arith.constant 0 : i32
    %dma_start3A_23 = arith.constant 0 : i32
    %dma_start3A_24 = tpu.memref_slice %arg6[%dma_start3A_20, %dma_start3A_21, %dma_start3A_22, %dma_start3A_23] : memref<2x8x50x64xf32, #tpu.memory_space<vmem>> -> memref<1x1x50x64xf32, #tpu.memory_space<vmem>>
    %dma_start3A_25 = tpu.memref_squeeze %dma_start3A_24 : memref<1x1x50x64xf32, #tpu.memory_space<vmem>> -> memref<50x64xf32, #tpu.memory_space<vmem>>
    %dma_start3A_26 = arith.constant 0 : i32
    %dma_start3A_27 = tpu.memref_slice %arg5[%dma_start3A_18, %dma_start3A_19, %dma_start3A_26] : memref<2x8x50xi32, #tpu.memory_space<vmem>> -> memref<1x1x50xi32, #tpu.memory_space<vmem>>
    %dma_start3A_28 = tpu.memref_squeeze %dma_start3A_27 : memref<1x1x50xi32, #tpu.memory_space<vmem>> -> memref<50xi32, #tpu.memory_space<vmem>>
    %dma_start3A_29 = arith.constant 0 : i32
    %dma_start3A_30 = arith.constant 0 : i32
    %dma_start3A_31 = tpu.memref_slice %arg3[%dma_start3A_29, %dma_start3A_30] : memref<1000000x64xf32, #tpu.memory_space<hbm>> -> memref<1000000x64xf32, #tpu.memory_space<hbm>>
    tpu.enqueue_indirect_dma source(%dma_start3A_31 : memref<1000000x64xf32, #tpu.memory_space<hbm>>) target(%dma_start3A_25 : memref<50x64xf32, #tpu.memory_space<vmem>>) offsets(%dma_start3A_28 : memref<50xi32, #tpu.memory_space<vmem>>) semaphore(%arg8 : memref<!tpu.dma_semaphore, #tpu.memory_space<semaphore_mem>>)
    %dma_start3A_32 = arith.constant 0 : i32
    %dma_start3A_33 = arith.constant 2 : i32
    %dma_start3A_34 = arith.constant 0 : i32
    %dma_start3A_35 = arith.constant 2 : i32
    %dma_start3A_36 = arith.constant 0 : i32
    %dma_start3A_37 = arith.constant 0 : i32
    %dma_start3A_38 = tpu.memref_slice %arg6[%dma_start3A_34, %dma_start3A_35, %dma_start3A_36, %dma_start3A_37] : memref<2x8x50x64xf32, #tpu.memory_space<vmem>> -> memref<1x1x50x64xf32, #tpu.memory_space<vmem>>
    %dma_start3A_39 = tpu.memref_squeeze %dma_start3A_38 : memref<1x1x50x64xf32, #tpu.memory_space<vmem>> -> memref<50x64xf32, #tpu.memory_space<vmem>>
    %dma_start3A_40 = arith.constant 0 : i32
    %dma_start3A_41 = tpu.memref_slice %arg5[%dma_start3A_32, %dma_start3A_33, %dma_start3A_40] : memref<2x8x50xi32, #tpu.memory_space<vmem>> -> memref<1x1x50xi32, #tpu.memory_space<vmem>>
    %dma_start3A_42 = tpu.memref_squeeze %dma_start3A_41 : memref<1x1x50xi32, #tpu.memory_space<vmem>> -> memref<50xi32, #tpu.memory_space<vmem>>
    %dma_start3A_43 = arith.constant 0 : i32
    %dma_start3A_44 = arith.constant 0 : i32
    %dma_start3A_45 = tpu.memref_slice %arg3[%dma_start3A_43, %dma_start3A_44] : memref<1000000x64xf32, #tpu.memory_space<hbm>> -> memref<1000000x64xf32, #tpu.memory_space<hbm>>
    tpu.enqueue_indirect_dma source(%dma_start3A_45 : memref<1000000x64xf32, #tpu.memory_space<hbm>>) target(%dma_start3A_39 : memref<50x64xf32, #tpu.memory_space<vmem>>) offsets(%dma_start3A_42 : memref<50xi32, #tpu.memory_space<vmem>>) semaphore(%arg8 : memref<!tpu.dma_semaphore, #tpu.memory_space<semaphore_mem>>)
    %dma_start3A_46 = arith.constant 0 : i32
    %dma_start3A_47 = arith.constant 3 : i32
    %dma_start3A_48 = arith.constant 0 : i32
    %dma_start3A_49 = arith.constant 3 : i32
    %dma_start3A_50 = arith.constant 0 : i32
    %dma_start3A_51 = arith.constant 0 : i32
    %dma_start3A_52 = tpu.memref_slice %arg6[%dma_start3A_48, %dma_start3A_49, %dma_start3A_50, %dma_start3A_51] : memref<2x8x50x64xf32, #tpu.memory_space<vmem>> -> memref<1x1x50x64xf32, #tpu.memory_space<vmem>>
    %dma_start3A_53 = tpu.memref_squeeze %dma_start3A_52 : memref<1x1x50x64xf32, #tpu.memory_space<vmem>> -> memref<50x64xf32, #tpu.memory_space<vmem>>
    %dma_start3A_54 = arith.constant 0 : i32
    %dma_start3A_55 = tpu.memref_slice %arg5[%dma_start3A_46, %dma_start3A_47, %dma_start3A_54] : memref<2x8x50xi32, #tpu.memory_space<vmem>> -> memref<1x1x50xi32, #tpu.memory_space<vmem>>
    %dma_start3A_56 = tpu.memref_squeeze %dma_start3A_55 : memref<1x1x50xi32, #tpu.memory_space<vmem>> -> memref<50xi32, #tpu.memory_space<vmem>>
    %dma_start3A_57 = arith.constant 0 : i32
    %dma_start3A_58 = arith.constant 0 : i32
    %dma_start3A_59 = tpu.memref_slice %arg3[%dma_start3A_57, %dma_start3A_58] : memref<1000000x64xf32, #tpu.memory_space<hbm>> -> memref<1000000x64xf32, #tpu.memory_space<hbm>>
    tpu.enqueue_indirect_dma source(%dma_start3A_59 : memref<1000000x64xf32, #tpu.memory_space<hbm>>) target(%dma_start3A_53 : memref<50x64xf32, #tpu.memory_space<vmem>>) offsets(%dma_start3A_56 : memref<50xi32, #tpu.memory_space<vmem>>) semaphore(%arg8 : memref<!tpu.dma_semaphore, #tpu.memory_space<semaphore_mem>>)
    %dma_start3A_60 = arith.constant 0 : i32
    %dma_start3A_61 = arith.constant 4 : i32
    %dma_start3A_62 = arith.constant 0 : i32
    %dma_start3A_63 = arith.constant 4 : i32
    %dma_start3A_64 = arith.constant 0 : i32
    %dma_start3A_65 = arith.constant 0 : i32
    %dma_start3A_66 = tpu.memref_slice %arg6[%dma_start3A_62, %dma_start3A_63, %dma_start3A_64, %dma_start3A_65] : memref<2x8x50x64xf32, #tpu.memory_space<vmem>> -> memref<1x1x50x64xf32, #tpu.memory_space<vmem>>
    %dma_start3A_67 = tpu.memref_squeeze %dma_start3A_66 : memref<1x1x50x64xf32, #tpu.memory_space<vmem>> -> memref<50x64xf32, #tpu.memory_space<vmem>>
    %dma_start3A_68 = arith.constant 0 : i32
    %dma_start3A_69 = tpu.memref_slice %arg5[%dma_start3A_60, %dma_start3A_61, %dma_start3A_68] : memref<2x8x50xi32, #tpu.memory_space<vmem>> -> memref<1x1x50xi32, #tpu.memory_space<vmem>>
    %dma_start3A_70 = tpu.memref_squeeze %dma_start3A_69 : memref<1x1x50xi32, #tpu.memory_space<vmem>> -> memref<50xi32, #tpu.memory_space<vmem>>
    %dma_start3A_71 = arith.constant 0 : i32
    %dma_start3A_72 = arith.constant 0 : i32
    %dma_start3A_73 = tpu.memref_slice %arg3[%dma_start3A_71, %dma_start3A_72] : memref<1000000x64xf32, #tpu.memory_space<hbm>> -> memref<1000000x64xf32, #tpu.memory_space<hbm>>
    tpu.enqueue_indirect_dma source(%dma_start3A_73 : memref<1000000x64xf32, #tpu.memory_space<hbm>>) target(%dma_start3A_67 : memref<50x64xf32, #tpu.memory_space<vmem>>) offsets(%dma_start3A_70 : memref<50xi32, #tpu.memory_space<vmem>>) semaphore(%arg8 : memref<!tpu.dma_semaphore, #tpu.memory_space<semaphore_mem>>)
    %dma_start3A_74 = arith.constant 0 : i32
    %dma_start3A_75 = arith.constant 5 : i32
    %dma_start3A_76 = arith.constant 0 : i32
    %dma_start3A_77 = arith.constant 5 : i32
    %dma_start3A_78 = arith.constant 0 : i32
    %dma_start3A_79 = arith.constant 0 : i32
    %dma_start3A_80 = tpu.memref_slice %arg6[%dma_start3A_76, %dma_start3A_77, %dma_start3A_78, %dma_start3A_79] : memref<2x8x50x64xf32, #tpu.memory_space<vmem>> -> memref<1x1x50x64xf32, #tpu.memory_space<vmem>>
    %dma_start3A_81 = tpu.memref_squeeze %dma_start3A_80 : memref<1x1x50x64xf32, #tpu.memory_space<vmem>> -> memref<50x64xf32, #tpu.memory_space<vmem>>
    %dma_start3A_82 = arith.constant 0 : i32
    %dma_start3A_83 = tpu.memref_slice %arg5[%dma_start3A_74, %dma_start3A_75, %dma_start3A_82] : memref<2x8x50xi32, #tpu.memory_space<vmem>> -> memref<1x1x50xi32, #tpu.memory_space<vmem>>
    %dma_start3A_84 = tpu.memref_squeeze %dma_start3A_83 : memref<1x1x50xi32, #tpu.memory_space<vmem>> -> memref<50xi32, #tpu.memory_space<vmem>>
    %dma_start3A_85 = arith.constant 0 : i32
    %dma_start3A_86 = arith.constant 0 : i32
    %dma_start3A_87 = tpu.memref_slice %arg3[%dma_start3A_85, %dma_start3A_86] : memref<1000000x64xf32, #tpu.memory_space<hbm>> -> memref<1000000x64xf32, #tpu.memory_space<hbm>>
    tpu.enqueue_indirect_dma source(%dma_start3A_87 : memref<1000000x64xf32, #tpu.memory_space<hbm>>) target(%dma_start3A_81 : memref<50x64xf32, #tpu.memory_space<vmem>>) offsets(%dma_start3A_84 : memref<50xi32, #tpu.memory_space<vmem>>) semaphore(%arg8 : memref<!tpu.dma_semaphore, #tpu.memory_space<semaphore_mem>>)
    %dma_start3A_88 = arith.constant 0 : i32
    %dma_start3A_89 = arith.constant 6 : i32
    %dma_start3A_90 = arith.constant 0 : i32
    %dma_start3A_91 = arith.constant 6 : i32
    %dma_start3A_92 = arith.constant 0 : i32
    %dma_start3A_93 = arith.constant 0 : i32
    %dma_start3A_94 = tpu.memref_slice %arg6[%dma_start3A_90, %dma_start3A_91, %dma_start3A_92, %dma_start3A_93] : memref<2x8x50x64xf32, #tpu.memory_space<vmem>> -> memref<1x1x50x64xf32, #tpu.memory_space<vmem>>
    %dma_start3A_95 = tpu.memref_squeeze %dma_start3A_94 : memref<1x1x50x64xf32, #tpu.memory_space<vmem>> -> memref<50x64xf32, #tpu.memory_space<vmem>>
    %dma_start3A_96 = arith.constant 0 : i32
    %dma_start3A_97 = tpu.memref_slice %arg5[%dma_start3A_88, %dma_start3A_89, %dma_start3A_96] : memref<2x8x50xi32, #tpu.memory_space<vmem>> -> memref<1x1x50xi32, #tpu.memory_space<vmem>>
    %dma_start3A_98 = tpu.memref_squeeze %dma_start3A_97 : memref<1x1x50xi32, #tpu.memory_space<vmem>> -> memref<50xi32, #tpu.memory_space<vmem>>
    %dma_start3A_99 = arith.constant 0 : i32
    %dma_start3A_100 = arith.constant 0 : i32
    %dma_start3A_101 = tpu.memref_slice %arg3[%dma_start3A_99, %dma_start3A_100] : memref<1000000x64xf32, #tpu.memory_space<hbm>> -> memref<1000000x64xf32, #tpu.memory_space<hbm>>
    tpu.enqueue_indirect_dma source(%dma_start3A_101 : memref<1000000x64xf32, #tpu.memory_space<hbm>>) target(%dma_start3A_95 : memref<50x64xf32, #tpu.memory_space<vmem>>) offsets(%dma_start3A_98 : memref<50xi32, #tpu.memory_space<vmem>>) semaphore(%arg8 : memref<!tpu.dma_semaphore, #tpu.memory_space<semaphore_mem>>)
    %dma_start3A_102 = arith.constant 0 : i32
    %dma_start3A_103 = arith.constant 7 : i32
    %dma_start3A_104 = arith.constant 0 : i32
    %dma_start3A_105 = arith.constant 7 : i32
    %dma_start3A_106 = arith.constant 0 : i32
    %dma_start3A_107 = arith.constant 0 : i32
    %dma_start3A_108 = tpu.memref_slice %arg6[%dma_start3A_104, %dma_start3A_105, %dma_start3A_106, %dma_start3A_107] : memref<2x8x50x64xf32, #tpu.memory_space<vmem>> -> memref<1x1x50x64xf32, #tpu.memory_space<vmem>>
    %dma_start3A_109 = tpu.memref_squeeze %dma_start3A_108 : memref<1x1x50x64xf32, #tpu.memory_space<vmem>> -> memref<50x64xf32, #tpu.memory_space<vmem>>
    %dma_start3A_110 = arith.constant 0 : i32
    %dma_start3A_111 = tpu.memref_slice %arg5[%dma_start3A_102, %dma_start3A_103, %dma_start3A_110] : memref<2x8x50xi32, #tpu.memory_space<vmem>> -> memref<1x1x50xi32, #tpu.memory_space<vmem>>
    %dma_start3A_112 = tpu.memref_squeeze %dma_start3A_111 : memref<1x1x50xi32, #tpu.memory_space<vmem>> -> memref<50xi32, #tpu.memory_space<vmem>>
    %dma_start3A_113 = arith.constant 0 : i32
    %dma_start3A_114 = arith.constant 0 : i32
    %dma_start3A_115 = tpu.memref_slice %arg3[%dma_start3A_113, %dma_start3A_114] : memref<1000000x64xf32, #tpu.memory_space<hbm>> -> memref<1000000x64xf32, #tpu.memory_space<hbm>>
    tpu.enqueue_indirect_dma source(%dma_start3A_115 : memref<1000000x64xf32, #tpu.memory_space<hbm>>) target(%dma_start3A_109 : memref<50x64xf32, #tpu.memory_space<vmem>>) offsets(%dma_start3A_112 : memref<50xi32, #tpu.memory_space<vmem>>) semaphore(%arg8 : memref<!tpu.dma_semaphore, #tpu.memory_space<semaphore_mem>>)
    %scan3A = arith.constant 0 : i32
    %scan3A_116 = arith.constant 0 : i32
    %scan3A_117 = arith.constant 32 : i32
    %scan3A_118 = arith.addi %scan3A_116, %scan3A_117 : i32
    %scan3A_119 = arith.constant 1 : i32
    scf.for %scan3A_121 = %scan3A_116 to %scan3A_118 step %scan3A_119  : i32 {
      %mul3A_122 = arith.constant 2 : i32
      %mul3A_123 = arith.muli %mul3A_122, %scan3A_121 : i32
      %add3A_124 = arith.constant 1 : i32
      %add3A_125 = arith.addi %mul3A_123, %add3A_124 : i32
      %mul3A_126 = arith.constant 8 : i32
      %mul3A_127 = arith.muli %add3A_125, %mul3A_126 : i32
      %add3A_128 = arith.addi %mul3A_2, %mul3A_127 : i32
      %run_scoped3A_129 = arith.constant 1 : i32
      "tpu.region"() ({
        %run_scoped3A_987 = tpu.sem_alloc : memref<!tpu.dma_semaphore, #tpu.memory_space<semaphore_mem>>
        %dma_start3A_988 = arith.constant 0 : i32
        %dma_start3A_989 = arith.constant 0 : i32
        %dma_start3A_990 = tpu.memref_slice %arg5[%run_scoped3A_129, %dma_start3A_988, %dma_start3A_989] : memref<2x8x50xi32, #tpu.memory_space<vmem>> -> memref<1x8x50xi32, #tpu.memory_space<vmem>>
        %dma_start3A_991 = tpu.memref_squeeze %dma_start3A_990 : memref<1x8x50xi32, #tpu.memory_space<vmem>> -> memref<8x50xi32, #tpu.memory_space<vmem>>
        %dma_start3A_992 = arith.constant 0 : i32
        %dma_start3A_993 = tpu.memref_slice %arg2[%add3A_128, %dma_start3A_992] : memref<16384x50xi32, #tpu.memory_space<hbm>> -> memref<8x50xi32, #tpu.memory_space<hbm>>
        %dma_start3A_994 = arith.constant 0 : i32
        %dma_start3A_995 = arith.constant 0 : i32
        %dma_start3A_996 = tpu.memref_slice %arg5[%run_scoped3A_129, %dma_start3A_994, %dma_start3A_995] : memref<2x8x50xi32, #tpu.memory_space<vmem>> -> memref<1x8x50xi32, #tpu.memory_space<vmem>>
        %dma_start3A_997 = tpu.memref_squeeze %dma_start3A_996 : memref<1x8x50xi32, #tpu.memory_space<vmem>> -> memref<8x50xi32, #tpu.memory_space<vmem>>
        %dma_start3A_998 = arith.constant 0 : i32
        %dma_start3A_999 = tpu.memref_slice %arg2[%add3A_128, %dma_start3A_998] : memref<16384x50xi32, #tpu.memory_space<hbm>> -> memref<8x50xi32, #tpu.memory_space<hbm>>
        tpu.enqueue_dma source(%dma_start3A_999 : memref<8x50xi32, #tpu.memory_space<hbm>>) target(%dma_start3A_997 : memref<8x50xi32, #tpu.memory_space<vmem>>) target_semaphore(%run_scoped3A_987 : memref<!tpu.dma_semaphore, #tpu.memory_space<semaphore_mem>>)
        %dma_wait3A_1000 = arith.constant 0 : i32
        %dma_wait3A_1001 = arith.constant 0 : i32
        %dma_wait3A_1002 = tpu.memref_slice %arg5[%run_scoped3A_129, %dma_wait3A_1000, %dma_wait3A_1001] : memref<2x8x50xi32, #tpu.memory_space<vmem>> -> memref<1x8x50xi32, #tpu.memory_space<vmem>>
        %dma_wait3A_1003 = tpu.memref_squeeze %dma_wait3A_1002 : memref<1x8x50xi32, #tpu.memory_space<vmem>> -> memref<8x50xi32, #tpu.memory_space<vmem>>
        %dma_wait3A_1004 = arith.constant 0 : i32
        %dma_wait3A_1005 = tpu.memref_slice %arg2[%add3A_128, %dma_wait3A_1004] : memref<16384x50xi32, #tpu.memory_space<hbm>> -> memref<8x50xi32, #tpu.memory_space<hbm>>
        %dma_wait3A_1006 = arith.constant 0 : i32
        %dma_wait3A_1007 = arith.constant 0 : i32
        %dma_wait3A_1008 = tpu.memref_slice %arg5[%run_scoped3A_129, %dma_wait3A_1006, %dma_wait3A_1007] : memref<2x8x50xi32, #tpu.memory_space<vmem>> -> memref<1x8x50xi32, #tpu.memory_space<vmem>>
        %dma_wait3A_1009 = tpu.memref_squeeze %dma_wait3A_1008 : memref<1x8x50xi32, #tpu.memory_space<vmem>> -> memref<8x50xi32, #tpu.memory_space<vmem>>
        %dma_wait3A_1010 = arith.constant 0 : i32
        %dma_wait3A_1011 = tpu.memref_slice %arg2[%add3A_128, %dma_wait3A_1010] : memref<16384x50xi32, #tpu.memory_space<hbm>> -> memref<8x50xi32, #tpu.memory_space<hbm>>
        tpu.wait_dma2 semaphore(%run_scoped3A_987 : memref<!tpu.dma_semaphore, #tpu.memory_space<semaphore_mem>>) src(%dma_wait3A_1011 : memref<8x50xi32, #tpu.memory_space<hbm>>) dst(%dma_wait3A_1009 : memref<8x50xi32, #tpu.memory_space<vmem>>)
        tpu.yield
      }) : () -> ()
      %dma_start3A_130 = arith.constant 1 : i32
      %dma_start3A_131 = arith.constant 0 : i32
      %dma_start3A_132 = arith.constant 1 : i32
      %dma_start3A_133 = arith.constant 0 : i32
      %dma_start3A_134 = arith.constant 0 : i32
      %dma_start3A_135 = arith.constant 0 : i32
      %dma_start3A_136 = tpu.memref_slice %arg6[%dma_start3A_132, %dma_start3A_133, %dma_start3A_134, %dma_start3A_135] : memref<2x8x50x64xf32, #tpu.memory_space<vmem>> -> memref<1x1x50x64xf32, #tpu.memory_space<vmem>>
      %dma_start3A_137 = tpu.memref_squeeze %dma_start3A_136 : memref<1x1x50x64xf32, #tpu.memory_space<vmem>> -> memref<50x64xf32, #tpu.memory_space<vmem>>
      %dma_start3A_138 = arith.constant 0 : i32
      %dma_start3A_139 = tpu.memref_slice %arg5[%dma_start3A_130, %dma_start3A_131, %dma_start3A_138] : memref<2x8x50xi32, #tpu.memory_space<vmem>> -> memref<1x1x50xi32, #tpu.memory_space<vmem>>
      %dma_start3A_140 = tpu.memref_squeeze %dma_start3A_139 : memref<1x1x50xi32, #tpu.memory_space<vmem>> -> memref<50xi32, #tpu.memory_space<vmem>>
      %dma_start3A_141 = arith.constant 0 : i32
      %dma_start3A_142 = arith.constant 0 : i32
      %dma_start3A_143 = tpu.memref_slice %arg3[%dma_start3A_141, %dma_start3A_142] : memref<1000000x64xf32, #tpu.memory_space<hbm>> -> memref<1000000x64xf32, #tpu.memory_space<hbm>>
      tpu.enqueue_indirect_dma source(%dma_start3A_143 : memref<1000000x64xf32, #tpu.memory_space<hbm>>) target(%dma_start3A_137 : memref<50x64xf32, #tpu.memory_space<vmem>>) offsets(%dma_start3A_140 : memref<50xi32, #tpu.memory_space<vmem>>) semaphore(%arg9 : memref<!tpu.dma_semaphore, #tpu.memory_space<semaphore_mem>>)
      %dma_start3A_144 = arith.constant 1 : i32
      %dma_start3A_145 = arith.constant 1 : i32
      %dma_start3A_146 = arith.constant 1 : i32
      %dma_start3A_147 = arith.constant 1 : i32
      %dma_start3A_148 = arith.constant 0 : i32
      %dma_start3A_149 = arith.constant 0 : i32
      %dma_start3A_150 = tpu.memref_slice %arg6[%dma_start3A_146, %dma_start3A_147, %dma_start3A_148, %dma_start3A_149] : memref<2x8x50x64xf32, #tpu.memory_space<vmem>> -> memref<1x1x50x64xf32, #tpu.memory_space<vmem>>
      %dma_start3A_151 = tpu.memref_squeeze %dma_start3A_150 : memref<1x1x50x64xf32, #tpu.memory_space<vmem>> -> memref<50x64xf32, #tpu.memory_space<vmem>>
      %dma_start3A_152 = arith.constant 0 : i32
      %dma_start3A_153 = tpu.memref_slice %arg5[%dma_start3A_144, %dma_start3A_145, %dma_start3A_152] : memref<2x8x50xi32, #tpu.memory_space<vmem>> -> memref<1x1x50xi32, #tpu.memory_space<vmem>>
      %dma_start3A_154 = tpu.memref_squeeze %dma_start3A_153 : memref<1x1x50xi32, #tpu.memory_space<vmem>> -> memref<50xi32, #tpu.memory_space<vmem>>
      %dma_start3A_155 = arith.constant 0 : i32
      %dma_start3A_156 = arith.constant 0 : i32
      %dma_start3A_157 = tpu.memref_slice %arg3[%dma_start3A_155, %dma_start3A_156] : memref<1000000x64xf32, #tpu.memory_space<hbm>> -> memref<1000000x64xf32, #tpu.memory_space<hbm>>
      tpu.enqueue_indirect_dma source(%dma_start3A_157 : memref<1000000x64xf32, #tpu.memory_space<hbm>>) target(%dma_start3A_151 : memref<50x64xf32, #tpu.memory_space<vmem>>) offsets(%dma_start3A_154 : memref<50xi32, #tpu.memory_space<vmem>>) semaphore(%arg9 : memref<!tpu.dma_semaphore, #tpu.memory_space<semaphore_mem>>)
      %dma_start3A_158 = arith.constant 1 : i32
      %dma_start3A_159 = arith.constant 2 : i32
      %dma_start3A_160 = arith.constant 1 : i32
      %dma_start3A_161 = arith.constant 2 : i32
      %dma_start3A_162 = arith.constant 0 : i32
      %dma_start3A_163 = arith.constant 0 : i32
      %dma_start3A_164 = tpu.memref_slice %arg6[%dma_start3A_160, %dma_start3A_161, %dma_start3A_162, %dma_start3A_163] : memref<2x8x50x64xf32, #tpu.memory_space<vmem>> -> memref<1x1x50x64xf32, #tpu.memory_space<vmem>>
      %dma_start3A_165 = tpu.memref_squeeze %dma_start3A_164 : memref<1x1x50x64xf32, #tpu.memory_space<vmem>> -> memref<50x64xf32, #tpu.memory_space<vmem>>
      %dma_start3A_166 = arith.constant 0 : i32
      %dma_start3A_167 = tpu.memref_slice %arg5[%dma_start3A_158, %dma_start3A_159, %dma_start3A_166] : memref<2x8x50xi32, #tpu.memory_space<vmem>> -> memref<1x1x50xi32, #tpu.memory_space<vmem>>
      %dma_start3A_168 = tpu.memref_squeeze %dma_start3A_167 : memref<1x1x50xi32, #tpu.memory_space<vmem>> -> memref<50xi32, #tpu.memory_space<vmem>>
      %dma_start3A_169 = arith.constant 0 : i32
      %dma_start3A_170 = arith.constant 0 : i32
      %dma_start3A_171 = tpu.memref_slice %arg3[%dma_start3A_169, %dma_start3A_170] : memref<1000000x64xf32, #tpu.memory_space<hbm>> -> memref<1000000x64xf32, #tpu.memory_space<hbm>>
      tpu.enqueue_indirect_dma source(%dma_start3A_171 : memref<1000000x64xf32, #tpu.memory_space<hbm>>) target(%dma_start3A_165 : memref<50x64xf32, #tpu.memory_space<vmem>>) offsets(%dma_start3A_168 : memref<50xi32, #tpu.memory_space<vmem>>) semaphore(%arg9 : memref<!tpu.dma_semaphore, #tpu.memory_space<semaphore_mem>>)
      %dma_start3A_172 = arith.constant 1 : i32
      %dma_start3A_173 = arith.constant 3 : i32
      %dma_start3A_174 = arith.constant 1 : i32
      %dma_start3A_175 = arith.constant 3 : i32
      %dma_start3A_176 = arith.constant 0 : i32
      %dma_start3A_177 = arith.constant 0 : i32
      %dma_start3A_178 = tpu.memref_slice %arg6[%dma_start3A_174, %dma_start3A_175, %dma_start3A_176, %dma_start3A_177] : memref<2x8x50x64xf32, #tpu.memory_space<vmem>> -> memref<1x1x50x64xf32, #tpu.memory_space<vmem>>
      %dma_start3A_179 = tpu.memref_squeeze %dma_start3A_178 : memref<1x1x50x64xf32, #tpu.memory_space<vmem>> -> memref<50x64xf32, #tpu.memory_space<vmem>>
      %dma_start3A_180 = arith.constant 0 : i32
      %dma_start3A_181 = tpu.memref_slice %arg5[%dma_start3A_172, %dma_start3A_173, %dma_start3A_180] : memref<2x8x50xi32, #tpu.memory_space<vmem>> -> memref<1x1x50xi32, #tpu.memory_space<vmem>>
      %dma_start3A_182 = tpu.memref_squeeze %dma_start3A_181 : memref<1x1x50xi32, #tpu.memory_space<vmem>> -> memref<50xi32, #tpu.memory_space<vmem>>
      %dma_start3A_183 = arith.constant 0 : i32
      %dma_start3A_184 = arith.constant 0 : i32
      %dma_start3A_185 = tpu.memref_slice %arg3[%dma_start3A_183, %dma_start3A_184] : memref<1000000x64xf32, #tpu.memory_space<hbm>> -> memref<1000000x64xf32, #tpu.memory_space<hbm>>
      tpu.enqueue_indirect_dma source(%dma_start3A_185 : memref<1000000x64xf32, #tpu.memory_space<hbm>>) target(%dma_start3A_179 : memref<50x64xf32, #tpu.memory_space<vmem>>) offsets(%dma_start3A_182 : memref<50xi32, #tpu.memory_space<vmem>>) semaphore(%arg9 : memref<!tpu.dma_semaphore, #tpu.memory_space<semaphore_mem>>)
      %dma_start3A_186 = arith.constant 1 : i32
      %dma_start3A_187 = arith.constant 4 : i32
      %dma_start3A_188 = arith.constant 1 : i32
      %dma_start3A_189 = arith.constant 4 : i32
      %dma_start3A_190 = arith.constant 0 : i32
      %dma_start3A_191 = arith.constant 0 : i32
      %dma_start3A_192 = tpu.memref_slice %arg6[%dma_start3A_188, %dma_start3A_189, %dma_start3A_190, %dma_start3A_191] : memref<2x8x50x64xf32, #tpu.memory_space<vmem>> -> memref<1x1x50x64xf32, #tpu.memory_space<vmem>>
      %dma_start3A_193 = tpu.memref_squeeze %dma_start3A_192 : memref<1x1x50x64xf32, #tpu.memory_space<vmem>> -> memref<50x64xf32, #tpu.memory_space<vmem>>
      %dma_start3A_194 = arith.constant 0 : i32
      %dma_start3A_195 = tpu.memref_slice %arg5[%dma_start3A_186, %dma_start3A_187, %dma_start3A_194] : memref<2x8x50xi32, #tpu.memory_space<vmem>> -> memref<1x1x50xi32, #tpu.memory_space<vmem>>
      %dma_start3A_196 = tpu.memref_squeeze %dma_start3A_195 : memref<1x1x50xi32, #tpu.memory_space<vmem>> -> memref<50xi32, #tpu.memory_space<vmem>>
      %dma_start3A_197 = arith.constant 0 : i32
      %dma_start3A_198 = arith.constant 0 : i32
      %dma_start3A_199 = tpu.memref_slice %arg3[%dma_start3A_197, %dma_start3A_198] : memref<1000000x64xf32, #tpu.memory_space<hbm>> -> memref<1000000x64xf32, #tpu.memory_space<hbm>>
      tpu.enqueue_indirect_dma source(%dma_start3A_199 : memref<1000000x64xf32, #tpu.memory_space<hbm>>) target(%dma_start3A_193 : memref<50x64xf32, #tpu.memory_space<vmem>>) offsets(%dma_start3A_196 : memref<50xi32, #tpu.memory_space<vmem>>) semaphore(%arg9 : memref<!tpu.dma_semaphore, #tpu.memory_space<semaphore_mem>>)
      %dma_start3A_200 = arith.constant 1 : i32
      %dma_start3A_201 = arith.constant 5 : i32
      %dma_start3A_202 = arith.constant 1 : i32
      %dma_start3A_203 = arith.constant 5 : i32
      %dma_start3A_204 = arith.constant 0 : i32
      %dma_start3A_205 = arith.constant 0 : i32
      %dma_start3A_206 = tpu.memref_slice %arg6[%dma_start3A_202, %dma_start3A_203, %dma_start3A_204, %dma_start3A_205] : memref<2x8x50x64xf32, #tpu.memory_space<vmem>> -> memref<1x1x50x64xf32, #tpu.memory_space<vmem>>
      %dma_start3A_207 = tpu.memref_squeeze %dma_start3A_206 : memref<1x1x50x64xf32, #tpu.memory_space<vmem>> -> memref<50x64xf32, #tpu.memory_space<vmem>>
      %dma_start3A_208 = arith.constant 0 : i32
      %dma_start3A_209 = tpu.memref_slice %arg5[%dma_start3A_200, %dma_start3A_201, %dma_start3A_208] : memref<2x8x50xi32, #tpu.memory_space<vmem>> -> memref<1x1x50xi32, #tpu.memory_space<vmem>>
      %dma_start3A_210 = tpu.memref_squeeze %dma_start3A_209 : memref<1x1x50xi32, #tpu.memory_space<vmem>> -> memref<50xi32, #tpu.memory_space<vmem>>
      %dma_start3A_211 = arith.constant 0 : i32
      %dma_start3A_212 = arith.constant 0 : i32
      %dma_start3A_213 = tpu.memref_slice %arg3[%dma_start3A_211, %dma_start3A_212] : memref<1000000x64xf32, #tpu.memory_space<hbm>> -> memref<1000000x64xf32, #tpu.memory_space<hbm>>
      tpu.enqueue_indirect_dma source(%dma_start3A_213 : memref<1000000x64xf32, #tpu.memory_space<hbm>>) target(%dma_start3A_207 : memref<50x64xf32, #tpu.memory_space<vmem>>) offsets(%dma_start3A_210 : memref<50xi32, #tpu.memory_space<vmem>>) semaphore(%arg9 : memref<!tpu.dma_semaphore, #tpu.memory_space<semaphore_mem>>)
      %dma_start3A_214 = arith.constant 1 : i32
      %dma_start3A_215 = arith.constant 6 : i32
      %dma_start3A_216 = arith.constant 1 : i32
      %dma_start3A_217 = arith.constant 6 : i32
      %dma_start3A_218 = arith.constant 0 : i32
      %dma_start3A_219 = arith.constant 0 : i32
      %dma_start3A_220 = tpu.memref_slice %arg6[%dma_start3A_216, %dma_start3A_217, %dma_start3A_218, %dma_start3A_219] : memref<2x8x50x64xf32, #tpu.memory_space<vmem>> -> memref<1x1x50x64xf32, #tpu.memory_space<vmem>>
      %dma_start3A_221 = tpu.memref_squeeze %dma_start3A_220 : memref<1x1x50x64xf32, #tpu.memory_space<vmem>> -> memref<50x64xf32, #tpu.memory_space<vmem>>
      %dma_start3A_222 = arith.constant 0 : i32
      %dma_start3A_223 = tpu.memref_slice %arg5[%dma_start3A_214, %dma_start3A_215, %dma_start3A_222] : memref<2x8x50xi32, #tpu.memory_space<vmem>> -> memref<1x1x50xi32, #tpu.memory_space<vmem>>
      %dma_start3A_224 = tpu.memref_squeeze %dma_start3A_223 : memref<1x1x50xi32, #tpu.memory_space<vmem>> -> memref<50xi32, #tpu.memory_space<vmem>>
      %dma_start3A_225 = arith.constant 0 : i32
      %dma_start3A_226 = arith.constant 0 : i32
      %dma_start3A_227 = tpu.memref_slice %arg3[%dma_start3A_225, %dma_start3A_226] : memref<1000000x64xf32, #tpu.memory_space<hbm>> -> memref<1000000x64xf32, #tpu.memory_space<hbm>>
      tpu.enqueue_indirect_dma source(%dma_start3A_227 : memref<1000000x64xf32, #tpu.memory_space<hbm>>) target(%dma_start3A_221 : memref<50x64xf32, #tpu.memory_space<vmem>>) offsets(%dma_start3A_224 : memref<50xi32, #tpu.memory_space<vmem>>) semaphore(%arg9 : memref<!tpu.dma_semaphore, #tpu.memory_space<semaphore_mem>>)
      %dma_start3A_228 = arith.constant 1 : i32
      %dma_start3A_229 = arith.constant 7 : i32
      %dma_start3A_230 = arith.constant 1 : i32
      %dma_start3A_231 = arith.constant 7 : i32
      %dma_start3A_232 = arith.constant 0 : i32
      %dma_start3A_233 = arith.constant 0 : i32
      %dma_start3A_234 = tpu.memref_slice %arg6[%dma_start3A_230, %dma_start3A_231, %dma_start3A_232, %dma_start3A_233] : memref<2x8x50x64xf32, #tpu.memory_space<vmem>> -> memref<1x1x50x64xf32, #tpu.memory_space<vmem>>
      %dma_start3A_235 = tpu.memref_squeeze %dma_start3A_234 : memref<1x1x50x64xf32, #tpu.memory_space<vmem>> -> memref<50x64xf32, #tpu.memory_space<vmem>>
      %dma_start3A_236 = arith.constant 0 : i32
      %dma_start3A_237 = tpu.memref_slice %arg5[%dma_start3A_228, %dma_start3A_229, %dma_start3A_236] : memref<2x8x50xi32, #tpu.memory_space<vmem>> -> memref<1x1x50xi32, #tpu.memory_space<vmem>>
      %dma_start3A_238 = tpu.memref_squeeze %dma_start3A_237 : memref<1x1x50xi32, #tpu.memory_space<vmem>> -> memref<50xi32, #tpu.memory_space<vmem>>
      %dma_start3A_239 = arith.constant 0 : i32
      %dma_start3A_240 = arith.constant 0 : i32
      %dma_start3A_241 = tpu.memref_slice %arg3[%dma_start3A_239, %dma_start3A_240] : memref<1000000x64xf32, #tpu.memory_space<hbm>> -> memref<1000000x64xf32, #tpu.memory_space<hbm>>
      tpu.enqueue_indirect_dma source(%dma_start3A_241 : memref<1000000x64xf32, #tpu.memory_space<hbm>>) target(%dma_start3A_235 : memref<50x64xf32, #tpu.memory_space<vmem>>) offsets(%dma_start3A_238 : memref<50xi32, #tpu.memory_space<vmem>>) semaphore(%arg9 : memref<!tpu.dma_semaphore, #tpu.memory_space<semaphore_mem>>)
      %dma_wait3A = arith.constant 0 : i32
      %dma_wait3A_242 = arith.constant 0 : i32
      %dma_wait3A_243 = arith.constant 0 : i32
      %dma_wait3A_244 = arith.constant 0 : i32
      %dma_wait3A_245 = arith.constant 0 : i32
      %dma_wait3A_246 = arith.constant 0 : i32
      %dma_wait3A_247 = tpu.memref_slice %arg6[%dma_wait3A_243, %dma_wait3A_244, %dma_wait3A_245, %dma_wait3A_246] : memref<2x8x50x64xf32, #tpu.memory_space<vmem>> -> memref<1x1x50x64xf32, #tpu.memory_space<vmem>>
      %dma_wait3A_248 = tpu.memref_squeeze %dma_wait3A_247 : memref<1x1x50x64xf32, #tpu.memory_space<vmem>> -> memref<50x64xf32, #tpu.memory_space<vmem>>
      %dma_wait3A_249 = arith.constant 0 : i32
      %dma_wait3A_250 = tpu.memref_slice %arg5[%dma_wait3A, %dma_wait3A_242, %dma_wait3A_249] : memref<2x8x50xi32, #tpu.memory_space<vmem>> -> memref<1x1x50xi32, #tpu.memory_space<vmem>>
      %dma_wait3A_251 = tpu.memref_squeeze %dma_wait3A_250 : memref<1x1x50xi32, #tpu.memory_space<vmem>> -> memref<50xi32, #tpu.memory_space<vmem>>
      %dma_wait3A_252 = arith.constant 0 : i32
      %dma_wait3A_253 = arith.constant 0 : i32
      %dma_wait3A_254 = tpu.memref_slice %arg3[%dma_wait3A_252, %dma_wait3A_253] : memref<1000000x64xf32, #tpu.memory_space<hbm>> -> memref<1000000x64xf32, #tpu.memory_space<hbm>>
      tpu.wait_indirect_dma semaphore(%arg8 : memref<!tpu.dma_semaphore, #tpu.memory_space<semaphore_mem>>) src(%dma_wait3A_254 : memref<1000000x64xf32, #tpu.memory_space<hbm>>) dst(%dma_wait3A_248 : memref<50x64xf32, #tpu.memory_space<vmem>>)
      %dma_wait3A_255 = arith.constant 0 : i32
      %dma_wait3A_256 = arith.constant 1 : i32
      %dma_wait3A_257 = arith.constant 0 : i32
      %dma_wait3A_258 = arith.constant 1 : i32
      %dma_wait3A_259 = arith.constant 0 : i32
      %dma_wait3A_260 = arith.constant 0 : i32
      %dma_wait3A_261 = tpu.memref_slice %arg6[%dma_wait3A_257, %dma_wait3A_258, %dma_wait3A_259, %dma_wait3A_260] : memref<2x8x50x64xf32, #tpu.memory_space<vmem>> -> memref<1x1x50x64xf32, #tpu.memory_space<vmem>>
      %dma_wait3A_262 = tpu.memref_squeeze %dma_wait3A_261 : memref<1x1x50x64xf32, #tpu.memory_space<vmem>> -> memref<50x64xf32, #tpu.memory_space<vmem>>
      %dma_wait3A_263 = arith.constant 0 : i32
      %dma_wait3A_264 = tpu.memref_slice %arg5[%dma_wait3A_255, %dma_wait3A_256, %dma_wait3A_263] : memref<2x8x50xi32, #tpu.memory_space<vmem>> -> memref<1x1x50xi32, #tpu.memory_space<vmem>>
      %dma_wait3A_265 = tpu.memref_squeeze %dma_wait3A_264 : memref<1x1x50xi32, #tpu.memory_space<vmem>> -> memref<50xi32, #tpu.memory_space<vmem>>
      %dma_wait3A_266 = arith.constant 0 : i32
      %dma_wait3A_267 = arith.constant 0 : i32
      %dma_wait3A_268 = tpu.memref_slice %arg3[%dma_wait3A_266, %dma_wait3A_267] : memref<1000000x64xf32, #tpu.memory_space<hbm>> -> memref<1000000x64xf32, #tpu.memory_space<hbm>>
      tpu.wait_indirect_dma semaphore(%arg8 : memref<!tpu.dma_semaphore, #tpu.memory_space<semaphore_mem>>) src(%dma_wait3A_268 : memref<1000000x64xf32, #tpu.memory_space<hbm>>) dst(%dma_wait3A_262 : memref<50x64xf32, #tpu.memory_space<vmem>>)
      %dma_wait3A_269 = arith.constant 0 : i32
      %dma_wait3A_270 = arith.constant 2 : i32
      %dma_wait3A_271 = arith.constant 0 : i32
      %dma_wait3A_272 = arith.constant 2 : i32
      %dma_wait3A_273 = arith.constant 0 : i32
      %dma_wait3A_274 = arith.constant 0 : i32
      %dma_wait3A_275 = tpu.memref_slice %arg6[%dma_wait3A_271, %dma_wait3A_272, %dma_wait3A_273, %dma_wait3A_274] : memref<2x8x50x64xf32, #tpu.memory_space<vmem>> -> memref<1x1x50x64xf32, #tpu.memory_space<vmem>>
      %dma_wait3A_276 = tpu.memref_squeeze %dma_wait3A_275 : memref<1x1x50x64xf32, #tpu.memory_space<vmem>> -> memref<50x64xf32, #tpu.memory_space<vmem>>
      %dma_wait3A_277 = arith.constant 0 : i32
      %dma_wait3A_278 = tpu.memref_slice %arg5[%dma_wait3A_269, %dma_wait3A_270, %dma_wait3A_277] : memref<2x8x50xi32, #tpu.memory_space<vmem>> -> memref<1x1x50xi32, #tpu.memory_space<vmem>>
      %dma_wait3A_279 = tpu.memref_squeeze %dma_wait3A_278 : memref<1x1x50xi32, #tpu.memory_space<vmem>> -> memref<50xi32, #tpu.memory_space<vmem>>
      %dma_wait3A_280 = arith.constant 0 : i32
      %dma_wait3A_281 = arith.constant 0 : i32
      %dma_wait3A_282 = tpu.memref_slice %arg3[%dma_wait3A_280, %dma_wait3A_281] : memref<1000000x64xf32, #tpu.memory_space<hbm>> -> memref<1000000x64xf32, #tpu.memory_space<hbm>>
      tpu.wait_indirect_dma semaphore(%arg8 : memref<!tpu.dma_semaphore, #tpu.memory_space<semaphore_mem>>) src(%dma_wait3A_282 : memref<1000000x64xf32, #tpu.memory_space<hbm>>) dst(%dma_wait3A_276 : memref<50x64xf32, #tpu.memory_space<vmem>>)
      %dma_wait3A_283 = arith.constant 0 : i32
      %dma_wait3A_284 = arith.constant 3 : i32
      %dma_wait3A_285 = arith.constant 0 : i32
      %dma_wait3A_286 = arith.constant 3 : i32
      %dma_wait3A_287 = arith.constant 0 : i32
      %dma_wait3A_288 = arith.constant 0 : i32
      %dma_wait3A_289 = tpu.memref_slice %arg6[%dma_wait3A_285, %dma_wait3A_286, %dma_wait3A_287, %dma_wait3A_288] : memref<2x8x50x64xf32, #tpu.memory_space<vmem>> -> memref<1x1x50x64xf32, #tpu.memory_space<vmem>>
      %dma_wait3A_290 = tpu.memref_squeeze %dma_wait3A_289 : memref<1x1x50x64xf32, #tpu.memory_space<vmem>> -> memref<50x64xf32, #tpu.memory_space<vmem>>
      %dma_wait3A_291 = arith.constant 0 : i32
      %dma_wait3A_292 = tpu.memref_slice %arg5[%dma_wait3A_283, %dma_wait3A_284, %dma_wait3A_291] : memref<2x8x50xi32, #tpu.memory_space<vmem>> -> memref<1x1x50xi32, #tpu.memory_space<vmem>>
      %dma_wait3A_293 = tpu.memref_squeeze %dma_wait3A_292 : memref<1x1x50xi32, #tpu.memory_space<vmem>> -> memref<50xi32, #tpu.memory_space<vmem>>
      %dma_wait3A_294 = arith.constant 0 : i32
      %dma_wait3A_295 = arith.constant 0 : i32
      %dma_wait3A_296 = tpu.memref_slice %arg3[%dma_wait3A_294, %dma_wait3A_295] : memref<1000000x64xf32, #tpu.memory_space<hbm>> -> memref<1000000x64xf32, #tpu.memory_space<hbm>>
      tpu.wait_indirect_dma semaphore(%arg8 : memref<!tpu.dma_semaphore, #tpu.memory_space<semaphore_mem>>) src(%dma_wait3A_296 : memref<1000000x64xf32, #tpu.memory_space<hbm>>) dst(%dma_wait3A_290 : memref<50x64xf32, #tpu.memory_space<vmem>>)
      %dma_wait3A_297 = arith.constant 0 : i32
      %dma_wait3A_298 = arith.constant 4 : i32
      %dma_wait3A_299 = arith.constant 0 : i32
      %dma_wait3A_300 = arith.constant 4 : i32
      %dma_wait3A_301 = arith.constant 0 : i32
      %dma_wait3A_302 = arith.constant 0 : i32
      %dma_wait3A_303 = tpu.memref_slice %arg6[%dma_wait3A_299, %dma_wait3A_300, %dma_wait3A_301, %dma_wait3A_302] : memref<2x8x50x64xf32, #tpu.memory_space<vmem>> -> memref<1x1x50x64xf32, #tpu.memory_space<vmem>>
      %dma_wait3A_304 = tpu.memref_squeeze %dma_wait3A_303 : memref<1x1x50x64xf32, #tpu.memory_space<vmem>> -> memref<50x64xf32, #tpu.memory_space<vmem>>
      %dma_wait3A_305 = arith.constant 0 : i32
      %dma_wait3A_306 = tpu.memref_slice %arg5[%dma_wait3A_297, %dma_wait3A_298, %dma_wait3A_305] : memref<2x8x50xi32, #tpu.memory_space<vmem>> -> memref<1x1x50xi32, #tpu.memory_space<vmem>>
      %dma_wait3A_307 = tpu.memref_squeeze %dma_wait3A_306 : memref<1x1x50xi32, #tpu.memory_space<vmem>> -> memref<50xi32, #tpu.memory_space<vmem>>
      %dma_wait3A_308 = arith.constant 0 : i32
      %dma_wait3A_309 = arith.constant 0 : i32
      %dma_wait3A_310 = tpu.memref_slice %arg3[%dma_wait3A_308, %dma_wait3A_309] : memref<1000000x64xf32, #tpu.memory_space<hbm>> -> memref<1000000x64xf32, #tpu.memory_space<hbm>>
      tpu.wait_indirect_dma semaphore(%arg8 : memref<!tpu.dma_semaphore, #tpu.memory_space<semaphore_mem>>) src(%dma_wait3A_310 : memref<1000000x64xf32, #tpu.memory_space<hbm>>) dst(%dma_wait3A_304 : memref<50x64xf32, #tpu.memory_space<vmem>>)
      %dma_wait3A_311 = arith.constant 0 : i32
      %dma_wait3A_312 = arith.constant 5 : i32
      %dma_wait3A_313 = arith.constant 0 : i32
      %dma_wait3A_314 = arith.constant 5 : i32
      %dma_wait3A_315 = arith.constant 0 : i32
      %dma_wait3A_316 = arith.constant 0 : i32
      %dma_wait3A_317 = tpu.memref_slice %arg6[%dma_wait3A_313, %dma_wait3A_314, %dma_wait3A_315, %dma_wait3A_316] : memref<2x8x50x64xf32, #tpu.memory_space<vmem>> -> memref<1x1x50x64xf32, #tpu.memory_space<vmem>>
      %dma_wait3A_318 = tpu.memref_squeeze %dma_wait3A_317 : memref<1x1x50x64xf32, #tpu.memory_space<vmem>> -> memref<50x64xf32, #tpu.memory_space<vmem>>
      %dma_wait3A_319 = arith.constant 0 : i32
      %dma_wait3A_320 = tpu.memref_slice %arg5[%dma_wait3A_311, %dma_wait3A_312, %dma_wait3A_319] : memref<2x8x50xi32, #tpu.memory_space<vmem>> -> memref<1x1x50xi32, #tpu.memory_space<vmem>>
      %dma_wait3A_321 = tpu.memref_squeeze %dma_wait3A_320 : memref<1x1x50xi32, #tpu.memory_space<vmem>> -> memref<50xi32, #tpu.memory_space<vmem>>
      %dma_wait3A_322 = arith.constant 0 : i32
      %dma_wait3A_323 = arith.constant 0 : i32
      %dma_wait3A_324 = tpu.memref_slice %arg3[%dma_wait3A_322, %dma_wait3A_323] : memref<1000000x64xf32, #tpu.memory_space<hbm>> -> memref<1000000x64xf32, #tpu.memory_space<hbm>>
      tpu.wait_indirect_dma semaphore(%arg8 : memref<!tpu.dma_semaphore, #tpu.memory_space<semaphore_mem>>) src(%dma_wait3A_324 : memref<1000000x64xf32, #tpu.memory_space<hbm>>) dst(%dma_wait3A_318 : memref<50x64xf32, #tpu.memory_space<vmem>>)
      %dma_wait3A_325 = arith.constant 0 : i32
      %dma_wait3A_326 = arith.constant 6 : i32
      %dma_wait3A_327 = arith.constant 0 : i32
      %dma_wait3A_328 = arith.constant 6 : i32
      %dma_wait3A_329 = arith.constant 0 : i32
      %dma_wait3A_330 = arith.constant 0 : i32
      %dma_wait3A_331 = tpu.memref_slice %arg6[%dma_wait3A_327, %dma_wait3A_328, %dma_wait3A_329, %dma_wait3A_330] : memref<2x8x50x64xf32, #tpu.memory_space<vmem>> -> memref<1x1x50x64xf32, #tpu.memory_space<vmem>>
      %dma_wait3A_332 = tpu.memref_squeeze %dma_wait3A_331 : memref<1x1x50x64xf32, #tpu.memory_space<vmem>> -> memref<50x64xf32, #tpu.memory_space<vmem>>
      %dma_wait3A_333 = arith.constant 0 : i32
      %dma_wait3A_334 = tpu.memref_slice %arg5[%dma_wait3A_325, %dma_wait3A_326, %dma_wait3A_333] : memref<2x8x50xi32, #tpu.memory_space<vmem>> -> memref<1x1x50xi32, #tpu.memory_space<vmem>>
      %dma_wait3A_335 = tpu.memref_squeeze %dma_wait3A_334 : memref<1x1x50xi32, #tpu.memory_space<vmem>> -> memref<50xi32, #tpu.memory_space<vmem>>
      %dma_wait3A_336 = arith.constant 0 : i32
      %dma_wait3A_337 = arith.constant 0 : i32
      %dma_wait3A_338 = tpu.memref_slice %arg3[%dma_wait3A_336, %dma_wait3A_337] : memref<1000000x64xf32, #tpu.memory_space<hbm>> -> memref<1000000x64xf32, #tpu.memory_space<hbm>>
      tpu.wait_indirect_dma semaphore(%arg8 : memref<!tpu.dma_semaphore, #tpu.memory_space<semaphore_mem>>) src(%dma_wait3A_338 : memref<1000000x64xf32, #tpu.memory_space<hbm>>) dst(%dma_wait3A_332 : memref<50x64xf32, #tpu.memory_space<vmem>>)
      %dma_wait3A_339 = arith.constant 0 : i32
      %dma_wait3A_340 = arith.constant 7 : i32
      %dma_wait3A_341 = arith.constant 0 : i32
      %dma_wait3A_342 = arith.constant 7 : i32
      %dma_wait3A_343 = arith.constant 0 : i32
      %dma_wait3A_344 = arith.constant 0 : i32
      %dma_wait3A_345 = tpu.memref_slice %arg6[%dma_wait3A_341, %dma_wait3A_342, %dma_wait3A_343, %dma_wait3A_344] : memref<2x8x50x64xf32, #tpu.memory_space<vmem>> -> memref<1x1x50x64xf32, #tpu.memory_space<vmem>>
      %dma_wait3A_346 = tpu.memref_squeeze %dma_wait3A_345 : memref<1x1x50x64xf32, #tpu.memory_space<vmem>> -> memref<50x64xf32, #tpu.memory_space<vmem>>
      %dma_wait3A_347 = arith.constant 0 : i32
      %dma_wait3A_348 = tpu.memref_slice %arg5[%dma_wait3A_339, %dma_wait3A_340, %dma_wait3A_347] : memref<2x8x50xi32, #tpu.memory_space<vmem>> -> memref<1x1x50xi32, #tpu.memory_space<vmem>>
      %dma_wait3A_349 = tpu.memref_squeeze %dma_wait3A_348 : memref<1x1x50xi32, #tpu.memory_space<vmem>> -> memref<50xi32, #tpu.memory_space<vmem>>
      %dma_wait3A_350 = arith.constant 0 : i32
      %dma_wait3A_351 = arith.constant 0 : i32
      %dma_wait3A_352 = tpu.memref_slice %arg3[%dma_wait3A_350, %dma_wait3A_351] : memref<1000000x64xf32, #tpu.memory_space<hbm>> -> memref<1000000x64xf32, #tpu.memory_space<hbm>>
      tpu.wait_indirect_dma semaphore(%arg8 : memref<!tpu.dma_semaphore, #tpu.memory_space<semaphore_mem>>) src(%dma_wait3A_352 : memref<1000000x64xf32, #tpu.memory_space<hbm>>) dst(%dma_wait3A_346 : memref<50x64xf32, #tpu.memory_space<vmem>>)
      %broadcast_in_dim3A = arith.constant 0.000000e+00 : f32
      %broadcast_in_dim3A_353 = vector.broadcast %broadcast_in_dim3A : f32 to vector<16xf32>
      %scan3A_354 = arith.constant 0 : i32
      %scan3A_355 = arith.constant 50 : i32
      %scan3A_356 = arith.addi %scan3A_354, %scan3A_355 : i32
      %scan3A_357 = arith.constant 1 : i32
      %scan3A_358:4 = scf.for %scan3A_987 = %scan3A_354 to %scan3A_356 step %scan3A_357 iter_args(%scan3A_988 = %broadcast_in_dim3A_353, %scan3A_989 = %broadcast_in_dim3A_353, %scan3A_990 = %broadcast_in_dim3A_353, %scan3A_991 = %broadcast_in_dim3A_353) -> (vector<16xf32>, vector<16xf32>, vector<16xf32>, vector<16xf32>)  : i32 {
        %get3A = arith.constant 0 : i32
        %get3A_992 = arith.constant 0 : i32
        %get3A_993 = arith.index_cast %get3A : i32 to index
        %get3A_994 = arith.index_cast %get3A_992 : i32 to index
        %get3A_995 = arith.index_cast %scan3A_987 : i32 to index
        %get3A_996 = arith.constant 0 : index
        %get3A_997 = tpu.vector_load %arg6[%get3A_993, %get3A_994, %get3A_995, %get3A_996] {strides = array<i32>} : memref<2x8x50x64xf32, #tpu.memory_space<vmem>>, vector<1x1x1x16xf32>,
        %get3A_998 = vector.shape_cast %get3A_997 : vector<1x1x1x16xf32> to vector<16xf32>
        %add3A_999 = arith.addf %scan3A_988, %get3A_998 : vector<16xf32>
        %get3A_1000 = arith.constant 0 : i32
        %get3A_1001 = arith.constant 0 : i32
        %get3A_1002 = arith.index_cast %get3A_1000 : i32 to index
        %get3A_1003 = arith.index_cast %get3A_1001 : i32 to index
        %get3A_1004 = arith.index_cast %scan3A_987 : i32 to index
        %get3A_1005 = arith.constant 16 : index
        %get3A_1006 = tpu.vector_load %arg6[%get3A_1002, %get3A_1003, %get3A_1004, %get3A_1005] {strides = array<i32>} : memref<2x8x50x64xf32, #tpu.memory_space<vmem>>, vector<1x1x1x16xf32>,
        %get3A_1007 = vector.shape_cast %get3A_1006 : vector<1x1x1x16xf32> to vector<16xf32>
        %add3A_1008 = arith.addf %scan3A_989, %get3A_1007 : vector<16xf32>
        %get3A_1009 = arith.constant 0 : i32
        %get3A_1010 = arith.constant 0 : i32
        %get3A_1011 = arith.index_cast %get3A_1009 : i32 to index
        %get3A_1012 = arith.index_cast %get3A_1010 : i32 to index
        %get3A_1013 = arith.index_cast %scan3A_987 : i32 to index
        %get3A_1014 = arith.constant 32 : index
        %get3A_1015 = tpu.vector_load %arg6[%get3A_1011, %get3A_1012, %get3A_1013, %get3A_1014] {strides = array<i32>} : memref<2x8x50x64xf32, #tpu.memory_space<vmem>>, vector<1x1x1x16xf32>,
        %get3A_1016 = vector.shape_cast %get3A_1015 : vector<1x1x1x16xf32> to vector<16xf32>
        %add3A_1017 = arith.addf %scan3A_990, %get3A_1016 : vector<16xf32>
        %get3A_1018 = arith.constant 0 : i32
        %get3A_1019 = arith.constant 0 : i32
        %get3A_1020 = arith.index_cast %get3A_1018 : i32 to index
        %get3A_1021 = arith.index_cast %get3A_1019 : i32 to index
        %get3A_1022 = arith.index_cast %scan3A_987 : i32 to index
        %get3A_1023 = arith.constant 48 : index
        %get3A_1024 = tpu.vector_load %arg6[%get3A_1020, %get3A_1021, %get3A_1022, %get3A_1023] {strides = array<i32>} : memref<2x8x50x64xf32, #tpu.memory_space<vmem>>, vector<1x1x1x16xf32>,
        %get3A_1025 = vector.shape_cast %get3A_1024 : vector<1x1x1x16xf32> to vector<16xf32>
        %add3A_1026 = arith.addf %scan3A_991, %get3A_1025 : vector<16xf32>
        scf.yield %add3A_999, %add3A_1008, %add3A_1017, %add3A_1026 : vector<16xf32>, vector<16xf32>, vector<16xf32>, vector<16xf32>
      }
      %scan3A_359 = arith.constant 50 : i32
      %swap3A = arith.constant 0 : i32
      %swap3A_360 = arith.index_cast %swap3A : i32 to index
      %swap3A_361 = arith.constant 0 : index
      %swap3A_362 = tpu.vector_load %arg7[%swap3A_360, %swap3A_361] {strides = array<i32>} : memref<8x64xf32, #tpu.memory_space<vmem>>, vector<1x16xf32>,
      %swap3A_363 = vector.shape_cast %swap3A_362 : vector<1x16xf32> to vector<16xf32>
      %swap3A_364 = vector.shape_cast %scan3A_358#0 : vector<16xf32> to vector<1x16xf32>
      tpu.vector_store %arg7[%swap3A_360, %swap3A_361], %swap3A_364 {strides = array<i32>} : memref<8x64xf32, #tpu.memory_space<vmem>>, vector<1x16xf32>,
      %swap3A_365 = arith.constant 0 : i32
      %swap3A_366 = arith.index_cast %swap3A_365 : i32 to index
      %swap3A_367 = arith.constant 16 : index
      %swap3A_368 = tpu.vector_load %arg7[%swap3A_366, %swap3A_367] {strides = array<i32>} : memref<8x64xf32, #tpu.memory_space<vmem>>, vector<1x16xf32>,
      %swap3A_369 = vector.shape_cast %swap3A_368 : vector<1x16xf32> to vector<16xf32>
      %swap3A_370 = vector.shape_cast %scan3A_358#1 : vector<16xf32> to vector<1x16xf32>
      tpu.vector_store %arg7[%swap3A_366, %swap3A_367], %swap3A_370 {strides = array<i32>} : memref<8x64xf32, #tpu.memory_space<vmem>>, vector<1x16xf32>,
      %swap3A_371 = arith.constant 0 : i32
      %swap3A_372 = arith.index_cast %swap3A_371 : i32 to index
      %swap3A_373 = arith.constant 32 : index
      %swap3A_374 = tpu.vector_load %arg7[%swap3A_372, %swap3A_373] {strides = array<i32>} : memref<8x64xf32, #tpu.memory_space<vmem>>, vector<1x16xf32>,
      %swap3A_375 = vector.shape_cast %swap3A_374 : vector<1x16xf32> to vector<16xf32>
      %swap3A_376 = vector.shape_cast %scan3A_358#2 : vector<16xf32> to vector<1x16xf32>
      tpu.vector_store %arg7[%swap3A_372, %swap3A_373], %swap3A_376 {strides = array<i32>} : memref<8x64xf32, #tpu.memory_space<vmem>>, vector<1x16xf32>,
      %swap3A_377 = arith.constant 0 : i32
      %swap3A_378 = arith.index_cast %swap3A_377 : i32 to index
      %swap3A_379 = arith.constant 48 : index
      %swap3A_380 = tpu.vector_load %arg7[%swap3A_378, %swap3A_379] {strides = array<i32>} : memref<8x64xf32, #tpu.memory_space<vmem>>, vector<1x16xf32>,
      %swap3A_381 = vector.shape_cast %swap3A_380 : vector<1x16xf32> to vector<16xf32>
      %swap3A_382 = vector.shape_cast %scan3A_358#3 : vector<16xf32> to vector<1x16xf32>
      tpu.vector_store %arg7[%swap3A_378, %swap3A_379], %swap3A_382 {strides = array<i32>} : memref<8x64xf32, #tpu.memory_space<vmem>>, vector<1x16xf32>,
      %broadcast_in_dim3A_383 = arith.constant 0.000000e+00 : f32
      %broadcast_in_dim3A_384 = vector.broadcast %broadcast_in_dim3A_383 : f32 to vector<16xf32>
      %scan3A_385 = arith.constant 0 : i32
      %scan3A_386 = arith.constant 50 : i32
      %scan3A_387 = arith.addi %scan3A_385, %scan3A_386 : i32
      %scan3A_388 = arith.constant 1 : i32
      %scan3A_389:4 = scf.for %scan3A_987 = %scan3A_385 to %scan3A_387 step %scan3A_388 iter_args(%scan3A_988 = %broadcast_in_dim3A_384, %scan3A_989 = %broadcast_in_dim3A_384, %scan3A_990 = %broadcast_in_dim3A_384, %scan3A_991 = %broadcast_in_dim3A_384) -> (vector<16xf32>, vector<16xf32>, vector<16xf32>, vector<16xf32>)  : i32 {
        %get3A = arith.constant 0 : i32
        %get3A_992 = arith.constant 1 : i32
        %get3A_993 = arith.index_cast %get3A : i32 to index
        %get3A_994 = arith.index_cast %get3A_992 : i32 to index
        %get3A_995 = arith.index_cast %scan3A_987 : i32 to index
        %get3A_996 = arith.constant 0 : index
        %get3A_997 = tpu.vector_load %arg6[%get3A_993, %get3A_994, %get3A_995, %get3A_996] {strides = array<i32>} : memref<2x8x50x64xf32, #tpu.memory_space<vmem>>, vector<1x1x1x16xf32>,
        %get3A_998 = vector.shape_cast %get3A_997 : vector<1x1x1x16xf32> to vector<16xf32>
        %add3A_999 = arith.addf %scan3A_988, %get3A_998 : vector<16xf32>
        %get3A_1000 = arith.constant 0 : i32
        %get3A_1001 = arith.constant 1 : i32
        %get3A_1002 = arith.index_cast %get3A_1000 : i32 to index
        %get3A_1003 = arith.index_cast %get3A_1001 : i32 to index
        %get3A_1004 = arith.index_cast %scan3A_987 : i32 to index
        %get3A_1005 = arith.constant 16 : index
        %get3A_1006 = tpu.vector_load %arg6[%get3A_1002, %get3A_1003, %get3A_1004, %get3A_1005] {strides = array<i32>} : memref<2x8x50x64xf32, #tpu.memory_space<vmem>>, vector<1x1x1x16xf32>,
        %get3A_1007 = vector.shape_cast %get3A_1006 : vector<1x1x1x16xf32> to vector<16xf32>
        %add3A_1008 = arith.addf %scan3A_989, %get3A_1007 : vector<16xf32>
        %get3A_1009 = arith.constant 0 : i32
        %get3A_1010 = arith.constant 1 : i32
        %get3A_1011 = arith.index_cast %get3A_1009 : i32 to index
        %get3A_1012 = arith.index_cast %get3A_1010 : i32 to index
        %get3A_1013 = arith.index_cast %scan3A_987 : i32 to index
        %get3A_1014 = arith.constant 32 : index
        %get3A_1015 = tpu.vector_load %arg6[%get3A_1011, %get3A_1012, %get3A_1013, %get3A_1014] {strides = array<i32>} : memref<2x8x50x64xf32, #tpu.memory_space<vmem>>, vector<1x1x1x16xf32>,
        %get3A_1016 = vector.shape_cast %get3A_1015 : vector<1x1x1x16xf32> to vector<16xf32>
        %add3A_1017 = arith.addf %scan3A_990, %get3A_1016 : vector<16xf32>
        %get3A_1018 = arith.constant 0 : i32
        %get3A_1019 = arith.constant 1 : i32
        %get3A_1020 = arith.index_cast %get3A_1018 : i32 to index
        %get3A_1021 = arith.index_cast %get3A_1019 : i32 to index
        %get3A_1022 = arith.index_cast %scan3A_987 : i32 to index
        %get3A_1023 = arith.constant 48 : index
        %get3A_1024 = tpu.vector_load %arg6[%get3A_1020, %get3A_1021, %get3A_1022, %get3A_1023] {strides = array<i32>} : memref<2x8x50x64xf32, #tpu.memory_space<vmem>>, vector<1x1x1x16xf32>,
        %get3A_1025 = vector.shape_cast %get3A_1024 : vector<1x1x1x16xf32> to vector<16xf32>
        %add3A_1026 = arith.addf %scan3A_991, %get3A_1025 : vector<16xf32>
        scf.yield %add3A_999, %add3A_1008, %add3A_1017, %add3A_1026 : vector<16xf32>, vector<16xf32>, vector<16xf32>, vector<16xf32>
      }
      %scan3A_390 = arith.constant 50 : i32
      %swap3A_391 = arith.constant 1 : i32
      %swap3A_392 = arith.index_cast %swap3A_391 : i32 to index
      %swap3A_393 = arith.constant 0 : index
      %swap3A_394 = tpu.vector_load %arg7[%swap3A_392, %swap3A_393] {strides = array<i32>} : memref<8x64xf32, #tpu.memory_space<vmem>>, vector<1x16xf32>,
      %swap3A_395 = vector.shape_cast %swap3A_394 : vector<1x16xf32> to vector<16xf32>
      %swap3A_396 = vector.shape_cast %scan3A_389#0 : vector<16xf32> to vector<1x16xf32>
      tpu.vector_store %arg7[%swap3A_392, %swap3A_393], %swap3A_396 {strides = array<i32>} : memref<8x64xf32, #tpu.memory_space<vmem>>, vector<1x16xf32>,
      %swap3A_397 = arith.constant 1 : i32
      %swap3A_398 = arith.index_cast %swap3A_397 : i32 to index
      %swap3A_399 = arith.constant 16 : index
      %swap3A_400 = tpu.vector_load %arg7[%swap3A_398, %swap3A_399] {strides = array<i32>} : memref<8x64xf32, #tpu.memory_space<vmem>>, vector<1x16xf32>,
      %swap3A_401 = vector.shape_cast %swap3A_400 : vector<1x16xf32> to vector<16xf32>
      %swap3A_402 = vector.shape_cast %scan3A_389#1 : vector<16xf32> to vector<1x16xf32>
      tpu.vector_store %arg7[%swap3A_398, %swap3A_399], %swap3A_402 {strides = array<i32>} : memref<8x64xf32, #tpu.memory_space<vmem>>, vector<1x16xf32>,
      %swap3A_403 = arith.constant 1 : i32
      %swap3A_404 = arith.index_cast %swap3A_403 : i32 to index
      %swap3A_405 = arith.constant 32 : index
      %swap3A_406 = tpu.vector_load %arg7[%swap3A_404, %swap3A_405] {strides = array<i32>} : memref<8x64xf32, #tpu.memory_space<vmem>>, vector<1x16xf32>,
      %swap3A_407 = vector.shape_cast %swap3A_406 : vector<1x16xf32> to vector<16xf32>
      %swap3A_408 = vector.shape_cast %scan3A_389#2 : vector<16xf32> to vector<1x16xf32>
      tpu.vector_store %arg7[%swap3A_404, %swap3A_405], %swap3A_408 {strides = array<i32>} : memref<8x64xf32, #tpu.memory_space<vmem>>, vector<1x16xf32>,
      %swap3A_409 = arith.constant 1 : i32
      %swap3A_410 = arith.index_cast %swap3A_409 : i32 to index
      %swap3A_411 = arith.constant 48 : index
      %swap3A_412 = tpu.vector_load %arg7[%swap3A_410, %swap3A_411] {strides = array<i32>} : memref<8x64xf32, #tpu.memory_space<vmem>>, vector<1x16xf32>,
      %swap3A_413 = vector.shape_cast %swap3A_412 : vector<1x16xf32> to vector<16xf32>
      %swap3A_414 = vector.shape_cast %scan3A_389#3 : vector<16xf32> to vector<1x16xf32>
      tpu.vector_store %arg7[%swap3A_410, %swap3A_411], %swap3A_414 {strides = array<i32>} : memref<8x64xf32, #tpu.memory_space<vmem>>, vector<1x16xf32>,
      %broadcast_in_dim3A_415 = arith.constant 0.000000e+00 : f32
      %broadcast_in_dim3A_416 = vector.broadcast %broadcast_in_dim3A_415 : f32 to vector<16xf32>
      %scan3A_417 = arith.constant 0 : i32
      %scan3A_418 = arith.constant 50 : i32
      %scan3A_419 = arith.addi %scan3A_417, %scan3A_418 : i32
      %scan3A_420 = arith.constant 1 : i32
      %scan3A_421:4 = scf.for %scan3A_987 = %scan3A_417 to %scan3A_419 step %scan3A_420 iter_args(%scan3A_988 = %broadcast_in_dim3A_416, %scan3A_989 = %broadcast_in_dim3A_416, %scan3A_990 = %broadcast_in_dim3A_416, %scan3A_991 = %broadcast_in_dim3A_416) -> (vector<16xf32>, vector<16xf32>, vector<16xf32>, vector<16xf32>)  : i32 {
        %get3A = arith.constant 0 : i32
        %get3A_992 = arith.constant 2 : i32
        %get3A_993 = arith.index_cast %get3A : i32 to index
        %get3A_994 = arith.index_cast %get3A_992 : i32 to index
        %get3A_995 = arith.index_cast %scan3A_987 : i32 to index
        %get3A_996 = arith.constant 0 : index
        %get3A_997 = tpu.vector_load %arg6[%get3A_993, %get3A_994, %get3A_995, %get3A_996] {strides = array<i32>} : memref<2x8x50x64xf32, #tpu.memory_space<vmem>>, vector<1x1x1x16xf32>,
        %get3A_998 = vector.shape_cast %get3A_997 : vector<1x1x1x16xf32> to vector<16xf32>
        %add3A_999 = arith.addf %scan3A_988, %get3A_998 : vector<16xf32>
        %get3A_1000 = arith.constant 0 : i32
        %get3A_1001 = arith.constant 2 : i32
        %get3A_1002 = arith.index_cast %get3A_1000 : i32 to index
        %get3A_1003 = arith.index_cast %get3A_1001 : i32 to index
        %get3A_1004 = arith.index_cast %scan3A_987 : i32 to index
        %get3A_1005 = arith.constant 16 : index
        %get3A_1006 = tpu.vector_load %arg6[%get3A_1002, %get3A_1003, %get3A_1004, %get3A_1005] {strides = array<i32>} : memref<2x8x50x64xf32, #tpu.memory_space<vmem>>, vector<1x1x1x16xf32>,
        %get3A_1007 = vector.shape_cast %get3A_1006 : vector<1x1x1x16xf32> to vector<16xf32>
        %add3A_1008 = arith.addf %scan3A_989, %get3A_1007 : vector<16xf32>
        %get3A_1009 = arith.constant 0 : i32
        %get3A_1010 = arith.constant 2 : i32
        %get3A_1011 = arith.index_cast %get3A_1009 : i32 to index
        %get3A_1012 = arith.index_cast %get3A_1010 : i32 to index
        %get3A_1013 = arith.index_cast %scan3A_987 : i32 to index
        %get3A_1014 = arith.constant 32 : index
        %get3A_1015 = tpu.vector_load %arg6[%get3A_1011, %get3A_1012, %get3A_1013, %get3A_1014] {strides = array<i32>} : memref<2x8x50x64xf32, #tpu.memory_space<vmem>>, vector<1x1x1x16xf32>,
        %get3A_1016 = vector.shape_cast %get3A_1015 : vector<1x1x1x16xf32> to vector<16xf32>
        %add3A_1017 = arith.addf %scan3A_990, %get3A_1016 : vector<16xf32>
        %get3A_1018 = arith.constant 0 : i32
        %get3A_1019 = arith.constant 2 : i32
        %get3A_1020 = arith.index_cast %get3A_1018 : i32 to index
        %get3A_1021 = arith.index_cast %get3A_1019 : i32 to index
        %get3A_1022 = arith.index_cast %scan3A_987 : i32 to index
        %get3A_1023 = arith.constant 48 : index
        %get3A_1024 = tpu.vector_load %arg6[%get3A_1020, %get3A_1021, %get3A_1022, %get3A_1023] {strides = array<i32>} : memref<2x8x50x64xf32, #tpu.memory_space<vmem>>, vector<1x1x1x16xf32>,
        %get3A_1025 = vector.shape_cast %get3A_1024 : vector<1x1x1x16xf32> to vector<16xf32>
        %add3A_1026 = arith.addf %scan3A_991, %get3A_1025 : vector<16xf32>
        scf.yield %add3A_999, %add3A_1008, %add3A_1017, %add3A_1026 : vector<16xf32>, vector<16xf32>, vector<16xf32>, vector<16xf32>
      }
      %scan3A_422 = arith.constant 50 : i32
      %swap3A_423 = arith.constant 2 : i32
      %swap3A_424 = arith.index_cast %swap3A_423 : i32 to index
      %swap3A_425 = arith.constant 0 : index
      %swap3A_426 = tpu.vector_load %arg7[%swap3A_424, %swap3A_425] {strides = array<i32>} : memref<8x64xf32, #tpu.memory_space<vmem>>, vector<1x16xf32>,
      %swap3A_427 = vector.shape_cast %swap3A_426 : vector<1x16xf32> to vector<16xf32>
      %swap3A_428 = vector.shape_cast %scan3A_421#0 : vector<16xf32> to vector<1x16xf32>
      tpu.vector_store %arg7[%swap3A_424, %swap3A_425], %swap3A_428 {strides = array<i32>} : memref<8x64xf32, #tpu.memory_space<vmem>>, vector<1x16xf32>,
      %swap3A_429 = arith.constant 2 : i32
      %swap3A_430 = arith.index_cast %swap3A_429 : i32 to index
      %swap3A_431 = arith.constant 16 : index
      %swap3A_432 = tpu.vector_load %arg7[%swap3A_430, %swap3A_431] {strides = array<i32>} : memref<8x64xf32, #tpu.memory_space<vmem>>, vector<1x16xf32>,
      %swap3A_433 = vector.shape_cast %swap3A_432 : vector<1x16xf32> to vector<16xf32>
      %swap3A_434 = vector.shape_cast %scan3A_421#1 : vector<16xf32> to vector<1x16xf32>
      tpu.vector_store %arg7[%swap3A_430, %swap3A_431], %swap3A_434 {strides = array<i32>} : memref<8x64xf32, #tpu.memory_space<vmem>>, vector<1x16xf32>,
      %swap3A_435 = arith.constant 2 : i32
      %swap3A_436 = arith.index_cast %swap3A_435 : i32 to index
      %swap3A_437 = arith.constant 32 : index
      %swap3A_438 = tpu.vector_load %arg7[%swap3A_436, %swap3A_437] {strides = array<i32>} : memref<8x64xf32, #tpu.memory_space<vmem>>, vector<1x16xf32>,
      %swap3A_439 = vector.shape_cast %swap3A_438 : vector<1x16xf32> to vector<16xf32>
      %swap3A_440 = vector.shape_cast %scan3A_421#2 : vector<16xf32> to vector<1x16xf32>
      tpu.vector_store %arg7[%swap3A_436, %swap3A_437], %swap3A_440 {strides = array<i32>} : memref<8x64xf32, #tpu.memory_space<vmem>>, vector<1x16xf32>,
      %swap3A_441 = arith.constant 2 : i32
      %swap3A_442 = arith.index_cast %swap3A_441 : i32 to index
      %swap3A_443 = arith.constant 48 : index
      %swap3A_444 = tpu.vector_load %arg7[%swap3A_442, %swap3A_443] {strides = array<i32>} : memref<8x64xf32, #tpu.memory_space<vmem>>, vector<1x16xf32>,
      %swap3A_445 = vector.shape_cast %swap3A_444 : vector<1x16xf32> to vector<16xf32>
      %swap3A_446 = vector.shape_cast %scan3A_421#3 : vector<16xf32> to vector<1x16xf32>
      tpu.vector_store %arg7[%swap3A_442, %swap3A_443], %swap3A_446 {strides = array<i32>} : memref<8x64xf32, #tpu.memory_space<vmem>>, vector<1x16xf32>,
      %broadcast_in_dim3A_447 = arith.constant 0.000000e+00 : f32
      %broadcast_in_dim3A_448 = vector.broadcast %broadcast_in_dim3A_447 : f32 to vector<16xf32>
      %scan3A_449 = arith.constant 0 : i32
      %scan3A_450 = arith.constant 50 : i32
      %scan3A_451 = arith.addi %scan3A_449, %scan3A_450 : i32
      %scan3A_452 = arith.constant 1 : i32
      %scan3A_453:4 = scf.for %scan3A_987 = %scan3A_449 to %scan3A_451 step %scan3A_452 iter_args(%scan3A_988 = %broadcast_in_dim3A_448, %scan3A_989 = %broadcast_in_dim3A_448, %scan3A_990 = %broadcast_in_dim3A_448, %scan3A_991 = %broadcast_in_dim3A_448) -> (vector<16xf32>, vector<16xf32>, vector<16xf32>, vector<16xf32>)  : i32 {
        %get3A = arith.constant 0 : i32
        %get3A_992 = arith.constant 3 : i32
        %get3A_993 = arith.index_cast %get3A : i32 to index
        %get3A_994 = arith.index_cast %get3A_992 : i32 to index
        %get3A_995 = arith.index_cast %scan3A_987 : i32 to index
        %get3A_996 = arith.constant 0 : index
        %get3A_997 = tpu.vector_load %arg6[%get3A_993, %get3A_994, %get3A_995, %get3A_996] {strides = array<i32>} : memref<2x8x50x64xf32, #tpu.memory_space<vmem>>, vector<1x1x1x16xf32>,
        %get3A_998 = vector.shape_cast %get3A_997 : vector<1x1x1x16xf32> to vector<16xf32>
        %add3A_999 = arith.addf %scan3A_988, %get3A_998 : vector<16xf32>
        %get3A_1000 = arith.constant 0 : i32
        %get3A_1001 = arith.constant 3 : i32
        %get3A_1002 = arith.index_cast %get3A_1000 : i32 to index
        %get3A_1003 = arith.index_cast %get3A_1001 : i32 to index
        %get3A_1004 = arith.index_cast %scan3A_987 : i32 to index
        %get3A_1005 = arith.constant 16 : index
        %get3A_1006 = tpu.vector_load %arg6[%get3A_1002, %get3A_1003, %get3A_1004, %get3A_1005] {strides = array<i32>} : memref<2x8x50x64xf32, #tpu.memory_space<vmem>>, vector<1x1x1x16xf32>,
        %get3A_1007 = vector.shape_cast %get3A_1006 : vector<1x1x1x16xf32> to vector<16xf32>
        %add3A_1008 = arith.addf %scan3A_989, %get3A_1007 : vector<16xf32>
        %get3A_1009 = arith.constant 0 : i32
        %get3A_1010 = arith.constant 3 : i32
        %get3A_1011 = arith.index_cast %get3A_1009 : i32 to index
        %get3A_1012 = arith.index_cast %get3A_1010 : i32 to index
        %get3A_1013 = arith.index_cast %scan3A_987 : i32 to index
        %get3A_1014 = arith.constant 32 : index
        %get3A_1015 = tpu.vector_load %arg6[%get3A_1011, %get3A_1012, %get3A_1013, %get3A_1014] {strides = array<i32>} : memref<2x8x50x64xf32, #tpu.memory_space<vmem>>, vector<1x1x1x16xf32>,
        %get3A_1016 = vector.shape_cast %get3A_1015 : vector<1x1x1x16xf32> to vector<16xf32>
        %add3A_1017 = arith.addf %scan3A_990, %get3A_1016 : vector<16xf32>
        %get3A_1018 = arith.constant 0 : i32
        %get3A_1019 = arith.constant 3 : i32
        %get3A_1020 = arith.index_cast %get3A_1018 : i32 to index
        %get3A_1021 = arith.index_cast %get3A_1019 : i32 to index
        %get3A_1022 = arith.index_cast %scan3A_987 : i32 to index
        %get3A_1023 = arith.constant 48 : index
        %get3A_1024 = tpu.vector_load %arg6[%get3A_1020, %get3A_1021, %get3A_1022, %get3A_1023] {strides = array<i32>} : memref<2x8x50x64xf32, #tpu.memory_space<vmem>>, vector<1x1x1x16xf32>,
        %get3A_1025 = vector.shape_cast %get3A_1024 : vector<1x1x1x16xf32> to vector<16xf32>
        %add3A_1026 = arith.addf %scan3A_991, %get3A_1025 : vector<16xf32>
        scf.yield %add3A_999, %add3A_1008, %add3A_1017, %add3A_1026 : vector<16xf32>, vector<16xf32>, vector<16xf32>, vector<16xf32>
      }
      %scan3A_454 = arith.constant 50 : i32
      %swap3A_455 = arith.constant 3 : i32
      %swap3A_456 = arith.index_cast %swap3A_455 : i32 to index
      %swap3A_457 = arith.constant 0 : index
      %swap3A_458 = tpu.vector_load %arg7[%swap3A_456, %swap3A_457] {strides = array<i32>} : memref<8x64xf32, #tpu.memory_space<vmem>>, vector<1x16xf32>,
      %swap3A_459 = vector.shape_cast %swap3A_458 : vector<1x16xf32> to vector<16xf32>
      %swap3A_460 = vector.shape_cast %scan3A_453#0 : vector<16xf32> to vector<1x16xf32>
      tpu.vector_store %arg7[%swap3A_456, %swap3A_457], %swap3A_460 {strides = array<i32>} : memref<8x64xf32, #tpu.memory_space<vmem>>, vector<1x16xf32>,
      %swap3A_461 = arith.constant 3 : i32
      %swap3A_462 = arith.index_cast %swap3A_461 : i32 to index
      %swap3A_463 = arith.constant 16 : index
      %swap3A_464 = tpu.vector_load %arg7[%swap3A_462, %swap3A_463] {strides = array<i32>} : memref<8x64xf32, #tpu.memory_space<vmem>>, vector<1x16xf32>,
      %swap3A_465 = vector.shape_cast %swap3A_464 : vector<1x16xf32> to vector<16xf32>
      %swap3A_466 = vector.shape_cast %scan3A_453#1 : vector<16xf32> to vector<1x16xf32>
      tpu.vector_store %arg7[%swap3A_462, %swap3A_463], %swap3A_466 {strides = array<i32>} : memref<8x64xf32, #tpu.memory_space<vmem>>, vector<1x16xf32>,
      %swap3A_467 = arith.constant 3 : i32
      %swap3A_468 = arith.index_cast %swap3A_467 : i32 to index
      %swap3A_469 = arith.constant 32 : index
      %swap3A_470 = tpu.vector_load %arg7[%swap3A_468, %swap3A_469] {strides = array<i32>} : memref<8x64xf32, #tpu.memory_space<vmem>>, vector<1x16xf32>,
      %swap3A_471 = vector.shape_cast %swap3A_470 : vector<1x16xf32> to vector<16xf32>
      %swap3A_472 = vector.shape_cast %scan3A_453#2 : vector<16xf32> to vector<1x16xf32>
      tpu.vector_store %arg7[%swap3A_468, %swap3A_469], %swap3A_472 {strides = array<i32>} : memref<8x64xf32, #tpu.memory_space<vmem>>, vector<1x16xf32>,
      %swap3A_473 = arith.constant 3 : i32
      %swap3A_474 = arith.index_cast %swap3A_473 : i32 to index
      %swap3A_475 = arith.constant 48 : index
      %swap3A_476 = tpu.vector_load %arg7[%swap3A_474, %swap3A_475] {strides = array<i32>} : memref<8x64xf32, #tpu.memory_space<vmem>>, vector<1x16xf32>,
      %swap3A_477 = vector.shape_cast %swap3A_476 : vector<1x16xf32> to vector<16xf32>
      %swap3A_478 = vector.shape_cast %scan3A_453#3 : vector<16xf32> to vector<1x16xf32>
      tpu.vector_store %arg7[%swap3A_474, %swap3A_475], %swap3A_478 {strides = array<i32>} : memref<8x64xf32, #tpu.memory_space<vmem>>, vector<1x16xf32>,
      %broadcast_in_dim3A_479 = arith.constant 0.000000e+00 : f32
      %broadcast_in_dim3A_480 = vector.broadcast %broadcast_in_dim3A_479 : f32 to vector<16xf32>
      %scan3A_481 = arith.constant 0 : i32
      %scan3A_482 = arith.constant 50 : i32
      %scan3A_483 = arith.addi %scan3A_481, %scan3A_482 : i32
      %scan3A_484 = arith.constant 1 : i32
      %scan3A_485:4 = scf.for %scan3A_987 = %scan3A_481 to %scan3A_483 step %scan3A_484 iter_args(%scan3A_988 = %broadcast_in_dim3A_480, %scan3A_989 = %broadcast_in_dim3A_480, %scan3A_990 = %broadcast_in_dim3A_480, %scan3A_991 = %broadcast_in_dim3A_480) -> (vector<16xf32>, vector<16xf32>, vector<16xf32>, vector<16xf32>)  : i32 {
        %get3A = arith.constant 0 : i32
        %get3A_992 = arith.constant 4 : i32
        %get3A_993 = arith.index_cast %get3A : i32 to index
        %get3A_994 = arith.index_cast %get3A_992 : i32 to index
        %get3A_995 = arith.index_cast %scan3A_987 : i32 to index
        %get3A_996 = arith.constant 0 : index
        %get3A_997 = tpu.vector_load %arg6[%get3A_993, %get3A_994, %get3A_995, %get3A_996] {strides = array<i32>} : memref<2x8x50x64xf32, #tpu.memory_space<vmem>>, vector<1x1x1x16xf32>,
        %get3A_998 = vector.shape_cast %get3A_997 : vector<1x1x1x16xf32> to vector<16xf32>
        %add3A_999 = arith.addf %scan3A_988, %get3A_998 : vector<16xf32>
        %get3A_1000 = arith.constant 0 : i32
        %get3A_1001 = arith.constant 4 : i32
        %get3A_1002 = arith.index_cast %get3A_1000 : i32 to index
        %get3A_1003 = arith.index_cast %get3A_1001 : i32 to index
        %get3A_1004 = arith.index_cast %scan3A_987 : i32 to index
        %get3A_1005 = arith.constant 16 : index
        %get3A_1006 = tpu.vector_load %arg6[%get3A_1002, %get3A_1003, %get3A_1004, %get3A_1005] {strides = array<i32>} : memref<2x8x50x64xf32, #tpu.memory_space<vmem>>, vector<1x1x1x16xf32>,
        %get3A_1007 = vector.shape_cast %get3A_1006 : vector<1x1x1x16xf32> to vector<16xf32>
        %add3A_1008 = arith.addf %scan3A_989, %get3A_1007 : vector<16xf32>
        %get3A_1009 = arith.constant 0 : i32
        %get3A_1010 = arith.constant 4 : i32
        %get3A_1011 = arith.index_cast %get3A_1009 : i32 to index
        %get3A_1012 = arith.index_cast %get3A_1010 : i32 to index
        %get3A_1013 = arith.index_cast %scan3A_987 : i32 to index
        %get3A_1014 = arith.constant 32 : index
        %get3A_1015 = tpu.vector_load %arg6[%get3A_1011, %get3A_1012, %get3A_1013, %get3A_1014] {strides = array<i32>} : memref<2x8x50x64xf32, #tpu.memory_space<vmem>>, vector<1x1x1x16xf32>,
        %get3A_1016 = vector.shape_cast %get3A_1015 : vector<1x1x1x16xf32> to vector<16xf32>
        %add3A_1017 = arith.addf %scan3A_990, %get3A_1016 : vector<16xf32>
        %get3A_1018 = arith.constant 0 : i32
        %get3A_1019 = arith.constant 4 : i32
        %get3A_1020 = arith.index_cast %get3A_1018 : i32 to index
        %get3A_1021 = arith.index_cast %get3A_1019 : i32 to index
        %get3A_1022 = arith.index_cast %scan3A_987 : i32 to index
        %get3A_1023 = arith.constant 48 : index
        %get3A_1024 = tpu.vector_load %arg6[%get3A_1020, %get3A_1021, %get3A_1022, %get3A_1023] {strides = array<i32>} : memref<2x8x50x64xf32, #tpu.memory_space<vmem>>, vector<1x1x1x16xf32>,
        %get3A_1025 = vector.shape_cast %get3A_1024 : vector<1x1x1x16xf32> to vector<16xf32>
        %add3A_1026 = arith.addf %scan3A_991, %get3A_1025 : vector<16xf32>
        scf.yield %add3A_999, %add3A_1008, %add3A_1017, %add3A_1026 : vector<16xf32>, vector<16xf32>, vector<16xf32>, vector<16xf32>
      }
      %scan3A_486 = arith.constant 50 : i32
      %swap3A_487 = arith.constant 4 : i32
      %swap3A_488 = arith.index_cast %swap3A_487 : i32 to index
      %swap3A_489 = arith.constant 0 : index
      %swap3A_490 = tpu.vector_load %arg7[%swap3A_488, %swap3A_489] {strides = array<i32>} : memref<8x64xf32, #tpu.memory_space<vmem>>, vector<1x16xf32>,
      %swap3A_491 = vector.shape_cast %swap3A_490 : vector<1x16xf32> to vector<16xf32>
      %swap3A_492 = vector.shape_cast %scan3A_485#0 : vector<16xf32> to vector<1x16xf32>
      tpu.vector_store %arg7[%swap3A_488, %swap3A_489], %swap3A_492 {strides = array<i32>} : memref<8x64xf32, #tpu.memory_space<vmem>>, vector<1x16xf32>,
      %swap3A_493 = arith.constant 4 : i32
      %swap3A_494 = arith.index_cast %swap3A_493 : i32 to index
      %swap3A_495 = arith.constant 16 : index
      %swap3A_496 = tpu.vector_load %arg7[%swap3A_494, %swap3A_495] {strides = array<i32>} : memref<8x64xf32, #tpu.memory_space<vmem>>, vector<1x16xf32>,
      %swap3A_497 = vector.shape_cast %swap3A_496 : vector<1x16xf32> to vector<16xf32>
      %swap3A_498 = vector.shape_cast %scan3A_485#1 : vector<16xf32> to vector<1x16xf32>
      tpu.vector_store %arg7[%swap3A_494, %swap3A_495], %swap3A_498 {strides = array<i32>} : memref<8x64xf32, #tpu.memory_space<vmem>>, vector<1x16xf32>,
      %swap3A_499 = arith.constant 4 : i32
      %swap3A_500 = arith.index_cast %swap3A_499 : i32 to index
      %swap3A_501 = arith.constant 32 : index
      %swap3A_502 = tpu.vector_load %arg7[%swap3A_500, %swap3A_501] {strides = array<i32>} : memref<8x64xf32, #tpu.memory_space<vmem>>, vector<1x16xf32>,
      %swap3A_503 = vector.shape_cast %swap3A_502 : vector<1x16xf32> to vector<16xf32>
      %swap3A_504 = vector.shape_cast %scan3A_485#2 : vector<16xf32> to vector<1x16xf32>
      tpu.vector_store %arg7[%swap3A_500, %swap3A_501], %swap3A_504 {strides = array<i32>} : memref<8x64xf32, #tpu.memory_space<vmem>>, vector<1x16xf32>,
      %swap3A_505 = arith.constant 4 : i32
      %swap3A_506 = arith.index_cast %swap3A_505 : i32 to index
      %swap3A_507 = arith.constant 48 : index
      %swap3A_508 = tpu.vector_load %arg7[%swap3A_506, %swap3A_507] {strides = array<i32>} : memref<8x64xf32, #tpu.memory_space<vmem>>, vector<1x16xf32>,
      %swap3A_509 = vector.shape_cast %swap3A_508 : vector<1x16xf32> to vector<16xf32>
      %swap3A_510 = vector.shape_cast %scan3A_485#3 : vector<16xf32> to vector<1x16xf32>
      tpu.vector_store %arg7[%swap3A_506, %swap3A_507], %swap3A_510 {strides = array<i32>} : memref<8x64xf32, #tpu.memory_space<vmem>>, vector<1x16xf32>,
      %broadcast_in_dim3A_511 = arith.constant 0.000000e+00 : f32
      %broadcast_in_dim3A_512 = vector.broadcast %broadcast_in_dim3A_511 : f32 to vector<16xf32>
      %scan3A_513 = arith.constant 0 : i32
      %scan3A_514 = arith.constant 50 : i32
      %scan3A_515 = arith.addi %scan3A_513, %scan3A_514 : i32
      %scan3A_516 = arith.constant 1 : i32
      %scan3A_517:4 = scf.for %scan3A_987 = %scan3A_513 to %scan3A_515 step %scan3A_516 iter_args(%scan3A_988 = %broadcast_in_dim3A_512, %scan3A_989 = %broadcast_in_dim3A_512, %scan3A_990 = %broadcast_in_dim3A_512, %scan3A_991 = %broadcast_in_dim3A_512) -> (vector<16xf32>, vector<16xf32>, vector<16xf32>, vector<16xf32>)  : i32 {
        %get3A = arith.constant 0 : i32
        %get3A_992 = arith.constant 5 : i32
        %get3A_993 = arith.index_cast %get3A : i32 to index
        %get3A_994 = arith.index_cast %get3A_992 : i32 to index
        %get3A_995 = arith.index_cast %scan3A_987 : i32 to index
        %get3A_996 = arith.constant 0 : index
        %get3A_997 = tpu.vector_load %arg6[%get3A_993, %get3A_994, %get3A_995, %get3A_996] {strides = array<i32>} : memref<2x8x50x64xf32, #tpu.memory_space<vmem>>, vector<1x1x1x16xf32>,
        %get3A_998 = vector.shape_cast %get3A_997 : vector<1x1x1x16xf32> to vector<16xf32>
        %add3A_999 = arith.addf %scan3A_988, %get3A_998 : vector<16xf32>
        %get3A_1000 = arith.constant 0 : i32
        %get3A_1001 = arith.constant 5 : i32
        %get3A_1002 = arith.index_cast %get3A_1000 : i32 to index
        %get3A_1003 = arith.index_cast %get3A_1001 : i32 to index
        %get3A_1004 = arith.index_cast %scan3A_987 : i32 to index
        %get3A_1005 = arith.constant 16 : index
        %get3A_1006 = tpu.vector_load %arg6[%get3A_1002, %get3A_1003, %get3A_1004, %get3A_1005] {strides = array<i32>} : memref<2x8x50x64xf32, #tpu.memory_space<vmem>>, vector<1x1x1x16xf32>,
        %get3A_1007 = vector.shape_cast %get3A_1006 : vector<1x1x1x16xf32> to vector<16xf32>
        %add3A_1008 = arith.addf %scan3A_989, %get3A_1007 : vector<16xf32>
        %get3A_1009 = arith.constant 0 : i32
        %get3A_1010 = arith.constant 5 : i32
        %get3A_1011 = arith.index_cast %get3A_1009 : i32 to index
        %get3A_1012 = arith.index_cast %get3A_1010 : i32 to index
        %get3A_1013 = arith.index_cast %scan3A_987 : i32 to index
        %get3A_1014 = arith.constant 32 : index
        %get3A_1015 = tpu.vector_load %arg6[%get3A_1011, %get3A_1012, %get3A_1013, %get3A_1014] {strides = array<i32>} : memref<2x8x50x64xf32, #tpu.memory_space<vmem>>, vector<1x1x1x16xf32>,
        %get3A_1016 = vector.shape_cast %get3A_1015 : vector<1x1x1x16xf32> to vector<16xf32>
        %add3A_1017 = arith.addf %scan3A_990, %get3A_1016 : vector<16xf32>
        %get3A_1018 = arith.constant 0 : i32
        %get3A_1019 = arith.constant 5 : i32
        %get3A_1020 = arith.index_cast %get3A_1018 : i32 to index
        %get3A_1021 = arith.index_cast %get3A_1019 : i32 to index
        %get3A_1022 = arith.index_cast %scan3A_987 : i32 to index
        %get3A_1023 = arith.constant 48 : index
        %get3A_1024 = tpu.vector_load %arg6[%get3A_1020, %get3A_1021, %get3A_1022, %get3A_1023] {strides = array<i32>} : memref<2x8x50x64xf32, #tpu.memory_space<vmem>>, vector<1x1x1x16xf32>,
        %get3A_1025 = vector.shape_cast %get3A_1024 : vector<1x1x1x16xf32> to vector<16xf32>
        %add3A_1026 = arith.addf %scan3A_991, %get3A_1025 : vector<16xf32>
        scf.yield %add3A_999, %add3A_1008, %add3A_1017, %add3A_1026 : vector<16xf32>, vector<16xf32>, vector<16xf32>, vector<16xf32>
      }
      %scan3A_518 = arith.constant 50 : i32
      %swap3A_519 = arith.constant 5 : i32
      %swap3A_520 = arith.index_cast %swap3A_519 : i32 to index
      %swap3A_521 = arith.constant 0 : index
      %swap3A_522 = tpu.vector_load %arg7[%swap3A_520, %swap3A_521] {strides = array<i32>} : memref<8x64xf32, #tpu.memory_space<vmem>>, vector<1x16xf32>,
      %swap3A_523 = vector.shape_cast %swap3A_522 : vector<1x16xf32> to vector<16xf32>
      %swap3A_524 = vector.shape_cast %scan3A_517#0 : vector<16xf32> to vector<1x16xf32>
      tpu.vector_store %arg7[%swap3A_520, %swap3A_521], %swap3A_524 {strides = array<i32>} : memref<8x64xf32, #tpu.memory_space<vmem>>, vector<1x16xf32>,
      %swap3A_525 = arith.constant 5 : i32
      %swap3A_526 = arith.index_cast %swap3A_525 : i32 to index
      %swap3A_527 = arith.constant 16 : index
      %swap3A_528 = tpu.vector_load %arg7[%swap3A_526, %swap3A_527] {strides = array<i32>} : memref<8x64xf32, #tpu.memory_space<vmem>>, vector<1x16xf32>,
      %swap3A_529 = vector.shape_cast %swap3A_528 : vector<1x16xf32> to vector<16xf32>
      %swap3A_530 = vector.shape_cast %scan3A_517#1 : vector<16xf32> to vector<1x16xf32>
      tpu.vector_store %arg7[%swap3A_526, %swap3A_527], %swap3A_530 {strides = array<i32>} : memref<8x64xf32, #tpu.memory_space<vmem>>, vector<1x16xf32>,
      %swap3A_531 = arith.constant 5 : i32
      %swap3A_532 = arith.index_cast %swap3A_531 : i32 to index
      %swap3A_533 = arith.constant 32 : index
      %swap3A_534 = tpu.vector_load %arg7[%swap3A_532, %swap3A_533] {strides = array<i32>} : memref<8x64xf32, #tpu.memory_space<vmem>>, vector<1x16xf32>,
      %swap3A_535 = vector.shape_cast %swap3A_534 : vector<1x16xf32> to vector<16xf32>
      %swap3A_536 = vector.shape_cast %scan3A_517#2 : vector<16xf32> to vector<1x16xf32>
      tpu.vector_store %arg7[%swap3A_532, %swap3A_533], %swap3A_536 {strides = array<i32>} : memref<8x64xf32, #tpu.memory_space<vmem>>, vector<1x16xf32>,
      %swap3A_537 = arith.constant 5 : i32
      %swap3A_538 = arith.index_cast %swap3A_537 : i32 to index
      %swap3A_539 = arith.constant 48 : index
      %swap3A_540 = tpu.vector_load %arg7[%swap3A_538, %swap3A_539] {strides = array<i32>} : memref<8x64xf32, #tpu.memory_space<vmem>>, vector<1x16xf32>,
      %swap3A_541 = vector.shape_cast %swap3A_540 : vector<1x16xf32> to vector<16xf32>
      %swap3A_542 = vector.shape_cast %scan3A_517#3 : vector<16xf32> to vector<1x16xf32>
      tpu.vector_store %arg7[%swap3A_538, %swap3A_539], %swap3A_542 {strides = array<i32>} : memref<8x64xf32, #tpu.memory_space<vmem>>, vector<1x16xf32>,
      %broadcast_in_dim3A_543 = arith.constant 0.000000e+00 : f32
      %broadcast_in_dim3A_544 = vector.broadcast %broadcast_in_dim3A_543 : f32 to vector<16xf32>
      %scan3A_545 = arith.constant 0 : i32
      %scan3A_546 = arith.constant 50 : i32
      %scan3A_547 = arith.addi %scan3A_545, %scan3A_546 : i32
      %scan3A_548 = arith.constant 1 : i32
      %scan3A_549:4 = scf.for %scan3A_987 = %scan3A_545 to %scan3A_547 step %scan3A_548 iter_args(%scan3A_988 = %broadcast_in_dim3A_544, %scan3A_989 = %broadcast_in_dim3A_544, %scan3A_990 = %broadcast_in_dim3A_544, %scan3A_991 = %broadcast_in_dim3A_544) -> (vector<16xf32>, vector<16xf32>, vector<16xf32>, vector<16xf32>)  : i32 {
        %get3A = arith.constant 0 : i32
        %get3A_992 = arith.constant 6 : i32
        %get3A_993 = arith.index_cast %get3A : i32 to index
        %get3A_994 = arith.index_cast %get3A_992 : i32 to index
        %get3A_995 = arith.index_cast %scan3A_987 : i32 to index
        %get3A_996 = arith.constant 0 : index
        %get3A_997 = tpu.vector_load %arg6[%get3A_993, %get3A_994, %get3A_995, %get3A_996] {strides = array<i32>} : memref<2x8x50x64xf32, #tpu.memory_space<vmem>>, vector<1x1x1x16xf32>,
        %get3A_998 = vector.shape_cast %get3A_997 : vector<1x1x1x16xf32> to vector<16xf32>
        %add3A_999 = arith.addf %scan3A_988, %get3A_998 : vector<16xf32>
        %get3A_1000 = arith.constant 0 : i32
        %get3A_1001 = arith.constant 6 : i32
        %get3A_1002 = arith.index_cast %get3A_1000 : i32 to index
        %get3A_1003 = arith.index_cast %get3A_1001 : i32 to index
        %get3A_1004 = arith.index_cast %scan3A_987 : i32 to index
        %get3A_1005 = arith.constant 16 : index
        %get3A_1006 = tpu.vector_load %arg6[%get3A_1002, %get3A_1003, %get3A_1004, %get3A_1005] {strides = array<i32>} : memref<2x8x50x64xf32, #tpu.memory_space<vmem>>, vector<1x1x1x16xf32>,
        %get3A_1007 = vector.shape_cast %get3A_1006 : vector<1x1x1x16xf32> to vector<16xf32>
        %add3A_1008 = arith.addf %scan3A_989, %get3A_1007 : vector<16xf32>
        %get3A_1009 = arith.constant 0 : i32
        %get3A_1010 = arith.constant 6 : i32
        %get3A_1011 = arith.index_cast %get3A_1009 : i32 to index
        %get3A_1012 = arith.index_cast %get3A_1010 : i32 to index
        %get3A_1013 = arith.index_cast %scan3A_987 : i32 to index
        %get3A_1014 = arith.constant 32 : index
        %get3A_1015 = tpu.vector_load %arg6[%get3A_1011, %get3A_1012, %get3A_1013, %get3A_1014] {strides = array<i32>} : memref<2x8x50x64xf32, #tpu.memory_space<vmem>>, vector<1x1x1x16xf32>,
        %get3A_1016 = vector.shape_cast %get3A_1015 : vector<1x1x1x16xf32> to vector<16xf32>
        %add3A_1017 = arith.addf %scan3A_990, %get3A_1016 : vector<16xf32>
        %get3A_1018 = arith.constant 0 : i32
        %get3A_1019 = arith.constant 6 : i32
        %get3A_1020 = arith.index_cast %get3A_1018 : i32 to index
        %get3A_1021 = arith.index_cast %get3A_1019 : i32 to index
        %get3A_1022 = arith.index_cast %scan3A_987 : i32 to index
        %get3A_1023 = arith.constant 48 : index
        %get3A_1024 = tpu.vector_load %arg6[%get3A_1020, %get3A_1021, %get3A_1022, %get3A_1023] {strides = array<i32>} : memref<2x8x50x64xf32, #tpu.memory_space<vmem>>, vector<1x1x1x16xf32>,
        %get3A_1025 = vector.shape_cast %get3A_1024 : vector<1x1x1x16xf32> to vector<16xf32>
        %add3A_1026 = arith.addf %scan3A_991, %get3A_1025 : vector<16xf32>
        scf.yield %add3A_999, %add3A_1008, %add3A_1017, %add3A_1026 : vector<16xf32>, vector<16xf32>, vector<16xf32>, vector<16xf32>
      }
      %scan3A_550 = arith.constant 50 : i32
      %swap3A_551 = arith.constant 6 : i32
      %swap3A_552 = arith.index_cast %swap3A_551 : i32 to index
      %swap3A_553 = arith.constant 0 : index
      %swap3A_554 = tpu.vector_load %arg7[%swap3A_552, %swap3A_553] {strides = array<i32>} : memref<8x64xf32, #tpu.memory_space<vmem>>, vector<1x16xf32>,
      %swap3A_555 = vector.shape_cast %swap3A_554 : vector<1x16xf32> to vector<16xf32>
      %swap3A_556 = vector.shape_cast %scan3A_549#0 : vector<16xf32> to vector<1x16xf32>
      tpu.vector_store %arg7[%swap3A_552, %swap3A_553], %swap3A_556 {strides = array<i32>} : memref<8x64xf32, #tpu.memory_space<vmem>>, vector<1x16xf32>,
      %swap3A_557 = arith.constant 6 : i32
      %swap3A_558 = arith.index_cast %swap3A_557 : i32 to index
      %swap3A_559 = arith.constant 16 : index
      %swap3A_560 = tpu.vector_load %arg7[%swap3A_558, %swap3A_559] {strides = array<i32>} : memref<8x64xf32, #tpu.memory_space<vmem>>, vector<1x16xf32>,
      %swap3A_561 = vector.shape_cast %swap3A_560 : vector<1x16xf32> to vector<16xf32>
      %swap3A_562 = vector.shape_cast %scan3A_549#1 : vector<16xf32> to vector<1x16xf32>
      tpu.vector_store %arg7[%swap3A_558, %swap3A_559], %swap3A_562 {strides = array<i32>} : memref<8x64xf32, #tpu.memory_space<vmem>>, vector<1x16xf32>,
      %swap3A_563 = arith.constant 6 : i32
      %swap3A_564 = arith.index_cast %swap3A_563 : i32 to index
      %swap3A_565 = arith.constant 32 : index
      %swap3A_566 = tpu.vector_load %arg7[%swap3A_564, %swap3A_565] {strides = array<i32>} : memref<8x64xf32, #tpu.memory_space<vmem>>, vector<1x16xf32>,
      %swap3A_567 = vector.shape_cast %swap3A_566 : vector<1x16xf32> to vector<16xf32>
      %swap3A_568 = vector.shape_cast %scan3A_549#2 : vector<16xf32> to vector<1x16xf32>
      tpu.vector_store %arg7[%swap3A_564, %swap3A_565], %swap3A_568 {strides = array<i32>} : memref<8x64xf32, #tpu.memory_space<vmem>>, vector<1x16xf32>,
      %swap3A_569 = arith.constant 6 : i32
      %swap3A_570 = arith.index_cast %swap3A_569 : i32 to index
      %swap3A_571 = arith.constant 48 : index
      %swap3A_572 = tpu.vector_load %arg7[%swap3A_570, %swap3A_571] {strides = array<i32>} : memref<8x64xf32, #tpu.memory_space<vmem>>, vector<1x16xf32>,
      %swap3A_573 = vector.shape_cast %swap3A_572 : vector<1x16xf32> to vector<16xf32>
      %swap3A_574 = vector.shape_cast %scan3A_549#3 : vector<16xf32> to vector<1x16xf32>
      tpu.vector_store %arg7[%swap3A_570, %swap3A_571], %swap3A_574 {strides = array<i32>} : memref<8x64xf32, #tpu.memory_space<vmem>>, vector<1x16xf32>,
      %broadcast_in_dim3A_575 = arith.constant 0.000000e+00 : f32
      %broadcast_in_dim3A_576 = vector.broadcast %broadcast_in_dim3A_575 : f32 to vector<16xf32>
      %scan3A_577 = arith.constant 0 : i32
      %scan3A_578 = arith.constant 50 : i32
      %scan3A_579 = arith.addi %scan3A_577, %scan3A_578 : i32
      %scan3A_580 = arith.constant 1 : i32
      %scan3A_581:4 = scf.for %scan3A_987 = %scan3A_577 to %scan3A_579 step %scan3A_580 iter_args(%scan3A_988 = %broadcast_in_dim3A_576, %scan3A_989 = %broadcast_in_dim3A_576, %scan3A_990 = %broadcast_in_dim3A_576, %scan3A_991 = %broadcast_in_dim3A_576) -> (vector<16xf32>, vector<16xf32>, vector<16xf32>, vector<16xf32>)  : i32 {
        %get3A = arith.constant 0 : i32
        %get3A_992 = arith.constant 7 : i32
        %get3A_993 = arith.index_cast %get3A : i32 to index
        %get3A_994 = arith.index_cast %get3A_992 : i32 to index
        %get3A_995 = arith.index_cast %scan3A_987 : i32 to index
        %get3A_996 = arith.constant 0 : index
        %get3A_997 = tpu.vector_load %arg6[%get3A_993, %get3A_994, %get3A_995, %get3A_996] {strides = array<i32>} : memref<2x8x50x64xf32, #tpu.memory_space<vmem>>, vector<1x1x1x16xf32>,
        %get3A_998 = vector.shape_cast %get3A_997 : vector<1x1x1x16xf32> to vector<16xf32>
        %add3A_999 = arith.addf %scan3A_988, %get3A_998 : vector<16xf32>
        %get3A_1000 = arith.constant 0 : i32
        %get3A_1001 = arith.constant 7 : i32
        %get3A_1002 = arith.index_cast %get3A_1000 : i32 to index
        %get3A_1003 = arith.index_cast %get3A_1001 : i32 to index
        %get3A_1004 = arith.index_cast %scan3A_987 : i32 to index
        %get3A_1005 = arith.constant 16 : index
        %get3A_1006 = tpu.vector_load %arg6[%get3A_1002, %get3A_1003, %get3A_1004, %get3A_1005] {strides = array<i32>} : memref<2x8x50x64xf32, #tpu.memory_space<vmem>>, vector<1x1x1x16xf32>,
        %get3A_1007 = vector.shape_cast %get3A_1006 : vector<1x1x1x16xf32> to vector<16xf32>
        %add3A_1008 = arith.addf %scan3A_989, %get3A_1007 : vector<16xf32>
        %get3A_1009 = arith.constant 0 : i32
        %get3A_1010 = arith.constant 7 : i32
        %get3A_1011 = arith.index_cast %get3A_1009 : i32 to index
        %get3A_1012 = arith.index_cast %get3A_1010 : i32 to index
        %get3A_1013 = arith.index_cast %scan3A_987 : i32 to index
        %get3A_1014 = arith.constant 32 : index
        %get3A_1015 = tpu.vector_load %arg6[%get3A_1011, %get3A_1012, %get3A_1013, %get3A_1014] {strides = array<i32>} : memref<2x8x50x64xf32, #tpu.memory_space<vmem>>, vector<1x1x1x16xf32>,
        %get3A_1016 = vector.shape_cast %get3A_1015 : vector<1x1x1x16xf32> to vector<16xf32>
        %add3A_1017 = arith.addf %scan3A_990, %get3A_1016 : vector<16xf32>
        %get3A_1018 = arith.constant 0 : i32
        %get3A_1019 = arith.constant 7 : i32
        %get3A_1020 = arith.index_cast %get3A_1018 : i32 to index
        %get3A_1021 = arith.index_cast %get3A_1019 : i32 to index
        %get3A_1022 = arith.index_cast %scan3A_987 : i32 to index
        %get3A_1023 = arith.constant 48 : index
        %get3A_1024 = tpu.vector_load %arg6[%get3A_1020, %get3A_1021, %get3A_1022, %get3A_1023] {strides = array<i32>} : memref<2x8x50x64xf32, #tpu.memory_space<vmem>>, vector<1x1x1x16xf32>,
        %get3A_1025 = vector.shape_cast %get3A_1024 : vector<1x1x1x16xf32> to vector<16xf32>
        %add3A_1026 = arith.addf %scan3A_991, %get3A_1025 : vector<16xf32>
        scf.yield %add3A_999, %add3A_1008, %add3A_1017, %add3A_1026 : vector<16xf32>, vector<16xf32>, vector<16xf32>, vector<16xf32>
      }
      %scan3A_582 = arith.constant 50 : i32
      %swap3A_583 = arith.constant 7 : i32
      %swap3A_584 = arith.index_cast %swap3A_583 : i32 to index
      %swap3A_585 = arith.constant 0 : index
      %swap3A_586 = tpu.vector_load %arg7[%swap3A_584, %swap3A_585] {strides = array<i32>} : memref<8x64xf32, #tpu.memory_space<vmem>>, vector<1x16xf32>,
      %swap3A_587 = vector.shape_cast %swap3A_586 : vector<1x16xf32> to vector<16xf32>
      %swap3A_588 = vector.shape_cast %scan3A_581#0 : vector<16xf32> to vector<1x16xf32>
      tpu.vector_store %arg7[%swap3A_584, %swap3A_585], %swap3A_588 {strides = array<i32>} : memref<8x64xf32, #tpu.memory_space<vmem>>, vector<1x16xf32>,
      %swap3A_589 = arith.constant 7 : i32
      %swap3A_590 = arith.index_cast %swap3A_589 : i32 to index
      %swap3A_591 = arith.constant 16 : index
      %swap3A_592 = tpu.vector_load %arg7[%swap3A_590, %swap3A_591] {strides = array<i32>} : memref<8x64xf32, #tpu.memory_space<vmem>>, vector<1x16xf32>,
      %swap3A_593 = vector.shape_cast %swap3A_592 : vector<1x16xf32> to vector<16xf32>
      %swap3A_594 = vector.shape_cast %scan3A_581#1 : vector<16xf32> to vector<1x16xf32>
      tpu.vector_store %arg7[%swap3A_590, %swap3A_591], %swap3A_594 {strides = array<i32>} : memref<8x64xf32, #tpu.memory_space<vmem>>, vector<1x16xf32>,
      %swap3A_595 = arith.constant 7 : i32
      %swap3A_596 = arith.index_cast %swap3A_595 : i32 to index
      %swap3A_597 = arith.constant 32 : index
      %swap3A_598 = tpu.vector_load %arg7[%swap3A_596, %swap3A_597] {strides = array<i32>} : memref<8x64xf32, #tpu.memory_space<vmem>>, vector<1x16xf32>,
      %swap3A_599 = vector.shape_cast %swap3A_598 : vector<1x16xf32> to vector<16xf32>
      %swap3A_600 = vector.shape_cast %scan3A_581#2 : vector<16xf32> to vector<1x16xf32>
      tpu.vector_store %arg7[%swap3A_596, %swap3A_597], %swap3A_600 {strides = array<i32>} : memref<8x64xf32, #tpu.memory_space<vmem>>, vector<1x16xf32>,
      %swap3A_601 = arith.constant 7 : i32
      %swap3A_602 = arith.index_cast %swap3A_601 : i32 to index
      %swap3A_603 = arith.constant 48 : index
      %swap3A_604 = tpu.vector_load %arg7[%swap3A_602, %swap3A_603] {strides = array<i32>} : memref<8x64xf32, #tpu.memory_space<vmem>>, vector<1x16xf32>,
      %swap3A_605 = vector.shape_cast %swap3A_604 : vector<1x16xf32> to vector<16xf32>
      %swap3A_606 = vector.shape_cast %scan3A_581#3 : vector<16xf32> to vector<1x16xf32>
      tpu.vector_store %arg7[%swap3A_602, %swap3A_603], %swap3A_606 {strides = array<i32>} : memref<8x64xf32, #tpu.memory_space<vmem>>, vector<1x16xf32>,
      %mul3A_607 = arith.constant 8 : i32
      %mul3A_608 = arith.muli %mul3A_123, %mul3A_607 : i32
      %add3A_609 = arith.addi %mul3A_2, %mul3A_608 : i32
      "tpu.region"() ({
        %run_scoped3A_987 = tpu.sem_alloc : memref<!tpu.dma_semaphore, #tpu.memory_space<semaphore_mem>>
        %dma_start3A_988 = arith.constant 0 : i32
        %dma_start3A_989 = tpu.memref_slice %arg4[%add3A_609, %dma_start3A_988] : memref<16384x64xf32, #tpu.memory_space<hbm>> -> memref<8x64xf32, #tpu.memory_space<hbm>>
        %dma_start3A_990 = arith.constant 0 : i32
        %dma_start3A_991 = tpu.memref_slice %arg4[%add3A_609, %dma_start3A_990] : memref<16384x64xf32, #tpu.memory_space<hbm>> -> memref<8x64xf32, #tpu.memory_space<hbm>>
        tpu.enqueue_dma source(%arg7 : memref<8x64xf32, #tpu.memory_space<vmem>>) target(%dma_start3A_991 : memref<8x64xf32, #tpu.memory_space<hbm>>) target_semaphore(%run_scoped3A_987 : memref<!tpu.dma_semaphore, #tpu.memory_space<semaphore_mem>>)
        %dma_wait3A_992 = arith.constant 0 : i32
        %dma_wait3A_993 = tpu.memref_slice %arg4[%add3A_609, %dma_wait3A_992] : memref<16384x64xf32, #tpu.memory_space<hbm>> -> memref<8x64xf32, #tpu.memory_space<hbm>>
        %dma_wait3A_994 = arith.constant 0 : i32
        %dma_wait3A_995 = tpu.memref_slice %arg4[%add3A_609, %dma_wait3A_994] : memref<16384x64xf32, #tpu.memory_space<hbm>> -> memref<8x64xf32, #tpu.memory_space<hbm>>
        tpu.wait_dma2 semaphore(%run_scoped3A_987 : memref<!tpu.dma_semaphore, #tpu.memory_space<semaphore_mem>>) src(%arg7 : memref<8x64xf32, #tpu.memory_space<vmem>>) dst(%dma_wait3A_995 : memref<8x64xf32, #tpu.memory_space<hbm>>)
        tpu.yield
      }) : () -> ()
      %add3A_610 = arith.constant 2 : i32
      %add3A_611 = arith.addi %mul3A_123, %add3A_610 : i32
      %lt3A = arith.constant 64 : i32
      %lt3A_612 = arith.cmpi slt, %add3A_611, %lt3A : i32
      %convert_element_type3A = arith.extui %lt3A_612 : i1 to i32
      %cond3A = arith.constant 0 : i32
      %cond3A_613 = arith.cmpi ne, %convert_element_type3A, %cond3A : i32
      scf.if %cond3A_613 {
        %add3A_987 = arith.constant 2 : i32
        %add3A_988 = arith.addi %mul3A_123, %add3A_987 : i32
        %mul3A_989 = arith.constant 8 : i32
        %mul3A_990 = arith.muli %add3A_988, %mul3A_989 : i32
        %add3A_991 = arith.addi %mul3A_2, %mul3A_990 : i32
        %run_scoped3A_992 = arith.constant 0 : i32
        "tpu.region"() ({
          %run_scoped3A_1105 = tpu.sem_alloc : memref<!tpu.dma_semaphore, #tpu.memory_space<semaphore_mem>>
          %dma_start3A_1106 = arith.constant 0 : i32
          %dma_start3A_1107 = arith.constant 0 : i32
          %dma_start3A_1108 = tpu.memref_slice %arg5[%run_scoped3A_992, %dma_start3A_1106, %dma_start3A_1107] : memref<2x8x50xi32, #tpu.memory_space<vmem>> -> memref<1x8x50xi32, #tpu.memory_space<vmem>>
          %dma_start3A_1109 = tpu.memref_squeeze %dma_start3A_1108 : memref<1x8x50xi32, #tpu.memory_space<vmem>> -> memref<8x50xi32, #tpu.memory_space<vmem>>
          %dma_start3A_1110 = arith.constant 0 : i32
          %dma_start3A_1111 = tpu.memref_slice %arg2[%add3A_991, %dma_start3A_1110] : memref<16384x50xi32, #tpu.memory_space<hbm>> -> memref<8x50xi32, #tpu.memory_space<hbm>>
          %dma_start3A_1112 = arith.constant 0 : i32
          %dma_start3A_1113 = arith.constant 0 : i32
          %dma_start3A_1114 = tpu.memref_slice %arg5[%run_scoped3A_992, %dma_start3A_1112, %dma_start3A_1113] : memref<2x8x50xi32, #tpu.memory_space<vmem>> -> memref<1x8x50xi32, #tpu.memory_space<vmem>>
          %dma_start3A_1115 = tpu.memref_squeeze %dma_start3A_1114 : memref<1x8x50xi32, #tpu.memory_space<vmem>> -> memref<8x50xi32, #tpu.memory_space<vmem>>
          %dma_start3A_1116 = arith.constant 0 : i32
          %dma_start3A_1117 = tpu.memref_slice %arg2[%add3A_991, %dma_start3A_1116] : memref<16384x50xi32, #tpu.memory_space<hbm>> -> memref<8x50xi32, #tpu.memory_space<hbm>>
          tpu.enqueue_dma source(%dma_start3A_1117 : memref<8x50xi32, #tpu.memory_space<hbm>>) target(%dma_start3A_1115 : memref<8x50xi32, #tpu.memory_space<vmem>>) target_semaphore(%run_scoped3A_1105 : memref<!tpu.dma_semaphore, #tpu.memory_space<semaphore_mem>>)
          %dma_wait3A_1118 = arith.constant 0 : i32
          %dma_wait3A_1119 = arith.constant 0 : i32
          %dma_wait3A_1120 = tpu.memref_slice %arg5[%run_scoped3A_992, %dma_wait3A_1118, %dma_wait3A_1119] : memref<2x8x50xi32, #tpu.memory_space<vmem>> -> memref<1x8x50xi32, #tpu.memory_space<vmem>>
          %dma_wait3A_1121 = tpu.memref_squeeze %dma_wait3A_1120 : memref<1x8x50xi32, #tpu.memory_space<vmem>> -> memref<8x50xi32, #tpu.memory_space<vmem>>
          %dma_wait3A_1122 = arith.constant 0 : i32
          %dma_wait3A_1123 = tpu.memref_slice %arg2[%add3A_991, %dma_wait3A_1122] : memref<16384x50xi32, #tpu.memory_space<hbm>> -> memref<8x50xi32, #tpu.memory_space<hbm>>
          %dma_wait3A_1124 = arith.constant 0 : i32
          %dma_wait3A_1125 = arith.constant 0 : i32
          %dma_wait3A_1126 = tpu.memref_slice %arg5[%run_scoped3A_992, %dma_wait3A_1124, %dma_wait3A_1125] : memref<2x8x50xi32, #tpu.memory_space<vmem>> -> memref<1x8x50xi32, #tpu.memory_space<vmem>>
          %dma_wait3A_1127 = tpu.memref_squeeze %dma_wait3A_1126 : memref<1x8x50xi32, #tpu.memory_space<vmem>> -> memref<8x50xi32, #tpu.memory_space<vmem>>
          %dma_wait3A_1128 = arith.constant 0 : i32
          %dma_wait3A_1129 = tpu.memref_slice %arg2[%add3A_991, %dma_wait3A_1128] : memref<16384x50xi32, #tpu.memory_space<hbm>> -> memref<8x50xi32, #tpu.memory_space<hbm>>
          tpu.wait_dma2 semaphore(%run_scoped3A_1105 : memref<!tpu.dma_semaphore, #tpu.memory_space<semaphore_mem>>) src(%dma_wait3A_1129 : memref<8x50xi32, #tpu.memory_space<hbm>>) dst(%dma_wait3A_1127 : memref<8x50xi32, #tpu.memory_space<vmem>>)
          tpu.yield
        }) : () -> ()
        %dma_start3A_993 = arith.constant 0 : i32
        %dma_start3A_994 = arith.constant 0 : i32
        %dma_start3A_995 = arith.constant 0 : i32
        %dma_start3A_996 = arith.constant 0 : i32
        %dma_start3A_997 = arith.constant 0 : i32
        %dma_start3A_998 = arith.constant 0 : i32
        %dma_start3A_999 = tpu.memref_slice %arg6[%dma_start3A_995, %dma_start3A_996, %dma_start3A_997, %dma_start3A_998] : memref<2x8x50x64xf32, #tpu.memory_space<vmem>> -> memref<1x1x50x64xf32, #tpu.memory_space<vmem>>
        %dma_start3A_1000 = tpu.memref_squeeze %dma_start3A_999 : memref<1x1x50x64xf32, #tpu.memory_space<vmem>> -> memref<50x64xf32, #tpu.memory_space<vmem>>
        %dma_start3A_1001 = arith.constant 0 : i32
        %dma_start3A_1002 = tpu.memref_slice %arg5[%dma_start3A_993, %dma_start3A_994, %dma_start3A_1001] : memref<2x8x50xi32, #tpu.memory_space<vmem>> -> memref<1x1x50xi32, #tpu.memory_space<vmem>>
        %dma_start3A_1003 = tpu.memref_squeeze %dma_start3A_1002 : memref<1x1x50xi32, #tpu.memory_space<vmem>> -> memref<50xi32, #tpu.memory_space<vmem>>
        %dma_start3A_1004 = arith.constant 0 : i32
        %dma_start3A_1005 = arith.constant 0 : i32
        %dma_start3A_1006 = tpu.memref_slice %arg3[%dma_start3A_1004, %dma_start3A_1005] : memref<1000000x64xf32, #tpu.memory_space<hbm>> -> memref<1000000x64xf32, #tpu.memory_space<hbm>>
        tpu.enqueue_indirect_dma source(%dma_start3A_1006 : memref<1000000x64xf32, #tpu.memory_space<hbm>>) target(%dma_start3A_1000 : memref<50x64xf32, #tpu.memory_space<vmem>>) offsets(%dma_start3A_1003 : memref<50xi32, #tpu.memory_space<vmem>>) semaphore(%arg8 : memref<!tpu.dma_semaphore, #tpu.memory_space<semaphore_mem>>)
        %dma_start3A_1007 = arith.constant 0 : i32
        %dma_start3A_1008 = arith.constant 1 : i32
        %dma_start3A_1009 = arith.constant 0 : i32
        %dma_start3A_1010 = arith.constant 1 : i32
        %dma_start3A_1011 = arith.constant 0 : i32
        %dma_start3A_1012 = arith.constant 0 : i32
        %dma_start3A_1013 = tpu.memref_slice %arg6[%dma_start3A_1009, %dma_start3A_1010, %dma_start3A_1011, %dma_start3A_1012] : memref<2x8x50x64xf32, #tpu.memory_space<vmem>> -> memref<1x1x50x64xf32, #tpu.memory_space<vmem>>
        %dma_start3A_1014 = tpu.memref_squeeze %dma_start3A_1013 : memref<1x1x50x64xf32, #tpu.memory_space<vmem>> -> memref<50x64xf32, #tpu.memory_space<vmem>>
        %dma_start3A_1015 = arith.constant 0 : i32
        %dma_start3A_1016 = tpu.memref_slice %arg5[%dma_start3A_1007, %dma_start3A_1008, %dma_start3A_1015] : memref<2x8x50xi32, #tpu.memory_space<vmem>> -> memref<1x1x50xi32, #tpu.memory_space<vmem>>
        %dma_start3A_1017 = tpu.memref_squeeze %dma_start3A_1016 : memref<1x1x50xi32, #tpu.memory_space<vmem>> -> memref<50xi32, #tpu.memory_space<vmem>>
        %dma_start3A_1018 = arith.constant 0 : i32
        %dma_start3A_1019 = arith.constant 0 : i32
        %dma_start3A_1020 = tpu.memref_slice %arg3[%dma_start3A_1018, %dma_start3A_1019] : memref<1000000x64xf32, #tpu.memory_space<hbm>> -> memref<1000000x64xf32, #tpu.memory_space<hbm>>
        tpu.enqueue_indirect_dma source(%dma_start3A_1020 : memref<1000000x64xf32, #tpu.memory_space<hbm>>) target(%dma_start3A_1014 : memref<50x64xf32, #tpu.memory_space<vmem>>) offsets(%dma_start3A_1017 : memref<50xi32, #tpu.memory_space<vmem>>) semaphore(%arg8 : memref<!tpu.dma_semaphore, #tpu.memory_space<semaphore_mem>>)
        %dma_start3A_1021 = arith.constant 0 : i32
        %dma_start3A_1022 = arith.constant 2 : i32
        %dma_start3A_1023 = arith.constant 0 : i32
        %dma_start3A_1024 = arith.constant 2 : i32
        %dma_start3A_1025 = arith.constant 0 : i32
        %dma_start3A_1026 = arith.constant 0 : i32
        %dma_start3A_1027 = tpu.memref_slice %arg6[%dma_start3A_1023, %dma_start3A_1024, %dma_start3A_1025, %dma_start3A_1026] : memref<2x8x50x64xf32, #tpu.memory_space<vmem>> -> memref<1x1x50x64xf32, #tpu.memory_space<vmem>>
        %dma_start3A_1028 = tpu.memref_squeeze %dma_start3A_1027 : memref<1x1x50x64xf32, #tpu.memory_space<vmem>> -> memref<50x64xf32, #tpu.memory_space<vmem>>
        %dma_start3A_1029 = arith.constant 0 : i32
        %dma_start3A_1030 = tpu.memref_slice %arg5[%dma_start3A_1021, %dma_start3A_1022, %dma_start3A_1029] : memref<2x8x50xi32, #tpu.memory_space<vmem>> -> memref<1x1x50xi32, #tpu.memory_space<vmem>>
        %dma_start3A_1031 = tpu.memref_squeeze %dma_start3A_1030 : memref<1x1x50xi32, #tpu.memory_space<vmem>> -> memref<50xi32, #tpu.memory_space<vmem>>
        %dma_start3A_1032 = arith.constant 0 : i32
        %dma_start3A_1033 = arith.constant 0 : i32
        %dma_start3A_1034 = tpu.memref_slice %arg3[%dma_start3A_1032, %dma_start3A_1033] : memref<1000000x64xf32, #tpu.memory_space<hbm>> -> memref<1000000x64xf32, #tpu.memory_space<hbm>>
        tpu.enqueue_indirect_dma source(%dma_start3A_1034 : memref<1000000x64xf32, #tpu.memory_space<hbm>>) target(%dma_start3A_1028 : memref<50x64xf32, #tpu.memory_space<vmem>>) offsets(%dma_start3A_1031 : memref<50xi32, #tpu.memory_space<vmem>>) semaphore(%arg8 : memref<!tpu.dma_semaphore, #tpu.memory_space<semaphore_mem>>)
        %dma_start3A_1035 = arith.constant 0 : i32
        %dma_start3A_1036 = arith.constant 3 : i32
        %dma_start3A_1037 = arith.constant 0 : i32
        %dma_start3A_1038 = arith.constant 3 : i32
        %dma_start3A_1039 = arith.constant 0 : i32
        %dma_start3A_1040 = arith.constant 0 : i32
        %dma_start3A_1041 = tpu.memref_slice %arg6[%dma_start3A_1037, %dma_start3A_1038, %dma_start3A_1039, %dma_start3A_1040] : memref<2x8x50x64xf32, #tpu.memory_space<vmem>> -> memref<1x1x50x64xf32, #tpu.memory_space<vmem>>
        %dma_start3A_1042 = tpu.memref_squeeze %dma_start3A_1041 : memref<1x1x50x64xf32, #tpu.memory_space<vmem>> -> memref<50x64xf32, #tpu.memory_space<vmem>>
        %dma_start3A_1043 = arith.constant 0 : i32
        %dma_start3A_1044 = tpu.memref_slice %arg5[%dma_start3A_1035, %dma_start3A_1036, %dma_start3A_1043] : memref<2x8x50xi32, #tpu.memory_space<vmem>> -> memref<1x1x50xi32, #tpu.memory_space<vmem>>
        %dma_start3A_1045 = tpu.memref_squeeze %dma_start3A_1044 : memref<1x1x50xi32, #tpu.memory_space<vmem>> -> memref<50xi32, #tpu.memory_space<vmem>>
        %dma_start3A_1046 = arith.constant 0 : i32
        %dma_start3A_1047 = arith.constant 0 : i32
        %dma_start3A_1048 = tpu.memref_slice %arg3[%dma_start3A_1046, %dma_start3A_1047] : memref<1000000x64xf32, #tpu.memory_space<hbm>> -> memref<1000000x64xf32, #tpu.memory_space<hbm>>
        tpu.enqueue_indirect_dma source(%dma_start3A_1048 : memref<1000000x64xf32, #tpu.memory_space<hbm>>) target(%dma_start3A_1042 : memref<50x64xf32, #tpu.memory_space<vmem>>) offsets(%dma_start3A_1045 : memref<50xi32, #tpu.memory_space<vmem>>) semaphore(%arg8 : memref<!tpu.dma_semaphore, #tpu.memory_space<semaphore_mem>>)
        %dma_start3A_1049 = arith.constant 0 : i32
        %dma_start3A_1050 = arith.constant 4 : i32
        %dma_start3A_1051 = arith.constant 0 : i32
        %dma_start3A_1052 = arith.constant 4 : i32
        %dma_start3A_1053 = arith.constant 0 : i32
        %dma_start3A_1054 = arith.constant 0 : i32
        %dma_start3A_1055 = tpu.memref_slice %arg6[%dma_start3A_1051, %dma_start3A_1052, %dma_start3A_1053, %dma_start3A_1054] : memref<2x8x50x64xf32, #tpu.memory_space<vmem>> -> memref<1x1x50x64xf32, #tpu.memory_space<vmem>>
        %dma_start3A_1056 = tpu.memref_squeeze %dma_start3A_1055 : memref<1x1x50x64xf32, #tpu.memory_space<vmem>> -> memref<50x64xf32, #tpu.memory_space<vmem>>
        %dma_start3A_1057 = arith.constant 0 : i32
        %dma_start3A_1058 = tpu.memref_slice %arg5[%dma_start3A_1049, %dma_start3A_1050, %dma_start3A_1057] : memref<2x8x50xi32, #tpu.memory_space<vmem>> -> memref<1x1x50xi32, #tpu.memory_space<vmem>>
        %dma_start3A_1059 = tpu.memref_squeeze %dma_start3A_1058 : memref<1x1x50xi32, #tpu.memory_space<vmem>> -> memref<50xi32, #tpu.memory_space<vmem>>
        %dma_start3A_1060 = arith.constant 0 : i32
        %dma_start3A_1061 = arith.constant 0 : i32
        %dma_start3A_1062 = tpu.memref_slice %arg3[%dma_start3A_1060, %dma_start3A_1061] : memref<1000000x64xf32, #tpu.memory_space<hbm>> -> memref<1000000x64xf32, #tpu.memory_space<hbm>>
        tpu.enqueue_indirect_dma source(%dma_start3A_1062 : memref<1000000x64xf32, #tpu.memory_space<hbm>>) target(%dma_start3A_1056 : memref<50x64xf32, #tpu.memory_space<vmem>>) offsets(%dma_start3A_1059 : memref<50xi32, #tpu.memory_space<vmem>>) semaphore(%arg8 : memref<!tpu.dma_semaphore, #tpu.memory_space<semaphore_mem>>)
        %dma_start3A_1063 = arith.constant 0 : i32
        %dma_start3A_1064 = arith.constant 5 : i32
        %dma_start3A_1065 = arith.constant 0 : i32
        %dma_start3A_1066 = arith.constant 5 : i32
        %dma_start3A_1067 = arith.constant 0 : i32
        %dma_start3A_1068 = arith.constant 0 : i32
        %dma_start3A_1069 = tpu.memref_slice %arg6[%dma_start3A_1065, %dma_start3A_1066, %dma_start3A_1067, %dma_start3A_1068] : memref<2x8x50x64xf32, #tpu.memory_space<vmem>> -> memref<1x1x50x64xf32, #tpu.memory_space<vmem>>
        %dma_start3A_1070 = tpu.memref_squeeze %dma_start3A_1069 : memref<1x1x50x64xf32, #tpu.memory_space<vmem>> -> memref<50x64xf32, #tpu.memory_space<vmem>>
        %dma_start3A_1071 = arith.constant 0 : i32
        %dma_start3A_1072 = tpu.memref_slice %arg5[%dma_start3A_1063, %dma_start3A_1064, %dma_start3A_1071] : memref<2x8x50xi32, #tpu.memory_space<vmem>> -> memref<1x1x50xi32, #tpu.memory_space<vmem>>
        %dma_start3A_1073 = tpu.memref_squeeze %dma_start3A_1072 : memref<1x1x50xi32, #tpu.memory_space<vmem>> -> memref<50xi32, #tpu.memory_space<vmem>>
        %dma_start3A_1074 = arith.constant 0 : i32
        %dma_start3A_1075 = arith.constant 0 : i32
        %dma_start3A_1076 = tpu.memref_slice %arg3[%dma_start3A_1074, %dma_start3A_1075] : memref<1000000x64xf32, #tpu.memory_space<hbm>> -> memref<1000000x64xf32, #tpu.memory_space<hbm>>
        tpu.enqueue_indirect_dma source(%dma_start3A_1076 : memref<1000000x64xf32, #tpu.memory_space<hbm>>) target(%dma_start3A_1070 : memref<50x64xf32, #tpu.memory_space<vmem>>) offsets(%dma_start3A_1073 : memref<50xi32, #tpu.memory_space<vmem>>) semaphore(%arg8 : memref<!tpu.dma_semaphore, #tpu.memory_space<semaphore_mem>>)
        %dma_start3A_1077 = arith.constant 0 : i32
        %dma_start3A_1078 = arith.constant 6 : i32
        %dma_start3A_1079 = arith.constant 0 : i32
        %dma_start3A_1080 = arith.constant 6 : i32
        %dma_start3A_1081 = arith.constant 0 : i32
        %dma_start3A_1082 = arith.constant 0 : i32
        %dma_start3A_1083 = tpu.memref_slice %arg6[%dma_start3A_1079, %dma_start3A_1080, %dma_start3A_1081, %dma_start3A_1082] : memref<2x8x50x64xf32, #tpu.memory_space<vmem>> -> memref<1x1x50x64xf32, #tpu.memory_space<vmem>>
        %dma_start3A_1084 = tpu.memref_squeeze %dma_start3A_1083 : memref<1x1x50x64xf32, #tpu.memory_space<vmem>> -> memref<50x64xf32, #tpu.memory_space<vmem>>
        %dma_start3A_1085 = arith.constant 0 : i32
        %dma_start3A_1086 = tpu.memref_slice %arg5[%dma_start3A_1077, %dma_start3A_1078, %dma_start3A_1085] : memref<2x8x50xi32, #tpu.memory_space<vmem>> -> memref<1x1x50xi32, #tpu.memory_space<vmem>>
        %dma_start3A_1087 = tpu.memref_squeeze %dma_start3A_1086 : memref<1x1x50xi32, #tpu.memory_space<vmem>> -> memref<50xi32, #tpu.memory_space<vmem>>
        %dma_start3A_1088 = arith.constant 0 : i32
        %dma_start3A_1089 = arith.constant 0 : i32
        %dma_start3A_1090 = tpu.memref_slice %arg3[%dma_start3A_1088, %dma_start3A_1089] : memref<1000000x64xf32, #tpu.memory_space<hbm>> -> memref<1000000x64xf32, #tpu.memory_space<hbm>>
        tpu.enqueue_indirect_dma source(%dma_start3A_1090 : memref<1000000x64xf32, #tpu.memory_space<hbm>>) target(%dma_start3A_1084 : memref<50x64xf32, #tpu.memory_space<vmem>>) offsets(%dma_start3A_1087 : memref<50xi32, #tpu.memory_space<vmem>>) semaphore(%arg8 : memref<!tpu.dma_semaphore, #tpu.memory_space<semaphore_mem>>)
        %dma_start3A_1091 = arith.constant 0 : i32
        %dma_start3A_1092 = arith.constant 7 : i32
        %dma_start3A_1093 = arith.constant 0 : i32
        %dma_start3A_1094 = arith.constant 7 : i32
        %dma_start3A_1095 = arith.constant 0 : i32
        %dma_start3A_1096 = arith.constant 0 : i32
        %dma_start3A_1097 = tpu.memref_slice %arg6[%dma_start3A_1093, %dma_start3A_1094, %dma_start3A_1095, %dma_start3A_1096] : memref<2x8x50x64xf32, #tpu.memory_space<vmem>> -> memref<1x1x50x64xf32, #tpu.memory_space<vmem>>
        %dma_start3A_1098 = tpu.memref_squeeze %dma_start3A_1097 : memref<1x1x50x64xf32, #tpu.memory_space<vmem>> -> memref<50x64xf32, #tpu.memory_space<vmem>>
        %dma_start3A_1099 = arith.constant 0 : i32
        %dma_start3A_1100 = tpu.memref_slice %arg5[%dma_start3A_1091, %dma_start3A_1092, %dma_start3A_1099] : memref<2x8x50xi32, #tpu.memory_space<vmem>> -> memref<1x1x50xi32, #tpu.memory_space<vmem>>
        %dma_start3A_1101 = tpu.memref_squeeze %dma_start3A_1100 : memref<1x1x50xi32, #tpu.memory_space<vmem>> -> memref<50xi32, #tpu.memory_space<vmem>>
        %dma_start3A_1102 = arith.constant 0 : i32
        %dma_start3A_1103 = arith.constant 0 : i32
        %dma_start3A_1104 = tpu.memref_slice %arg3[%dma_start3A_1102, %dma_start3A_1103] : memref<1000000x64xf32, #tpu.memory_space<hbm>> -> memref<1000000x64xf32, #tpu.memory_space<hbm>>
        tpu.enqueue_indirect_dma source(%dma_start3A_1104 : memref<1000000x64xf32, #tpu.memory_space<hbm>>) target(%dma_start3A_1098 : memref<50x64xf32, #tpu.memory_space<vmem>>) offsets(%dma_start3A_1101 : memref<50xi32, #tpu.memory_space<vmem>>) semaphore(%arg8 : memref<!tpu.dma_semaphore, #tpu.memory_space<semaphore_mem>>)
      } else {
      }
      %dma_wait3A_614 = arith.constant 1 : i32
      %dma_wait3A_615 = arith.constant 0 : i32
      %dma_wait3A_616 = arith.constant 1 : i32
      %dma_wait3A_617 = arith.constant 0 : i32
      %dma_wait3A_618 = arith.constant 0 : i32
      %dma_wait3A_619 = arith.constant 0 : i32
      %dma_wait3A_620 = tpu.memref_slice %arg6[%dma_wait3A_616, %dma_wait3A_617, %dma_wait3A_618, %dma_wait3A_619] : memref<2x8x50x64xf32, #tpu.memory_space<vmem>> -> memref<1x1x50x64xf32, #tpu.memory_space<vmem>>
      %dma_wait3A_621 = tpu.memref_squeeze %dma_wait3A_620 : memref<1x1x50x64xf32, #tpu.memory_space<vmem>> -> memref<50x64xf32, #tpu.memory_space<vmem>>
      %dma_wait3A_622 = arith.constant 0 : i32
      %dma_wait3A_623 = tpu.memref_slice %arg5[%dma_wait3A_614, %dma_wait3A_615, %dma_wait3A_622] : memref<2x8x50xi32, #tpu.memory_space<vmem>> -> memref<1x1x50xi32, #tpu.memory_space<vmem>>
      %dma_wait3A_624 = tpu.memref_squeeze %dma_wait3A_623 : memref<1x1x50xi32, #tpu.memory_space<vmem>> -> memref<50xi32, #tpu.memory_space<vmem>>
      %dma_wait3A_625 = arith.constant 0 : i32
      %dma_wait3A_626 = arith.constant 0 : i32
      %dma_wait3A_627 = tpu.memref_slice %arg3[%dma_wait3A_625, %dma_wait3A_626] : memref<1000000x64xf32, #tpu.memory_space<hbm>> -> memref<1000000x64xf32, #tpu.memory_space<hbm>>
      tpu.wait_indirect_dma semaphore(%arg9 : memref<!tpu.dma_semaphore, #tpu.memory_space<semaphore_mem>>) src(%dma_wait3A_627 : memref<1000000x64xf32, #tpu.memory_space<hbm>>) dst(%dma_wait3A_621 : memref<50x64xf32, #tpu.memory_space<vmem>>)
      %dma_wait3A_628 = arith.constant 1 : i32
      %dma_wait3A_629 = arith.constant 1 : i32
      %dma_wait3A_630 = arith.constant 1 : i32
      %dma_wait3A_631 = arith.constant 1 : i32
      %dma_wait3A_632 = arith.constant 0 : i32
      %dma_wait3A_633 = arith.constant 0 : i32
      %dma_wait3A_634 = tpu.memref_slice %arg6[%dma_wait3A_630, %dma_wait3A_631, %dma_wait3A_632, %dma_wait3A_633] : memref<2x8x50x64xf32, #tpu.memory_space<vmem>> -> memref<1x1x50x64xf32, #tpu.memory_space<vmem>>
      %dma_wait3A_635 = tpu.memref_squeeze %dma_wait3A_634 : memref<1x1x50x64xf32, #tpu.memory_space<vmem>> -> memref<50x64xf32, #tpu.memory_space<vmem>>
      %dma_wait3A_636 = arith.constant 0 : i32
      %dma_wait3A_637 = tpu.memref_slice %arg5[%dma_wait3A_628, %dma_wait3A_629, %dma_wait3A_636] : memref<2x8x50xi32, #tpu.memory_space<vmem>> -> memref<1x1x50xi32, #tpu.memory_space<vmem>>
      %dma_wait3A_638 = tpu.memref_squeeze %dma_wait3A_637 : memref<1x1x50xi32, #tpu.memory_space<vmem>> -> memref<50xi32, #tpu.memory_space<vmem>>
      %dma_wait3A_639 = arith.constant 0 : i32
      %dma_wait3A_640 = arith.constant 0 : i32
      %dma_wait3A_641 = tpu.memref_slice %arg3[%dma_wait3A_639, %dma_wait3A_640] : memref<1000000x64xf32, #tpu.memory_space<hbm>> -> memref<1000000x64xf32, #tpu.memory_space<hbm>>
      tpu.wait_indirect_dma semaphore(%arg9 : memref<!tpu.dma_semaphore, #tpu.memory_space<semaphore_mem>>) src(%dma_wait3A_641 : memref<1000000x64xf32, #tpu.memory_space<hbm>>) dst(%dma_wait3A_635 : memref<50x64xf32, #tpu.memory_space<vmem>>)
      %dma_wait3A_642 = arith.constant 1 : i32
      %dma_wait3A_643 = arith.constant 2 : i32
      %dma_wait3A_644 = arith.constant 1 : i32
      %dma_wait3A_645 = arith.constant 2 : i32
      %dma_wait3A_646 = arith.constant 0 : i32
      %dma_wait3A_647 = arith.constant 0 : i32
      %dma_wait3A_648 = tpu.memref_slice %arg6[%dma_wait3A_644, %dma_wait3A_645, %dma_wait3A_646, %dma_wait3A_647] : memref<2x8x50x64xf32, #tpu.memory_space<vmem>> -> memref<1x1x50x64xf32, #tpu.memory_space<vmem>>
      %dma_wait3A_649 = tpu.memref_squeeze %dma_wait3A_648 : memref<1x1x50x64xf32, #tpu.memory_space<vmem>> -> memref<50x64xf32, #tpu.memory_space<vmem>>
      %dma_wait3A_650 = arith.constant 0 : i32
      %dma_wait3A_651 = tpu.memref_slice %arg5[%dma_wait3A_642, %dma_wait3A_643, %dma_wait3A_650] : memref<2x8x50xi32, #tpu.memory_space<vmem>> -> memref<1x1x50xi32, #tpu.memory_space<vmem>>
      %dma_wait3A_652 = tpu.memref_squeeze %dma_wait3A_651 : memref<1x1x50xi32, #tpu.memory_space<vmem>> -> memref<50xi32, #tpu.memory_space<vmem>>
      %dma_wait3A_653 = arith.constant 0 : i32
      %dma_wait3A_654 = arith.constant 0 : i32
      %dma_wait3A_655 = tpu.memref_slice %arg3[%dma_wait3A_653, %dma_wait3A_654] : memref<1000000x64xf32, #tpu.memory_space<hbm>> -> memref<1000000x64xf32, #tpu.memory_space<hbm>>
      tpu.wait_indirect_dma semaphore(%arg9 : memref<!tpu.dma_semaphore, #tpu.memory_space<semaphore_mem>>) src(%dma_wait3A_655 : memref<1000000x64xf32, #tpu.memory_space<hbm>>) dst(%dma_wait3A_649 : memref<50x64xf32, #tpu.memory_space<vmem>>)
      %dma_wait3A_656 = arith.constant 1 : i32
      %dma_wait3A_657 = arith.constant 3 : i32
      %dma_wait3A_658 = arith.constant 1 : i32
      %dma_wait3A_659 = arith.constant 3 : i32
      %dma_wait3A_660 = arith.constant 0 : i32
      %dma_wait3A_661 = arith.constant 0 : i32
      %dma_wait3A_662 = tpu.memref_slice %arg6[%dma_wait3A_658, %dma_wait3A_659, %dma_wait3A_660, %dma_wait3A_661] : memref<2x8x50x64xf32, #tpu.memory_space<vmem>> -> memref<1x1x50x64xf32, #tpu.memory_space<vmem>>
      %dma_wait3A_663 = tpu.memref_squeeze %dma_wait3A_662 : memref<1x1x50x64xf32, #tpu.memory_space<vmem>> -> memref<50x64xf32, #tpu.memory_space<vmem>>
      %dma_wait3A_664 = arith.constant 0 : i32
      %dma_wait3A_665 = tpu.memref_slice %arg5[%dma_wait3A_656, %dma_wait3A_657, %dma_wait3A_664] : memref<2x8x50xi32, #tpu.memory_space<vmem>> -> memref<1x1x50xi32, #tpu.memory_space<vmem>>
      %dma_wait3A_666 = tpu.memref_squeeze %dma_wait3A_665 : memref<1x1x50xi32, #tpu.memory_space<vmem>> -> memref<50xi32, #tpu.memory_space<vmem>>
      %dma_wait3A_667 = arith.constant 0 : i32
      %dma_wait3A_668 = arith.constant 0 : i32
      %dma_wait3A_669 = tpu.memref_slice %arg3[%dma_wait3A_667, %dma_wait3A_668] : memref<1000000x64xf32, #tpu.memory_space<hbm>> -> memref<1000000x64xf32, #tpu.memory_space<hbm>>
      tpu.wait_indirect_dma semaphore(%arg9 : memref<!tpu.dma_semaphore, #tpu.memory_space<semaphore_mem>>) src(%dma_wait3A_669 : memref<1000000x64xf32, #tpu.memory_space<hbm>>) dst(%dma_wait3A_663 : memref<50x64xf32, #tpu.memory_space<vmem>>)
      %dma_wait3A_670 = arith.constant 1 : i32
      %dma_wait3A_671 = arith.constant 4 : i32
      %dma_wait3A_672 = arith.constant 1 : i32
      %dma_wait3A_673 = arith.constant 4 : i32
      %dma_wait3A_674 = arith.constant 0 : i32
      %dma_wait3A_675 = arith.constant 0 : i32
      %dma_wait3A_676 = tpu.memref_slice %arg6[%dma_wait3A_672, %dma_wait3A_673, %dma_wait3A_674, %dma_wait3A_675] : memref<2x8x50x64xf32, #tpu.memory_space<vmem>> -> memref<1x1x50x64xf32, #tpu.memory_space<vmem>>
      %dma_wait3A_677 = tpu.memref_squeeze %dma_wait3A_676 : memref<1x1x50x64xf32, #tpu.memory_space<vmem>> -> memref<50x64xf32, #tpu.memory_space<vmem>>
      %dma_wait3A_678 = arith.constant 0 : i32
      %dma_wait3A_679 = tpu.memref_slice %arg5[%dma_wait3A_670, %dma_wait3A_671, %dma_wait3A_678] : memref<2x8x50xi32, #tpu.memory_space<vmem>> -> memref<1x1x50xi32, #tpu.memory_space<vmem>>
      %dma_wait3A_680 = tpu.memref_squeeze %dma_wait3A_679 : memref<1x1x50xi32, #tpu.memory_space<vmem>> -> memref<50xi32, #tpu.memory_space<vmem>>
      %dma_wait3A_681 = arith.constant 0 : i32
      %dma_wait3A_682 = arith.constant 0 : i32
      %dma_wait3A_683 = tpu.memref_slice %arg3[%dma_wait3A_681, %dma_wait3A_682] : memref<1000000x64xf32, #tpu.memory_space<hbm>> -> memref<1000000x64xf32, #tpu.memory_space<hbm>>
      tpu.wait_indirect_dma semaphore(%arg9 : memref<!tpu.dma_semaphore, #tpu.memory_space<semaphore_mem>>) src(%dma_wait3A_683 : memref<1000000x64xf32, #tpu.memory_space<hbm>>) dst(%dma_wait3A_677 : memref<50x64xf32, #tpu.memory_space<vmem>>)
      %dma_wait3A_684 = arith.constant 1 : i32
      %dma_wait3A_685 = arith.constant 5 : i32
      %dma_wait3A_686 = arith.constant 1 : i32
      %dma_wait3A_687 = arith.constant 5 : i32
      %dma_wait3A_688 = arith.constant 0 : i32
      %dma_wait3A_689 = arith.constant 0 : i32
      %dma_wait3A_690 = tpu.memref_slice %arg6[%dma_wait3A_686, %dma_wait3A_687, %dma_wait3A_688, %dma_wait3A_689] : memref<2x8x50x64xf32, #tpu.memory_space<vmem>> -> memref<1x1x50x64xf32, #tpu.memory_space<vmem>>
      %dma_wait3A_691 = tpu.memref_squeeze %dma_wait3A_690 : memref<1x1x50x64xf32, #tpu.memory_space<vmem>> -> memref<50x64xf32, #tpu.memory_space<vmem>>
      %dma_wait3A_692 = arith.constant 0 : i32
      %dma_wait3A_693 = tpu.memref_slice %arg5[%dma_wait3A_684, %dma_wait3A_685, %dma_wait3A_692] : memref<2x8x50xi32, #tpu.memory_space<vmem>> -> memref<1x1x50xi32, #tpu.memory_space<vmem>>
      %dma_wait3A_694 = tpu.memref_squeeze %dma_wait3A_693 : memref<1x1x50xi32, #tpu.memory_space<vmem>> -> memref<50xi32, #tpu.memory_space<vmem>>
      %dma_wait3A_695 = arith.constant 0 : i32
      %dma_wait3A_696 = arith.constant 0 : i32
      %dma_wait3A_697 = tpu.memref_slice %arg3[%dma_wait3A_695, %dma_wait3A_696] : memref<1000000x64xf32, #tpu.memory_space<hbm>> -> memref<1000000x64xf32, #tpu.memory_space<hbm>>
      tpu.wait_indirect_dma semaphore(%arg9 : memref<!tpu.dma_semaphore, #tpu.memory_space<semaphore_mem>>) src(%dma_wait3A_697 : memref<1000000x64xf32, #tpu.memory_space<hbm>>) dst(%dma_wait3A_691 : memref<50x64xf32, #tpu.memory_space<vmem>>)
      %dma_wait3A_698 = arith.constant 1 : i32
      %dma_wait3A_699 = arith.constant 6 : i32
      %dma_wait3A_700 = arith.constant 1 : i32
      %dma_wait3A_701 = arith.constant 6 : i32
      %dma_wait3A_702 = arith.constant 0 : i32
      %dma_wait3A_703 = arith.constant 0 : i32
      %dma_wait3A_704 = tpu.memref_slice %arg6[%dma_wait3A_700, %dma_wait3A_701, %dma_wait3A_702, %dma_wait3A_703] : memref<2x8x50x64xf32, #tpu.memory_space<vmem>> -> memref<1x1x50x64xf32, #tpu.memory_space<vmem>>
      %dma_wait3A_705 = tpu.memref_squeeze %dma_wait3A_704 : memref<1x1x50x64xf32, #tpu.memory_space<vmem>> -> memref<50x64xf32, #tpu.memory_space<vmem>>
      %dma_wait3A_706 = arith.constant 0 : i32
      %dma_wait3A_707 = tpu.memref_slice %arg5[%dma_wait3A_698, %dma_wait3A_699, %dma_wait3A_706] : memref<2x8x50xi32, #tpu.memory_space<vmem>> -> memref<1x1x50xi32, #tpu.memory_space<vmem>>
      %dma_wait3A_708 = tpu.memref_squeeze %dma_wait3A_707 : memref<1x1x50xi32, #tpu.memory_space<vmem>> -> memref<50xi32, #tpu.memory_space<vmem>>
      %dma_wait3A_709 = arith.constant 0 : i32
      %dma_wait3A_710 = arith.constant 0 : i32
      %dma_wait3A_711 = tpu.memref_slice %arg3[%dma_wait3A_709, %dma_wait3A_710] : memref<1000000x64xf32, #tpu.memory_space<hbm>> -> memref<1000000x64xf32, #tpu.memory_space<hbm>>
      tpu.wait_indirect_dma semaphore(%arg9 : memref<!tpu.dma_semaphore, #tpu.memory_space<semaphore_mem>>) src(%dma_wait3A_711 : memref<1000000x64xf32, #tpu.memory_space<hbm>>) dst(%dma_wait3A_705 : memref<50x64xf32, #tpu.memory_space<vmem>>)
      %dma_wait3A_712 = arith.constant 1 : i32
      %dma_wait3A_713 = arith.constant 7 : i32
      %dma_wait3A_714 = arith.constant 1 : i32
      %dma_wait3A_715 = arith.constant 7 : i32
      %dma_wait3A_716 = arith.constant 0 : i32
      %dma_wait3A_717 = arith.constant 0 : i32
      %dma_wait3A_718 = tpu.memref_slice %arg6[%dma_wait3A_714, %dma_wait3A_715, %dma_wait3A_716, %dma_wait3A_717] : memref<2x8x50x64xf32, #tpu.memory_space<vmem>> -> memref<1x1x50x64xf32, #tpu.memory_space<vmem>>
      %dma_wait3A_719 = tpu.memref_squeeze %dma_wait3A_718 : memref<1x1x50x64xf32, #tpu.memory_space<vmem>> -> memref<50x64xf32, #tpu.memory_space<vmem>>
      %dma_wait3A_720 = arith.constant 0 : i32
      %dma_wait3A_721 = tpu.memref_slice %arg5[%dma_wait3A_712, %dma_wait3A_713, %dma_wait3A_720] : memref<2x8x50xi32, #tpu.memory_space<vmem>> -> memref<1x1x50xi32, #tpu.memory_space<vmem>>
      %dma_wait3A_722 = tpu.memref_squeeze %dma_wait3A_721 : memref<1x1x50xi32, #tpu.memory_space<vmem>> -> memref<50xi32, #tpu.memory_space<vmem>>
      %dma_wait3A_723 = arith.constant 0 : i32
      %dma_wait3A_724 = arith.constant 0 : i32
      %dma_wait3A_725 = tpu.memref_slice %arg3[%dma_wait3A_723, %dma_wait3A_724] : memref<1000000x64xf32, #tpu.memory_space<hbm>> -> memref<1000000x64xf32, #tpu.memory_space<hbm>>
      tpu.wait_indirect_dma semaphore(%arg9 : memref<!tpu.dma_semaphore, #tpu.memory_space<semaphore_mem>>) src(%dma_wait3A_725 : memref<1000000x64xf32, #tpu.memory_space<hbm>>) dst(%dma_wait3A_719 : memref<50x64xf32, #tpu.memory_space<vmem>>)
      %add3A_726 = arith.constant 1 : i32
      %add3A_727 = arith.addi %mul3A_123, %add3A_726 : i32
      %broadcast_in_dim3A_728 = arith.constant 0.000000e+00 : f32
      %broadcast_in_dim3A_729 = vector.broadcast %broadcast_in_dim3A_728 : f32 to vector<16xf32>
      %scan3A_730 = arith.constant 0 : i32
      %scan3A_731 = arith.constant 50 : i32
      %scan3A_732 = arith.addi %scan3A_730, %scan3A_731 : i32
      %scan3A_733 = arith.constant 1 : i32
      %scan3A_734:4 = scf.for %scan3A_987 = %scan3A_730 to %scan3A_732 step %scan3A_733 iter_args(%scan3A_988 = %broadcast_in_dim3A_729, %scan3A_989 = %broadcast_in_dim3A_729, %scan3A_990 = %broadcast_in_dim3A_729, %scan3A_991 = %broadcast_in_dim3A_729) -> (vector<16xf32>, vector<16xf32>, vector<16xf32>, vector<16xf32>)  : i32 {
        %get3A = arith.constant 1 : i32
        %get3A_992 = arith.constant 0 : i32
        %get3A_993 = arith.index_cast %get3A : i32 to index
        %get3A_994 = arith.index_cast %get3A_992 : i32 to index
        %get3A_995 = arith.index_cast %scan3A_987 : i32 to index
        %get3A_996 = arith.constant 0 : index
        %get3A_997 = tpu.vector_load %arg6[%get3A_993, %get3A_994, %get3A_995, %get3A_996] {strides = array<i32>} : memref<2x8x50x64xf32, #tpu.memory_space<vmem>>, vector<1x1x1x16xf32>,
        %get3A_998 = vector.shape_cast %get3A_997 : vector<1x1x1x16xf32> to vector<16xf32>
        %add3A_999 = arith.addf %scan3A_988, %get3A_998 : vector<16xf32>
        %get3A_1000 = arith.constant 1 : i32
        %get3A_1001 = arith.constant 0 : i32
        %get3A_1002 = arith.index_cast %get3A_1000 : i32 to index
        %get3A_1003 = arith.index_cast %get3A_1001 : i32 to index
        %get3A_1004 = arith.index_cast %scan3A_987 : i32 to index
        %get3A_1005 = arith.constant 16 : index
        %get3A_1006 = tpu.vector_load %arg6[%get3A_1002, %get3A_1003, %get3A_1004, %get3A_1005] {strides = array<i32>} : memref<2x8x50x64xf32, #tpu.memory_space<vmem>>, vector<1x1x1x16xf32>,
        %get3A_1007 = vector.shape_cast %get3A_1006 : vector<1x1x1x16xf32> to vector<16xf32>
        %add3A_1008 = arith.addf %scan3A_989, %get3A_1007 : vector<16xf32>
        %get3A_1009 = arith.constant 1 : i32
        %get3A_1010 = arith.constant 0 : i32
        %get3A_1011 = arith.index_cast %get3A_1009 : i32 to index
        %get3A_1012 = arith.index_cast %get3A_1010 : i32 to index
        %get3A_1013 = arith.index_cast %scan3A_987 : i32 to index
        %get3A_1014 = arith.constant 32 : index
        %get3A_1015 = tpu.vector_load %arg6[%get3A_1011, %get3A_1012, %get3A_1013, %get3A_1014] {strides = array<i32>} : memref<2x8x50x64xf32, #tpu.memory_space<vmem>>, vector<1x1x1x16xf32>,
        %get3A_1016 = vector.shape_cast %get3A_1015 : vector<1x1x1x16xf32> to vector<16xf32>
        %add3A_1017 = arith.addf %scan3A_990, %get3A_1016 : vector<16xf32>
        %get3A_1018 = arith.constant 1 : i32
        %get3A_1019 = arith.constant 0 : i32
        %get3A_1020 = arith.index_cast %get3A_1018 : i32 to index
        %get3A_1021 = arith.index_cast %get3A_1019 : i32 to index
        %get3A_1022 = arith.index_cast %scan3A_987 : i32 to index
        %get3A_1023 = arith.constant 48 : index
        %get3A_1024 = tpu.vector_load %arg6[%get3A_1020, %get3A_1021, %get3A_1022, %get3A_1023] {strides = array<i32>} : memref<2x8x50x64xf32, #tpu.memory_space<vmem>>, vector<1x1x1x16xf32>,
        %get3A_1025 = vector.shape_cast %get3A_1024 : vector<1x1x1x16xf32> to vector<16xf32>
        %add3A_1026 = arith.addf %scan3A_991, %get3A_1025 : vector<16xf32>
        scf.yield %add3A_999, %add3A_1008, %add3A_1017, %add3A_1026 : vector<16xf32>, vector<16xf32>, vector<16xf32>, vector<16xf32>
      }
      %scan3A_735 = arith.constant 50 : i32
      %swap3A_736 = arith.constant 0 : i32
      %swap3A_737 = arith.index_cast %swap3A_736 : i32 to index
      %swap3A_738 = arith.constant 0 : index
      %swap3A_739 = tpu.vector_load %arg7[%swap3A_737, %swap3A_738] {strides = array<i32>} : memref<8x64xf32, #tpu.memory_space<vmem>>, vector<1x16xf32>,
      %swap3A_740 = vector.shape_cast %swap3A_739 : vector<1x16xf32> to vector<16xf32>
      %swap3A_741 = vector.shape_cast %scan3A_734#0 : vector<16xf32> to vector<1x16xf32>
      tpu.vector_store %arg7[%swap3A_737, %swap3A_738], %swap3A_741 {strides = array<i32>} : memref<8x64xf32, #tpu.memory_space<vmem>>, vector<1x16xf32>,
      %swap3A_742 = arith.constant 0 : i32
      %swap3A_743 = arith.index_cast %swap3A_742 : i32 to index
      %swap3A_744 = arith.constant 16 : index
      %swap3A_745 = tpu.vector_load %arg7[%swap3A_743, %swap3A_744] {strides = array<i32>} : memref<8x64xf32, #tpu.memory_space<vmem>>, vector<1x16xf32>,
      %swap3A_746 = vector.shape_cast %swap3A_745 : vector<1x16xf32> to vector<16xf32>
      %swap3A_747 = vector.shape_cast %scan3A_734#1 : vector<16xf32> to vector<1x16xf32>
      tpu.vector_store %arg7[%swap3A_743, %swap3A_744], %swap3A_747 {strides = array<i32>} : memref<8x64xf32, #tpu.memory_space<vmem>>, vector<1x16xf32>,
      %swap3A_748 = arith.constant 0 : i32
      %swap3A_749 = arith.index_cast %swap3A_748 : i32 to index
      %swap3A_750 = arith.constant 32 : index
      %swap3A_751 = tpu.vector_load %arg7[%swap3A_749, %swap3A_750] {strides = array<i32>} : memref<8x64xf32, #tpu.memory_space<vmem>>, vector<1x16xf32>,
      %swap3A_752 = vector.shape_cast %swap3A_751 : vector<1x16xf32> to vector<16xf32>
      %swap3A_753 = vector.shape_cast %scan3A_734#2 : vector<16xf32> to vector<1x16xf32>
      tpu.vector_store %arg7[%swap3A_749, %swap3A_750], %swap3A_753 {strides = array<i32>} : memref<8x64xf32, #tpu.memory_space<vmem>>, vector<1x16xf32>,
      %swap3A_754 = arith.constant 0 : i32
      %swap3A_755 = arith.index_cast %swap3A_754 : i32 to index
      %swap3A_756 = arith.constant 48 : index
      %swap3A_757 = tpu.vector_load %arg7[%swap3A_755, %swap3A_756] {strides = array<i32>} : memref<8x64xf32, #tpu.memory_space<vmem>>, vector<1x16xf32>,
      %swap3A_758 = vector.shape_cast %swap3A_757 : vector<1x16xf32> to vector<16xf32>
      %swap3A_759 = vector.shape_cast %scan3A_734#3 : vector<16xf32> to vector<1x16xf32>
      tpu.vector_store %arg7[%swap3A_755, %swap3A_756], %swap3A_759 {strides = array<i32>} : memref<8x64xf32, #tpu.memory_space<vmem>>, vector<1x16xf32>,
      %broadcast_in_dim3A_760 = arith.constant 0.000000e+00 : f32
      %broadcast_in_dim3A_761 = vector.broadcast %broadcast_in_dim3A_760 : f32 to vector<16xf32>
      %scan3A_762 = arith.constant 0 : i32
      %scan3A_763 = arith.constant 50 : i32
      %scan3A_764 = arith.addi %scan3A_762, %scan3A_763 : i32
      %scan3A_765 = arith.constant 1 : i32
      %scan3A_766:4 = scf.for %scan3A_987 = %scan3A_762 to %scan3A_764 step %scan3A_765 iter_args(%scan3A_988 = %broadcast_in_dim3A_761, %scan3A_989 = %broadcast_in_dim3A_761, %scan3A_990 = %broadcast_in_dim3A_761, %scan3A_991 = %broadcast_in_dim3A_761) -> (vector<16xf32>, vector<16xf32>, vector<16xf32>, vector<16xf32>)  : i32 {
        %get3A = arith.constant 1 : i32
        %get3A_992 = arith.constant 1 : i32
        %get3A_993 = arith.index_cast %get3A : i32 to index
        %get3A_994 = arith.index_cast %get3A_992 : i32 to index
        %get3A_995 = arith.index_cast %scan3A_987 : i32 to index
        %get3A_996 = arith.constant 0 : index
        %get3A_997 = tpu.vector_load %arg6[%get3A_993, %get3A_994, %get3A_995, %get3A_996] {strides = array<i32>} : memref<2x8x50x64xf32, #tpu.memory_space<vmem>>, vector<1x1x1x16xf32>,
        %get3A_998 = vector.shape_cast %get3A_997 : vector<1x1x1x16xf32> to vector<16xf32>
        %add3A_999 = arith.addf %scan3A_988, %get3A_998 : vector<16xf32>
        %get3A_1000 = arith.constant 1 : i32
        %get3A_1001 = arith.constant 1 : i32
        %get3A_1002 = arith.index_cast %get3A_1000 : i32 to index
        %get3A_1003 = arith.index_cast %get3A_1001 : i32 to index
        %get3A_1004 = arith.index_cast %scan3A_987 : i32 to index
        %get3A_1005 = arith.constant 16 : index
        %get3A_1006 = tpu.vector_load %arg6[%get3A_1002, %get3A_1003, %get3A_1004, %get3A_1005] {strides = array<i32>} : memref<2x8x50x64xf32, #tpu.memory_space<vmem>>, vector<1x1x1x16xf32>,
        %get3A_1007 = vector.shape_cast %get3A_1006 : vector<1x1x1x16xf32> to vector<16xf32>
        %add3A_1008 = arith.addf %scan3A_989, %get3A_1007 : vector<16xf32>
        %get3A_1009 = arith.constant 1 : i32
        %get3A_1010 = arith.constant 1 : i32
        %get3A_1011 = arith.index_cast %get3A_1009 : i32 to index
        %get3A_1012 = arith.index_cast %get3A_1010 : i32 to index
        %get3A_1013 = arith.index_cast %scan3A_987 : i32 to index
        %get3A_1014 = arith.constant 32 : index
        %get3A_1015 = tpu.vector_load %arg6[%get3A_1011, %get3A_1012, %get3A_1013, %get3A_1014] {strides = array<i32>} : memref<2x8x50x64xf32, #tpu.memory_space<vmem>>, vector<1x1x1x16xf32>,
        %get3A_1016 = vector.shape_cast %get3A_1015 : vector<1x1x1x16xf32> to vector<16xf32>
        %add3A_1017 = arith.addf %scan3A_990, %get3A_1016 : vector<16xf32>
        %get3A_1018 = arith.constant 1 : i32
        %get3A_1019 = arith.constant 1 : i32
        %get3A_1020 = arith.index_cast %get3A_1018 : i32 to index
        %get3A_1021 = arith.index_cast %get3A_1019 : i32 to index
        %get3A_1022 = arith.index_cast %scan3A_987 : i32 to index
        %get3A_1023 = arith.constant 48 : index
        %get3A_1024 = tpu.vector_load %arg6[%get3A_1020, %get3A_1021, %get3A_1022, %get3A_1023] {strides = array<i32>} : memref<2x8x50x64xf32, #tpu.memory_space<vmem>>, vector<1x1x1x16xf32>,
        %get3A_1025 = vector.shape_cast %get3A_1024 : vector<1x1x1x16xf32> to vector<16xf32>
        %add3A_1026 = arith.addf %scan3A_991, %get3A_1025 : vector<16xf32>
        scf.yield %add3A_999, %add3A_1008, %add3A_1017, %add3A_1026 : vector<16xf32>, vector<16xf32>, vector<16xf32>, vector<16xf32>
      }
      %scan3A_767 = arith.constant 50 : i32
      %swap3A_768 = arith.constant 1 : i32
      %swap3A_769 = arith.index_cast %swap3A_768 : i32 to index
      %swap3A_770 = arith.constant 0 : index
      %swap3A_771 = tpu.vector_load %arg7[%swap3A_769, %swap3A_770] {strides = array<i32>} : memref<8x64xf32, #tpu.memory_space<vmem>>, vector<1x16xf32>,
      %swap3A_772 = vector.shape_cast %swap3A_771 : vector<1x16xf32> to vector<16xf32>
      %swap3A_773 = vector.shape_cast %scan3A_766#0 : vector<16xf32> to vector<1x16xf32>
      tpu.vector_store %arg7[%swap3A_769, %swap3A_770], %swap3A_773 {strides = array<i32>} : memref<8x64xf32, #tpu.memory_space<vmem>>, vector<1x16xf32>,
      %swap3A_774 = arith.constant 1 : i32
      %swap3A_775 = arith.index_cast %swap3A_774 : i32 to index
      %swap3A_776 = arith.constant 16 : index
      %swap3A_777 = tpu.vector_load %arg7[%swap3A_775, %swap3A_776] {strides = array<i32>} : memref<8x64xf32, #tpu.memory_space<vmem>>, vector<1x16xf32>,
      %swap3A_778 = vector.shape_cast %swap3A_777 : vector<1x16xf32> to vector<16xf32>
      %swap3A_779 = vector.shape_cast %scan3A_766#1 : vector<16xf32> to vector<1x16xf32>
      tpu.vector_store %arg7[%swap3A_775, %swap3A_776], %swap3A_779 {strides = array<i32>} : memref<8x64xf32, #tpu.memory_space<vmem>>, vector<1x16xf32>,
      %swap3A_780 = arith.constant 1 : i32
      %swap3A_781 = arith.index_cast %swap3A_780 : i32 to index
      %swap3A_782 = arith.constant 32 : index
      %swap3A_783 = tpu.vector_load %arg7[%swap3A_781, %swap3A_782] {strides = array<i32>} : memref<8x64xf32, #tpu.memory_space<vmem>>, vector<1x16xf32>,
      %swap3A_784 = vector.shape_cast %swap3A_783 : vector<1x16xf32> to vector<16xf32>
      %swap3A_785 = vector.shape_cast %scan3A_766#2 : vector<16xf32> to vector<1x16xf32>
      tpu.vector_store %arg7[%swap3A_781, %swap3A_782], %swap3A_785 {strides = array<i32>} : memref<8x64xf32, #tpu.memory_space<vmem>>, vector<1x16xf32>,
      %swap3A_786 = arith.constant 1 : i32
      %swap3A_787 = arith.index_cast %swap3A_786 : i32 to index
      %swap3A_788 = arith.constant 48 : index
      %swap3A_789 = tpu.vector_load %arg7[%swap3A_787, %swap3A_788] {strides = array<i32>} : memref<8x64xf32, #tpu.memory_space<vmem>>, vector<1x16xf32>,
      %swap3A_790 = vector.shape_cast %swap3A_789 : vector<1x16xf32> to vector<16xf32>
      %swap3A_791 = vector.shape_cast %scan3A_766#3 : vector<16xf32> to vector<1x16xf32>
      tpu.vector_store %arg7[%swap3A_787, %swap3A_788], %swap3A_791 {strides = array<i32>} : memref<8x64xf32, #tpu.memory_space<vmem>>, vector<1x16xf32>,
      %broadcast_in_dim3A_792 = arith.constant 0.000000e+00 : f32
      %broadcast_in_dim3A_793 = vector.broadcast %broadcast_in_dim3A_792 : f32 to vector<16xf32>
      %scan3A_794 = arith.constant 0 : i32
      %scan3A_795 = arith.constant 50 : i32
      %scan3A_796 = arith.addi %scan3A_794, %scan3A_795 : i32
      %scan3A_797 = arith.constant 1 : i32
      %scan3A_798:4 = scf.for %scan3A_987 = %scan3A_794 to %scan3A_796 step %scan3A_797 iter_args(%scan3A_988 = %broadcast_in_dim3A_793, %scan3A_989 = %broadcast_in_dim3A_793, %scan3A_990 = %broadcast_in_dim3A_793, %scan3A_991 = %broadcast_in_dim3A_793) -> (vector<16xf32>, vector<16xf32>, vector<16xf32>, vector<16xf32>)  : i32 {
        %get3A = arith.constant 1 : i32
        %get3A_992 = arith.constant 2 : i32
        %get3A_993 = arith.index_cast %get3A : i32 to index
        %get3A_994 = arith.index_cast %get3A_992 : i32 to index
        %get3A_995 = arith.index_cast %scan3A_987 : i32 to index
        %get3A_996 = arith.constant 0 : index
        %get3A_997 = tpu.vector_load %arg6[%get3A_993, %get3A_994, %get3A_995, %get3A_996] {strides = array<i32>} : memref<2x8x50x64xf32, #tpu.memory_space<vmem>>, vector<1x1x1x16xf32>,
        %get3A_998 = vector.shape_cast %get3A_997 : vector<1x1x1x16xf32> to vector<16xf32>
        %add3A_999 = arith.addf %scan3A_988, %get3A_998 : vector<16xf32>
        %get3A_1000 = arith.constant 1 : i32
        %get3A_1001 = arith.constant 2 : i32
        %get3A_1002 = arith.index_cast %get3A_1000 : i32 to index
        %get3A_1003 = arith.index_cast %get3A_1001 : i32 to index
        %get3A_1004 = arith.index_cast %scan3A_987 : i32 to index
        %get3A_1005 = arith.constant 16 : index
        %get3A_1006 = tpu.vector_load %arg6[%get3A_1002, %get3A_1003, %get3A_1004, %get3A_1005] {strides = array<i32>} : memref<2x8x50x64xf32, #tpu.memory_space<vmem>>, vector<1x1x1x16xf32>,
        %get3A_1007 = vector.shape_cast %get3A_1006 : vector<1x1x1x16xf32> to vector<16xf32>
        %add3A_1008 = arith.addf %scan3A_989, %get3A_1007 : vector<16xf32>
        %get3A_1009 = arith.constant 1 : i32
        %get3A_1010 = arith.constant 2 : i32
        %get3A_1011 = arith.index_cast %get3A_1009 : i32 to index
        %get3A_1012 = arith.index_cast %get3A_1010 : i32 to index
        %get3A_1013 = arith.index_cast %scan3A_987 : i32 to index
        %get3A_1014 = arith.constant 32 : index
        %get3A_1015 = tpu.vector_load %arg6[%get3A_1011, %get3A_1012, %get3A_1013, %get3A_1014] {strides = array<i32>} : memref<2x8x50x64xf32, #tpu.memory_space<vmem>>, vector<1x1x1x16xf32>,
        %get3A_1016 = vector.shape_cast %get3A_1015 : vector<1x1x1x16xf32> to vector<16xf32>
        %add3A_1017 = arith.addf %scan3A_990, %get3A_1016 : vector<16xf32>
        %get3A_1018 = arith.constant 1 : i32
        %get3A_1019 = arith.constant 2 : i32
        %get3A_1020 = arith.index_cast %get3A_1018 : i32 to index
        %get3A_1021 = arith.index_cast %get3A_1019 : i32 to index
        %get3A_1022 = arith.index_cast %scan3A_987 : i32 to index
        %get3A_1023 = arith.constant 48 : index
        %get3A_1024 = tpu.vector_load %arg6[%get3A_1020, %get3A_1021, %get3A_1022, %get3A_1023] {strides = array<i32>} : memref<2x8x50x64xf32, #tpu.memory_space<vmem>>, vector<1x1x1x16xf32>,
        %get3A_1025 = vector.shape_cast %get3A_1024 : vector<1x1x1x16xf32> to vector<16xf32>
        %add3A_1026 = arith.addf %scan3A_991, %get3A_1025 : vector<16xf32>
        scf.yield %add3A_999, %add3A_1008, %add3A_1017, %add3A_1026 : vector<16xf32>, vector<16xf32>, vector<16xf32>, vector<16xf32>
      }
      %scan3A_799 = arith.constant 50 : i32
      %swap3A_800 = arith.constant 2 : i32
      %swap3A_801 = arith.index_cast %swap3A_800 : i32 to index
      %swap3A_802 = arith.constant 0 : index
      %swap3A_803 = tpu.vector_load %arg7[%swap3A_801, %swap3A_802] {strides = array<i32>} : memref<8x64xf32, #tpu.memory_space<vmem>>, vector<1x16xf32>,
      %swap3A_804 = vector.shape_cast %swap3A_803 : vector<1x16xf32> to vector<16xf32>
      %swap3A_805 = vector.shape_cast %scan3A_798#0 : vector<16xf32> to vector<1x16xf32>
      tpu.vector_store %arg7[%swap3A_801, %swap3A_802], %swap3A_805 {strides = array<i32>} : memref<8x64xf32, #tpu.memory_space<vmem>>, vector<1x16xf32>,
      %swap3A_806 = arith.constant 2 : i32
      %swap3A_807 = arith.index_cast %swap3A_806 : i32 to index
      %swap3A_808 = arith.constant 16 : index
      %swap3A_809 = tpu.vector_load %arg7[%swap3A_807, %swap3A_808] {strides = array<i32>} : memref<8x64xf32, #tpu.memory_space<vmem>>, vector<1x16xf32>,
      %swap3A_810 = vector.shape_cast %swap3A_809 : vector<1x16xf32> to vector<16xf32>
      %swap3A_811 = vector.shape_cast %scan3A_798#1 : vector<16xf32> to vector<1x16xf32>
      tpu.vector_store %arg7[%swap3A_807, %swap3A_808], %swap3A_811 {strides = array<i32>} : memref<8x64xf32, #tpu.memory_space<vmem>>, vector<1x16xf32>,
      %swap3A_812 = arith.constant 2 : i32
      %swap3A_813 = arith.index_cast %swap3A_812 : i32 to index
      %swap3A_814 = arith.constant 32 : index
      %swap3A_815 = tpu.vector_load %arg7[%swap3A_813, %swap3A_814] {strides = array<i32>} : memref<8x64xf32, #tpu.memory_space<vmem>>, vector<1x16xf32>,
      %swap3A_816 = vector.shape_cast %swap3A_815 : vector<1x16xf32> to vector<16xf32>
      %swap3A_817 = vector.shape_cast %scan3A_798#2 : vector<16xf32> to vector<1x16xf32>
      tpu.vector_store %arg7[%swap3A_813, %swap3A_814], %swap3A_817 {strides = array<i32>} : memref<8x64xf32, #tpu.memory_space<vmem>>, vector<1x16xf32>,
      %swap3A_818 = arith.constant 2 : i32
      %swap3A_819 = arith.index_cast %swap3A_818 : i32 to index
      %swap3A_820 = arith.constant 48 : index
      %swap3A_821 = tpu.vector_load %arg7[%swap3A_819, %swap3A_820] {strides = array<i32>} : memref<8x64xf32, #tpu.memory_space<vmem>>, vector<1x16xf32>,
      %swap3A_822 = vector.shape_cast %swap3A_821 : vector<1x16xf32> to vector<16xf32>
      %swap3A_823 = vector.shape_cast %scan3A_798#3 : vector<16xf32> to vector<1x16xf32>
      tpu.vector_store %arg7[%swap3A_819, %swap3A_820], %swap3A_823 {strides = array<i32>} : memref<8x64xf32, #tpu.memory_space<vmem>>, vector<1x16xf32>,
      %broadcast_in_dim3A_824 = arith.constant 0.000000e+00 : f32
      %broadcast_in_dim3A_825 = vector.broadcast %broadcast_in_dim3A_824 : f32 to vector<16xf32>
      %scan3A_826 = arith.constant 0 : i32
      %scan3A_827 = arith.constant 50 : i32
      %scan3A_828 = arith.addi %scan3A_826, %scan3A_827 : i32
      %scan3A_829 = arith.constant 1 : i32
      %scan3A_830:4 = scf.for %scan3A_987 = %scan3A_826 to %scan3A_828 step %scan3A_829 iter_args(%scan3A_988 = %broadcast_in_dim3A_825, %scan3A_989 = %broadcast_in_dim3A_825, %scan3A_990 = %broadcast_in_dim3A_825, %scan3A_991 = %broadcast_in_dim3A_825) -> (vector<16xf32>, vector<16xf32>, vector<16xf32>, vector<16xf32>)  : i32 {
        %get3A = arith.constant 1 : i32
        %get3A_992 = arith.constant 3 : i32
        %get3A_993 = arith.index_cast %get3A : i32 to index
        %get3A_994 = arith.index_cast %get3A_992 : i32 to index
        %get3A_995 = arith.index_cast %scan3A_987 : i32 to index
        %get3A_996 = arith.constant 0 : index
        %get3A_997 = tpu.vector_load %arg6[%get3A_993, %get3A_994, %get3A_995, %get3A_996] {strides = array<i32>} : memref<2x8x50x64xf32, #tpu.memory_space<vmem>>, vector<1x1x1x16xf32>,
        %get3A_998 = vector.shape_cast %get3A_997 : vector<1x1x1x16xf32> to vector<16xf32>
        %add3A_999 = arith.addf %scan3A_988, %get3A_998 : vector<16xf32>
        %get3A_1000 = arith.constant 1 : i32
        %get3A_1001 = arith.constant 3 : i32
        %get3A_1002 = arith.index_cast %get3A_1000 : i32 to index
        %get3A_1003 = arith.index_cast %get3A_1001 : i32 to index
        %get3A_1004 = arith.index_cast %scan3A_987 : i32 to index
        %get3A_1005 = arith.constant 16 : index
        %get3A_1006 = tpu.vector_load %arg6[%get3A_1002, %get3A_1003, %get3A_1004, %get3A_1005] {strides = array<i32>} : memref<2x8x50x64xf32, #tpu.memory_space<vmem>>, vector<1x1x1x16xf32>,
        %get3A_1007 = vector.shape_cast %get3A_1006 : vector<1x1x1x16xf32> to vector<16xf32>
        %add3A_1008 = arith.addf %scan3A_989, %get3A_1007 : vector<16xf32>
        %get3A_1009 = arith.constant 1 : i32
        %get3A_1010 = arith.constant 3 : i32
        %get3A_1011 = arith.index_cast %get3A_1009 : i32 to index
        %get3A_1012 = arith.index_cast %get3A_1010 : i32 to index
        %get3A_1013 = arith.index_cast %scan3A_987 : i32 to index
        %get3A_1014 = arith.constant 32 : index
        %get3A_1015 = tpu.vector_load %arg6[%get3A_1011, %get3A_1012, %get3A_1013, %get3A_1014] {strides = array<i32>} : memref<2x8x50x64xf32, #tpu.memory_space<vmem>>, vector<1x1x1x16xf32>,
        %get3A_1016 = vector.shape_cast %get3A_1015 : vector<1x1x1x16xf32> to vector<16xf32>
        %add3A_1017 = arith.addf %scan3A_990, %get3A_1016 : vector<16xf32>
        %get3A_1018 = arith.constant 1 : i32
        %get3A_1019 = arith.constant 3 : i32
        %get3A_1020 = arith.index_cast %get3A_1018 : i32 to index
        %get3A_1021 = arith.index_cast %get3A_1019 : i32 to index
        %get3A_1022 = arith.index_cast %scan3A_987 : i32 to index
        %get3A_1023 = arith.constant 48 : index
        %get3A_1024 = tpu.vector_load %arg6[%get3A_1020, %get3A_1021, %get3A_1022, %get3A_1023] {strides = array<i32>} : memref<2x8x50x64xf32, #tpu.memory_space<vmem>>, vector<1x1x1x16xf32>,
        %get3A_1025 = vector.shape_cast %get3A_1024 : vector<1x1x1x16xf32> to vector<16xf32>
        %add3A_1026 = arith.addf %scan3A_991, %get3A_1025 : vector<16xf32>
        scf.yield %add3A_999, %add3A_1008, %add3A_1017, %add3A_1026 : vector<16xf32>, vector<16xf32>, vector<16xf32>, vector<16xf32>
      }
      %scan3A_831 = arith.constant 50 : i32
      %swap3A_832 = arith.constant 3 : i32
      %swap3A_833 = arith.index_cast %swap3A_832 : i32 to index
      %swap3A_834 = arith.constant 0 : index
      %swap3A_835 = tpu.vector_load %arg7[%swap3A_833, %swap3A_834] {strides = array<i32>} : memref<8x64xf32, #tpu.memory_space<vmem>>, vector<1x16xf32>,
      %swap3A_836 = vector.shape_cast %swap3A_835 : vector<1x16xf32> to vector<16xf32>
      %swap3A_837 = vector.shape_cast %scan3A_830#0 : vector<16xf32> to vector<1x16xf32>
      tpu.vector_store %arg7[%swap3A_833, %swap3A_834], %swap3A_837 {strides = array<i32>} : memref<8x64xf32, #tpu.memory_space<vmem>>, vector<1x16xf32>,
      %swap3A_838 = arith.constant 3 : i32
      %swap3A_839 = arith.index_cast %swap3A_838 : i32 to index
      %swap3A_840 = arith.constant 16 : index
      %swap3A_841 = tpu.vector_load %arg7[%swap3A_839, %swap3A_840] {strides = array<i32>} : memref<8x64xf32, #tpu.memory_space<vmem>>, vector<1x16xf32>,
      %swap3A_842 = vector.shape_cast %swap3A_841 : vector<1x16xf32> to vector<16xf32>
      %swap3A_843 = vector.shape_cast %scan3A_830#1 : vector<16xf32> to vector<1x16xf32>
      tpu.vector_store %arg7[%swap3A_839, %swap3A_840], %swap3A_843 {strides = array<i32>} : memref<8x64xf32, #tpu.memory_space<vmem>>, vector<1x16xf32>,
      %swap3A_844 = arith.constant 3 : i32
      %swap3A_845 = arith.index_cast %swap3A_844 : i32 to index
      %swap3A_846 = arith.constant 32 : index
      %swap3A_847 = tpu.vector_load %arg7[%swap3A_845, %swap3A_846] {strides = array<i32>} : memref<8x64xf32, #tpu.memory_space<vmem>>, vector<1x16xf32>,
      %swap3A_848 = vector.shape_cast %swap3A_847 : vector<1x16xf32> to vector<16xf32>
      %swap3A_849 = vector.shape_cast %scan3A_830#2 : vector<16xf32> to vector<1x16xf32>
      tpu.vector_store %arg7[%swap3A_845, %swap3A_846], %swap3A_849 {strides = array<i32>} : memref<8x64xf32, #tpu.memory_space<vmem>>, vector<1x16xf32>,
      %swap3A_850 = arith.constant 3 : i32
      %swap3A_851 = arith.index_cast %swap3A_850 : i32 to index
      %swap3A_852 = arith.constant 48 : index
      %swap3A_853 = tpu.vector_load %arg7[%swap3A_851, %swap3A_852] {strides = array<i32>} : memref<8x64xf32, #tpu.memory_space<vmem>>, vector<1x16xf32>,
      %swap3A_854 = vector.shape_cast %swap3A_853 : vector<1x16xf32> to vector<16xf32>
      %swap3A_855 = vector.shape_cast %scan3A_830#3 : vector<16xf32> to vector<1x16xf32>
      tpu.vector_store %arg7[%swap3A_851, %swap3A_852], %swap3A_855 {strides = array<i32>} : memref<8x64xf32, #tpu.memory_space<vmem>>, vector<1x16xf32>,
      %broadcast_in_dim3A_856 = arith.constant 0.000000e+00 : f32
      %broadcast_in_dim3A_857 = vector.broadcast %broadcast_in_dim3A_856 : f32 to vector<16xf32>
      %scan3A_858 = arith.constant 0 : i32
      %scan3A_859 = arith.constant 50 : i32
      %scan3A_860 = arith.addi %scan3A_858, %scan3A_859 : i32
      %scan3A_861 = arith.constant 1 : i32
      %scan3A_862:4 = scf.for %scan3A_987 = %scan3A_858 to %scan3A_860 step %scan3A_861 iter_args(%scan3A_988 = %broadcast_in_dim3A_857, %scan3A_989 = %broadcast_in_dim3A_857, %scan3A_990 = %broadcast_in_dim3A_857, %scan3A_991 = %broadcast_in_dim3A_857) -> (vector<16xf32>, vector<16xf32>, vector<16xf32>, vector<16xf32>)  : i32 {
        %get3A = arith.constant 1 : i32
        %get3A_992 = arith.constant 4 : i32
        %get3A_993 = arith.index_cast %get3A : i32 to index
        %get3A_994 = arith.index_cast %get3A_992 : i32 to index
        %get3A_995 = arith.index_cast %scan3A_987 : i32 to index
        %get3A_996 = arith.constant 0 : index
        %get3A_997 = tpu.vector_load %arg6[%get3A_993, %get3A_994, %get3A_995, %get3A_996] {strides = array<i32>} : memref<2x8x50x64xf32, #tpu.memory_space<vmem>>, vector<1x1x1x16xf32>,
        %get3A_998 = vector.shape_cast %get3A_997 : vector<1x1x1x16xf32> to vector<16xf32>
        %add3A_999 = arith.addf %scan3A_988, %get3A_998 : vector<16xf32>
        %get3A_1000 = arith.constant 1 : i32
        %get3A_1001 = arith.constant 4 : i32
        %get3A_1002 = arith.index_cast %get3A_1000 : i32 to index
        %get3A_1003 = arith.index_cast %get3A_1001 : i32 to index
        %get3A_1004 = arith.index_cast %scan3A_987 : i32 to index
        %get3A_1005 = arith.constant 16 : index
        %get3A_1006 = tpu.vector_load %arg6[%get3A_1002, %get3A_1003, %get3A_1004, %get3A_1005] {strides = array<i32>} : memref<2x8x50x64xf32, #tpu.memory_space<vmem>>, vector<1x1x1x16xf32>,
        %get3A_1007 = vector.shape_cast %get3A_1006 : vector<1x1x1x16xf32> to vector<16xf32>
        %add3A_1008 = arith.addf %scan3A_989, %get3A_1007 : vector<16xf32>
        %get3A_1009 = arith.constant 1 : i32
        %get3A_1010 = arith.constant 4 : i32
        %get3A_1011 = arith.index_cast %get3A_1009 : i32 to index
        %get3A_1012 = arith.index_cast %get3A_1010 : i32 to index
        %get3A_1013 = arith.index_cast %scan3A_987 : i32 to index
        %get3A_1014 = arith.constant 32 : index
        %get3A_1015 = tpu.vector_load %arg6[%get3A_1011, %get3A_1012, %get3A_1013, %get3A_1014] {strides = array<i32>} : memref<2x8x50x64xf32, #tpu.memory_space<vmem>>, vector<1x1x1x16xf32>,
        %get3A_1016 = vector.shape_cast %get3A_1015 : vector<1x1x1x16xf32> to vector<16xf32>
        %add3A_1017 = arith.addf %scan3A_990, %get3A_1016 : vector<16xf32>
        %get3A_1018 = arith.constant 1 : i32
        %get3A_1019 = arith.constant 4 : i32
        %get3A_1020 = arith.index_cast %get3A_1018 : i32 to index
        %get3A_1021 = arith.index_cast %get3A_1019 : i32 to index
        %get3A_1022 = arith.index_cast %scan3A_987 : i32 to index
        %get3A_1023 = arith.constant 48 : index
        %get3A_1024 = tpu.vector_load %arg6[%get3A_1020, %get3A_1021, %get3A_1022, %get3A_1023] {strides = array<i32>} : memref<2x8x50x64xf32, #tpu.memory_space<vmem>>, vector<1x1x1x16xf32>,
        %get3A_1025 = vector.shape_cast %get3A_1024 : vector<1x1x1x16xf32> to vector<16xf32>
        %add3A_1026 = arith.addf %scan3A_991, %get3A_1025 : vector<16xf32>
        scf.yield %add3A_999, %add3A_1008, %add3A_1017, %add3A_1026 : vector<16xf32>, vector<16xf32>, vector<16xf32>, vector<16xf32>
      }
      %scan3A_863 = arith.constant 50 : i32
      %swap3A_864 = arith.constant 4 : i32
      %swap3A_865 = arith.index_cast %swap3A_864 : i32 to index
      %swap3A_866 = arith.constant 0 : index
      %swap3A_867 = tpu.vector_load %arg7[%swap3A_865, %swap3A_866] {strides = array<i32>} : memref<8x64xf32, #tpu.memory_space<vmem>>, vector<1x16xf32>,
      %swap3A_868 = vector.shape_cast %swap3A_867 : vector<1x16xf32> to vector<16xf32>
      %swap3A_869 = vector.shape_cast %scan3A_862#0 : vector<16xf32> to vector<1x16xf32>
      tpu.vector_store %arg7[%swap3A_865, %swap3A_866], %swap3A_869 {strides = array<i32>} : memref<8x64xf32, #tpu.memory_space<vmem>>, vector<1x16xf32>,
      %swap3A_870 = arith.constant 4 : i32
      %swap3A_871 = arith.index_cast %swap3A_870 : i32 to index
      %swap3A_872 = arith.constant 16 : index
      %swap3A_873 = tpu.vector_load %arg7[%swap3A_871, %swap3A_872] {strides = array<i32>} : memref<8x64xf32, #tpu.memory_space<vmem>>, vector<1x16xf32>,
      %swap3A_874 = vector.shape_cast %swap3A_873 : vector<1x16xf32> to vector<16xf32>
      %swap3A_875 = vector.shape_cast %scan3A_862#1 : vector<16xf32> to vector<1x16xf32>
      tpu.vector_store %arg7[%swap3A_871, %swap3A_872], %swap3A_875 {strides = array<i32>} : memref<8x64xf32, #tpu.memory_space<vmem>>, vector<1x16xf32>,
      %swap3A_876 = arith.constant 4 : i32
      %swap3A_877 = arith.index_cast %swap3A_876 : i32 to index
      %swap3A_878 = arith.constant 32 : index
      %swap3A_879 = tpu.vector_load %arg7[%swap3A_877, %swap3A_878] {strides = array<i32>} : memref<8x64xf32, #tpu.memory_space<vmem>>, vector<1x16xf32>,
      %swap3A_880 = vector.shape_cast %swap3A_879 : vector<1x16xf32> to vector<16xf32>
      %swap3A_881 = vector.shape_cast %scan3A_862#2 : vector<16xf32> to vector<1x16xf32>
      tpu.vector_store %arg7[%swap3A_877, %swap3A_878], %swap3A_881 {strides = array<i32>} : memref<8x64xf32, #tpu.memory_space<vmem>>, vector<1x16xf32>,
      %swap3A_882 = arith.constant 4 : i32
      %swap3A_883 = arith.index_cast %swap3A_882 : i32 to index
      %swap3A_884 = arith.constant 48 : index
      %swap3A_885 = tpu.vector_load %arg7[%swap3A_883, %swap3A_884] {strides = array<i32>} : memref<8x64xf32, #tpu.memory_space<vmem>>, vector<1x16xf32>,
      %swap3A_886 = vector.shape_cast %swap3A_885 : vector<1x16xf32> to vector<16xf32>
      %swap3A_887 = vector.shape_cast %scan3A_862#3 : vector<16xf32> to vector<1x16xf32>
      tpu.vector_store %arg7[%swap3A_883, %swap3A_884], %swap3A_887 {strides = array<i32>} : memref<8x64xf32, #tpu.memory_space<vmem>>, vector<1x16xf32>,
      %broadcast_in_dim3A_888 = arith.constant 0.000000e+00 : f32
      %broadcast_in_dim3A_889 = vector.broadcast %broadcast_in_dim3A_888 : f32 to vector<16xf32>
      %scan3A_890 = arith.constant 0 : i32
      %scan3A_891 = arith.constant 50 : i32
      %scan3A_892 = arith.addi %scan3A_890, %scan3A_891 : i32
      %scan3A_893 = arith.constant 1 : i32
      %scan3A_894:4 = scf.for %scan3A_987 = %scan3A_890 to %scan3A_892 step %scan3A_893 iter_args(%scan3A_988 = %broadcast_in_dim3A_889, %scan3A_989 = %broadcast_in_dim3A_889, %scan3A_990 = %broadcast_in_dim3A_889, %scan3A_991 = %broadcast_in_dim3A_889) -> (vector<16xf32>, vector<16xf32>, vector<16xf32>, vector<16xf32>)  : i32 {
        %get3A = arith.constant 1 : i32
        %get3A_992 = arith.constant 5 : i32
        %get3A_993 = arith.index_cast %get3A : i32 to index
        %get3A_994 = arith.index_cast %get3A_992 : i32 to index
        %get3A_995 = arith.index_cast %scan3A_987 : i32 to index
        %get3A_996 = arith.constant 0 : index
        %get3A_997 = tpu.vector_load %arg6[%get3A_993, %get3A_994, %get3A_995, %get3A_996] {strides = array<i32>} : memref<2x8x50x64xf32, #tpu.memory_space<vmem>>, vector<1x1x1x16xf32>,
        %get3A_998 = vector.shape_cast %get3A_997 : vector<1x1x1x16xf32> to vector<16xf32>
        %add3A_999 = arith.addf %scan3A_988, %get3A_998 : vector<16xf32>
        %get3A_1000 = arith.constant 1 : i32
        %get3A_1001 = arith.constant 5 : i32
        %get3A_1002 = arith.index_cast %get3A_1000 : i32 to index
        %get3A_1003 = arith.index_cast %get3A_1001 : i32 to index
        %get3A_1004 = arith.index_cast %scan3A_987 : i32 to index
        %get3A_1005 = arith.constant 16 : index
        %get3A_1006 = tpu.vector_load %arg6[%get3A_1002, %get3A_1003, %get3A_1004, %get3A_1005] {strides = array<i32>} : memref<2x8x50x64xf32, #tpu.memory_space<vmem>>, vector<1x1x1x16xf32>,
        %get3A_1007 = vector.shape_cast %get3A_1006 : vector<1x1x1x16xf32> to vector<16xf32>
        %add3A_1008 = arith.addf %scan3A_989, %get3A_1007 : vector<16xf32>
        %get3A_1009 = arith.constant 1 : i32
        %get3A_1010 = arith.constant 5 : i32
        %get3A_1011 = arith.index_cast %get3A_1009 : i32 to index
        %get3A_1012 = arith.index_cast %get3A_1010 : i32 to index
        %get3A_1013 = arith.index_cast %scan3A_987 : i32 to index
        %get3A_1014 = arith.constant 32 : index
        %get3A_1015 = tpu.vector_load %arg6[%get3A_1011, %get3A_1012, %get3A_1013, %get3A_1014] {strides = array<i32>} : memref<2x8x50x64xf32, #tpu.memory_space<vmem>>, vector<1x1x1x16xf32>,
        %get3A_1016 = vector.shape_cast %get3A_1015 : vector<1x1x1x16xf32> to vector<16xf32>
        %add3A_1017 = arith.addf %scan3A_990, %get3A_1016 : vector<16xf32>
        %get3A_1018 = arith.constant 1 : i32
        %get3A_1019 = arith.constant 5 : i32
        %get3A_1020 = arith.index_cast %get3A_1018 : i32 to index
        %get3A_1021 = arith.index_cast %get3A_1019 : i32 to index
        %get3A_1022 = arith.index_cast %scan3A_987 : i32 to index
        %get3A_1023 = arith.constant 48 : index
        %get3A_1024 = tpu.vector_load %arg6[%get3A_1020, %get3A_1021, %get3A_1022, %get3A_1023] {strides = array<i32>} : memref<2x8x50x64xf32, #tpu.memory_space<vmem>>, vector<1x1x1x16xf32>,
        %get3A_1025 = vector.shape_cast %get3A_1024 : vector<1x1x1x16xf32> to vector<16xf32>
        %add3A_1026 = arith.addf %scan3A_991, %get3A_1025 : vector<16xf32>
        scf.yield %add3A_999, %add3A_1008, %add3A_1017, %add3A_1026 : vector<16xf32>, vector<16xf32>, vector<16xf32>, vector<16xf32>
      }
      %scan3A_895 = arith.constant 50 : i32
      %swap3A_896 = arith.constant 5 : i32
      %swap3A_897 = arith.index_cast %swap3A_896 : i32 to index
      %swap3A_898 = arith.constant 0 : index
      %swap3A_899 = tpu.vector_load %arg7[%swap3A_897, %swap3A_898] {strides = array<i32>} : memref<8x64xf32, #tpu.memory_space<vmem>>, vector<1x16xf32>,
      %swap3A_900 = vector.shape_cast %swap3A_899 : vector<1x16xf32> to vector<16xf32>
      %swap3A_901 = vector.shape_cast %scan3A_894#0 : vector<16xf32> to vector<1x16xf32>
      tpu.vector_store %arg7[%swap3A_897, %swap3A_898], %swap3A_901 {strides = array<i32>} : memref<8x64xf32, #tpu.memory_space<vmem>>, vector<1x16xf32>,
      %swap3A_902 = arith.constant 5 : i32
      %swap3A_903 = arith.index_cast %swap3A_902 : i32 to index
      %swap3A_904 = arith.constant 16 : index
      %swap3A_905 = tpu.vector_load %arg7[%swap3A_903, %swap3A_904] {strides = array<i32>} : memref<8x64xf32, #tpu.memory_space<vmem>>, vector<1x16xf32>,
      %swap3A_906 = vector.shape_cast %swap3A_905 : vector<1x16xf32> to vector<16xf32>
      %swap3A_907 = vector.shape_cast %scan3A_894#1 : vector<16xf32> to vector<1x16xf32>
      tpu.vector_store %arg7[%swap3A_903, %swap3A_904], %swap3A_907 {strides = array<i32>} : memref<8x64xf32, #tpu.memory_space<vmem>>, vector<1x16xf32>,
      %swap3A_908 = arith.constant 5 : i32
      %swap3A_909 = arith.index_cast %swap3A_908 : i32 to index
      %swap3A_910 = arith.constant 32 : index
      %swap3A_911 = tpu.vector_load %arg7[%swap3A_909, %swap3A_910] {strides = array<i32>} : memref<8x64xf32, #tpu.memory_space<vmem>>, vector<1x16xf32>,
      %swap3A_912 = vector.shape_cast %swap3A_911 : vector<1x16xf32> to vector<16xf32>
      %swap3A_913 = vector.shape_cast %scan3A_894#2 : vector<16xf32> to vector<1x16xf32>
      tpu.vector_store %arg7[%swap3A_909, %swap3A_910], %swap3A_913 {strides = array<i32>} : memref<8x64xf32, #tpu.memory_space<vmem>>, vector<1x16xf32>,
      %swap3A_914 = arith.constant 5 : i32
      %swap3A_915 = arith.index_cast %swap3A_914 : i32 to index
      %swap3A_916 = arith.constant 48 : index
      %swap3A_917 = tpu.vector_load %arg7[%swap3A_915, %swap3A_916] {strides = array<i32>} : memref<8x64xf32, #tpu.memory_space<vmem>>, vector<1x16xf32>,
      %swap3A_918 = vector.shape_cast %swap3A_917 : vector<1x16xf32> to vector<16xf32>
      %swap3A_919 = vector.shape_cast %scan3A_894#3 : vector<16xf32> to vector<1x16xf32>
      tpu.vector_store %arg7[%swap3A_915, %swap3A_916], %swap3A_919 {strides = array<i32>} : memref<8x64xf32, #tpu.memory_space<vmem>>, vector<1x16xf32>,
      %broadcast_in_dim3A_920 = arith.constant 0.000000e+00 : f32
      %broadcast_in_dim3A_921 = vector.broadcast %broadcast_in_dim3A_920 : f32 to vector<16xf32>
      %scan3A_922 = arith.constant 0 : i32
      %scan3A_923 = arith.constant 50 : i32
      %scan3A_924 = arith.addi %scan3A_922, %scan3A_923 : i32
      %scan3A_925 = arith.constant 1 : i32
      %scan3A_926:4 = scf.for %scan3A_987 = %scan3A_922 to %scan3A_924 step %scan3A_925 iter_args(%scan3A_988 = %broadcast_in_dim3A_921, %scan3A_989 = %broadcast_in_dim3A_921, %scan3A_990 = %broadcast_in_dim3A_921, %scan3A_991 = %broadcast_in_dim3A_921) -> (vector<16xf32>, vector<16xf32>, vector<16xf32>, vector<16xf32>)  : i32 {
        %get3A = arith.constant 1 : i32
        %get3A_992 = arith.constant 6 : i32
        %get3A_993 = arith.index_cast %get3A : i32 to index
        %get3A_994 = arith.index_cast %get3A_992 : i32 to index
        %get3A_995 = arith.index_cast %scan3A_987 : i32 to index
        %get3A_996 = arith.constant 0 : index
        %get3A_997 = tpu.vector_load %arg6[%get3A_993, %get3A_994, %get3A_995, %get3A_996] {strides = array<i32>} : memref<2x8x50x64xf32, #tpu.memory_space<vmem>>, vector<1x1x1x16xf32>,
        %get3A_998 = vector.shape_cast %get3A_997 : vector<1x1x1x16xf32> to vector<16xf32>
        %add3A_999 = arith.addf %scan3A_988, %get3A_998 : vector<16xf32>
        %get3A_1000 = arith.constant 1 : i32
        %get3A_1001 = arith.constant 6 : i32
        %get3A_1002 = arith.index_cast %get3A_1000 : i32 to index
        %get3A_1003 = arith.index_cast %get3A_1001 : i32 to index
        %get3A_1004 = arith.index_cast %scan3A_987 : i32 to index
        %get3A_1005 = arith.constant 16 : index
        %get3A_1006 = tpu.vector_load %arg6[%get3A_1002, %get3A_1003, %get3A_1004, %get3A_1005] {strides = array<i32>} : memref<2x8x50x64xf32, #tpu.memory_space<vmem>>, vector<1x1x1x16xf32>,
        %get3A_1007 = vector.shape_cast %get3A_1006 : vector<1x1x1x16xf32> to vector<16xf32>
        %add3A_1008 = arith.addf %scan3A_989, %get3A_1007 : vector<16xf32>
        %get3A_1009 = arith.constant 1 : i32
        %get3A_1010 = arith.constant 6 : i32
        %get3A_1011 = arith.index_cast %get3A_1009 : i32 to index
        %get3A_1012 = arith.index_cast %get3A_1010 : i32 to index
        %get3A_1013 = arith.index_cast %scan3A_987 : i32 to index
        %get3A_1014 = arith.constant 32 : index
        %get3A_1015 = tpu.vector_load %arg6[%get3A_1011, %get3A_1012, %get3A_1013, %get3A_1014] {strides = array<i32>} : memref<2x8x50x64xf32, #tpu.memory_space<vmem>>, vector<1x1x1x16xf32>,
        %get3A_1016 = vector.shape_cast %get3A_1015 : vector<1x1x1x16xf32> to vector<16xf32>
        %add3A_1017 = arith.addf %scan3A_990, %get3A_1016 : vector<16xf32>
        %get3A_1018 = arith.constant 1 : i32
        %get3A_1019 = arith.constant 6 : i32
        %get3A_1020 = arith.index_cast %get3A_1018 : i32 to index
        %get3A_1021 = arith.index_cast %get3A_1019 : i32 to index
        %get3A_1022 = arith.index_cast %scan3A_987 : i32 to index
        %get3A_1023 = arith.constant 48 : index
        %get3A_1024 = tpu.vector_load %arg6[%get3A_1020, %get3A_1021, %get3A_1022, %get3A_1023] {strides = array<i32>} : memref<2x8x50x64xf32, #tpu.memory_space<vmem>>, vector<1x1x1x16xf32>,
        %get3A_1025 = vector.shape_cast %get3A_1024 : vector<1x1x1x16xf32> to vector<16xf32>
        %add3A_1026 = arith.addf %scan3A_991, %get3A_1025 : vector<16xf32>
        scf.yield %add3A_999, %add3A_1008, %add3A_1017, %add3A_1026 : vector<16xf32>, vector<16xf32>, vector<16xf32>, vector<16xf32>
      }
      %scan3A_927 = arith.constant 50 : i32
      %swap3A_928 = arith.constant 6 : i32
      %swap3A_929 = arith.index_cast %swap3A_928 : i32 to index
      %swap3A_930 = arith.constant 0 : index
      %swap3A_931 = tpu.vector_load %arg7[%swap3A_929, %swap3A_930] {strides = array<i32>} : memref<8x64xf32, #tpu.memory_space<vmem>>, vector<1x16xf32>,
      %swap3A_932 = vector.shape_cast %swap3A_931 : vector<1x16xf32> to vector<16xf32>
      %swap3A_933 = vector.shape_cast %scan3A_926#0 : vector<16xf32> to vector<1x16xf32>
      tpu.vector_store %arg7[%swap3A_929, %swap3A_930], %swap3A_933 {strides = array<i32>} : memref<8x64xf32, #tpu.memory_space<vmem>>, vector<1x16xf32>,
      %swap3A_934 = arith.constant 6 : i32
      %swap3A_935 = arith.index_cast %swap3A_934 : i32 to index
      %swap3A_936 = arith.constant 16 : index
      %swap3A_937 = tpu.vector_load %arg7[%swap3A_935, %swap3A_936] {strides = array<i32>} : memref<8x64xf32, #tpu.memory_space<vmem>>, vector<1x16xf32>,
      %swap3A_938 = vector.shape_cast %swap3A_937 : vector<1x16xf32> to vector<16xf32>
      %swap3A_939 = vector.shape_cast %scan3A_926#1 : vector<16xf32> to vector<1x16xf32>
      tpu.vector_store %arg7[%swap3A_935, %swap3A_936], %swap3A_939 {strides = array<i32>} : memref<8x64xf32, #tpu.memory_space<vmem>>, vector<1x16xf32>,
      %swap3A_940 = arith.constant 6 : i32
      %swap3A_941 = arith.index_cast %swap3A_940 : i32 to index
      %swap3A_942 = arith.constant 32 : index
      %swap3A_943 = tpu.vector_load %arg7[%swap3A_941, %swap3A_942] {strides = array<i32>} : memref<8x64xf32, #tpu.memory_space<vmem>>, vector<1x16xf32>,
      %swap3A_944 = vector.shape_cast %swap3A_943 : vector<1x16xf32> to vector<16xf32>
      %swap3A_945 = vector.shape_cast %scan3A_926#2 : vector<16xf32> to vector<1x16xf32>
      tpu.vector_store %arg7[%swap3A_941, %swap3A_942], %swap3A_945 {strides = array<i32>} : memref<8x64xf32, #tpu.memory_space<vmem>>, vector<1x16xf32>,
      %swap3A_946 = arith.constant 6 : i32
      %swap3A_947 = arith.index_cast %swap3A_946 : i32 to index
      %swap3A_948 = arith.constant 48 : index
      %swap3A_949 = tpu.vector_load %arg7[%swap3A_947, %swap3A_948] {strides = array<i32>} : memref<8x64xf32, #tpu.memory_space<vmem>>, vector<1x16xf32>,
      %swap3A_950 = vector.shape_cast %swap3A_949 : vector<1x16xf32> to vector<16xf32>
      %swap3A_951 = vector.shape_cast %scan3A_926#3 : vector<16xf32> to vector<1x16xf32>
      tpu.vector_store %arg7[%swap3A_947, %swap3A_948], %swap3A_951 {strides = array<i32>} : memref<8x64xf32, #tpu.memory_space<vmem>>, vector<1x16xf32>,
      %broadcast_in_dim3A_952 = arith.constant 0.000000e+00 : f32
      %broadcast_in_dim3A_953 = vector.broadcast %broadcast_in_dim3A_952 : f32 to vector<16xf32>
      %scan3A_954 = arith.constant 0 : i32
      %scan3A_955 = arith.constant 50 : i32
      %scan3A_956 = arith.addi %scan3A_954, %scan3A_955 : i32
      %scan3A_957 = arith.constant 1 : i32
      %scan3A_958:4 = scf.for %scan3A_987 = %scan3A_954 to %scan3A_956 step %scan3A_957 iter_args(%scan3A_988 = %broadcast_in_dim3A_953, %scan3A_989 = %broadcast_in_dim3A_953, %scan3A_990 = %broadcast_in_dim3A_953, %scan3A_991 = %broadcast_in_dim3A_953) -> (vector<16xf32>, vector<16xf32>, vector<16xf32>, vector<16xf32>)  : i32 {
        %get3A = arith.constant 1 : i32
        %get3A_992 = arith.constant 7 : i32
        %get3A_993 = arith.index_cast %get3A : i32 to index
        %get3A_994 = arith.index_cast %get3A_992 : i32 to index
        %get3A_995 = arith.index_cast %scan3A_987 : i32 to index
        %get3A_996 = arith.constant 0 : index
        %get3A_997 = tpu.vector_load %arg6[%get3A_993, %get3A_994, %get3A_995, %get3A_996] {strides = array<i32>} : memref<2x8x50x64xf32, #tpu.memory_space<vmem>>, vector<1x1x1x16xf32>,
        %get3A_998 = vector.shape_cast %get3A_997 : vector<1x1x1x16xf32> to vector<16xf32>
        %add3A_999 = arith.addf %scan3A_988, %get3A_998 : vector<16xf32>
        %get3A_1000 = arith.constant 1 : i32
        %get3A_1001 = arith.constant 7 : i32
        %get3A_1002 = arith.index_cast %get3A_1000 : i32 to index
        %get3A_1003 = arith.index_cast %get3A_1001 : i32 to index
        %get3A_1004 = arith.index_cast %scan3A_987 : i32 to index
        %get3A_1005 = arith.constant 16 : index
        %get3A_1006 = tpu.vector_load %arg6[%get3A_1002, %get3A_1003, %get3A_1004, %get3A_1005] {strides = array<i32>} : memref<2x8x50x64xf32, #tpu.memory_space<vmem>>, vector<1x1x1x16xf32>,
        %get3A_1007 = vector.shape_cast %get3A_1006 : vector<1x1x1x16xf32> to vector<16xf32>
        %add3A_1008 = arith.addf %scan3A_989, %get3A_1007 : vector<16xf32>
        %get3A_1009 = arith.constant 1 : i32
        %get3A_1010 = arith.constant 7 : i32
        %get3A_1011 = arith.index_cast %get3A_1009 : i32 to index
        %get3A_1012 = arith.index_cast %get3A_1010 : i32 to index
        %get3A_1013 = arith.index_cast %scan3A_987 : i32 to index
        %get3A_1014 = arith.constant 32 : index
        %get3A_1015 = tpu.vector_load %arg6[%get3A_1011, %get3A_1012, %get3A_1013, %get3A_1014] {strides = array<i32>} : memref<2x8x50x64xf32, #tpu.memory_space<vmem>>, vector<1x1x1x16xf32>,
        %get3A_1016 = vector.shape_cast %get3A_1015 : vector<1x1x1x16xf32> to vector<16xf32>
        %add3A_1017 = arith.addf %scan3A_990, %get3A_1016 : vector<16xf32>
        %get3A_1018 = arith.constant 1 : i32
        %get3A_1019 = arith.constant 7 : i32
        %get3A_1020 = arith.index_cast %get3A_1018 : i32 to index
        %get3A_1021 = arith.index_cast %get3A_1019 : i32 to index
        %get3A_1022 = arith.index_cast %scan3A_987 : i32 to index
        %get3A_1023 = arith.constant 48 : index
        %get3A_1024 = tpu.vector_load %arg6[%get3A_1020, %get3A_1021, %get3A_1022, %get3A_1023] {strides = array<i32>} : memref<2x8x50x64xf32, #tpu.memory_space<vmem>>, vector<1x1x1x16xf32>,
        %get3A_1025 = vector.shape_cast %get3A_1024 : vector<1x1x1x16xf32> to vector<16xf32>
        %add3A_1026 = arith.addf %scan3A_991, %get3A_1025 : vector<16xf32>
        scf.yield %add3A_999, %add3A_1008, %add3A_1017, %add3A_1026 : vector<16xf32>, vector<16xf32>, vector<16xf32>, vector<16xf32>
      }
      %scan3A_959 = arith.constant 50 : i32
      %swap3A_960 = arith.constant 7 : i32
      %swap3A_961 = arith.index_cast %swap3A_960 : i32 to index
      %swap3A_962 = arith.constant 0 : index
      %swap3A_963 = tpu.vector_load %arg7[%swap3A_961, %swap3A_962] {strides = array<i32>} : memref<8x64xf32, #tpu.memory_space<vmem>>, vector<1x16xf32>,
      %swap3A_964 = vector.shape_cast %swap3A_963 : vector<1x16xf32> to vector<16xf32>
      %swap3A_965 = vector.shape_cast %scan3A_958#0 : vector<16xf32> to vector<1x16xf32>
      tpu.vector_store %arg7[%swap3A_961, %swap3A_962], %swap3A_965 {strides = array<i32>} : memref<8x64xf32, #tpu.memory_space<vmem>>, vector<1x16xf32>,
      %swap3A_966 = arith.constant 7 : i32
      %swap3A_967 = arith.index_cast %swap3A_966 : i32 to index
      %swap3A_968 = arith.constant 16 : index
      %swap3A_969 = tpu.vector_load %arg7[%swap3A_967, %swap3A_968] {strides = array<i32>} : memref<8x64xf32, #tpu.memory_space<vmem>>, vector<1x16xf32>,
      %swap3A_970 = vector.shape_cast %swap3A_969 : vector<1x16xf32> to vector<16xf32>
      %swap3A_971 = vector.shape_cast %scan3A_958#1 : vector<16xf32> to vector<1x16xf32>
      tpu.vector_store %arg7[%swap3A_967, %swap3A_968], %swap3A_971 {strides = array<i32>} : memref<8x64xf32, #tpu.memory_space<vmem>>, vector<1x16xf32>,
      %swap3A_972 = arith.constant 7 : i32
      %swap3A_973 = arith.index_cast %swap3A_972 : i32 to index
      %swap3A_974 = arith.constant 32 : index
      %swap3A_975 = tpu.vector_load %arg7[%swap3A_973, %swap3A_974] {strides = array<i32>} : memref<8x64xf32, #tpu.memory_space<vmem>>, vector<1x16xf32>,
      %swap3A_976 = vector.shape_cast %swap3A_975 : vector<1x16xf32> to vector<16xf32>
      %swap3A_977 = vector.shape_cast %scan3A_958#2 : vector<16xf32> to vector<1x16xf32>
      tpu.vector_store %arg7[%swap3A_973, %swap3A_974], %swap3A_977 {strides = array<i32>} : memref<8x64xf32, #tpu.memory_space<vmem>>, vector<1x16xf32>,
      %swap3A_978 = arith.constant 7 : i32
      %swap3A_979 = arith.index_cast %swap3A_978 : i32 to index
      %swap3A_980 = arith.constant 48 : index
      %swap3A_981 = tpu.vector_load %arg7[%swap3A_979, %swap3A_980] {strides = array<i32>} : memref<8x64xf32, #tpu.memory_space<vmem>>, vector<1x16xf32>,
      %swap3A_982 = vector.shape_cast %swap3A_981 : vector<1x16xf32> to vector<16xf32>
      %swap3A_983 = vector.shape_cast %scan3A_958#3 : vector<16xf32> to vector<1x16xf32>
      tpu.vector_store %arg7[%swap3A_979, %swap3A_980], %swap3A_983 {strides = array<i32>} : memref<8x64xf32, #tpu.memory_space<vmem>>, vector<1x16xf32>,
      %mul3A_984 = arith.constant 8 : i32
      %mul3A_985 = arith.muli %add3A_727, %mul3A_984 : i32
      %add3A_986 = arith.addi %mul3A_2, %mul3A_985 : i32
      "tpu.region"() ({
        %run_scoped3A_987 = tpu.sem_alloc : memref<!tpu.dma_semaphore, #tpu.memory_space<semaphore_mem>>
        %dma_start3A_988 = arith.constant 0 : i32
        %dma_start3A_989 = tpu.memref_slice %arg4[%add3A_986, %dma_start3A_988] : memref<16384x64xf32, #tpu.memory_space<hbm>> -> memref<8x64xf32, #tpu.memory_space<hbm>>
        %dma_start3A_990 = arith.constant 0 : i32
        %dma_start3A_991 = tpu.memref_slice %arg4[%add3A_986, %dma_start3A_990] : memref<16384x64xf32, #tpu.memory_space<hbm>> -> memref<8x64xf32, #tpu.memory_space<hbm>>
        tpu.enqueue_dma source(%arg7 : memref<8x64xf32, #tpu.memory_space<vmem>>) target(%dma_start3A_991 : memref<8x64xf32, #tpu.memory_space<hbm>>) target_semaphore(%run_scoped3A_987 : memref<!tpu.dma_semaphore, #tpu.memory_space<semaphore_mem>>)
        %dma_wait3A_992 = arith.constant 0 : i32
        %dma_wait3A_993 = tpu.memref_slice %arg4[%add3A_986, %dma_wait3A_992] : memref<16384x64xf32, #tpu.memory_space<hbm>> -> memref<8x64xf32, #tpu.memory_space<hbm>>
        %dma_wait3A_994 = arith.constant 0 : i32
        %dma_wait3A_995 = tpu.memref_slice %arg4[%add3A_986, %dma_wait3A_994] : memref<16384x64xf32, #tpu.memory_space<hbm>> -> memref<8x64xf32, #tpu.memory_space<hbm>>
        tpu.wait_dma2 semaphore(%run_scoped3A_987 : memref<!tpu.dma_semaphore, #tpu.memory_space<semaphore_mem>>) src(%arg7 : memref<8x64xf32, #tpu.memory_space<vmem>>) dst(%dma_wait3A_995 : memref<8x64xf32, #tpu.memory_space<hbm>>)
        tpu.yield
      }) : () -> ()
    }
    %scan3A_120 = arith.constant 32 : i32
    return
  }
}

module attributes {stable_mosaic.version = 14 : i64} {
  func.func @body(%arg0: i32, %arg1: memref<2048x64xf32, #tpu.memory_space<vmem>>, %arg2: memref<64x64xf32, #tpu.memory_space<vmem>>, %arg3: memref<8x64xf32, #tpu.memory_space<vmem>>, %arg4: memref<2048x64xf32, #tpu.memory_space<vmem>>) attributes {dimension_semantics = [#tpu.dimension_semantics<arbitrary>], iteration_bounds = array<i64: 8>, scalar_prefetch = 0 : i64, scratch_operands = 0 : i64, tpu.core_type = #tpu.core_type<tc>, window_params = [{transform_indices = @transform_0, window_bounds = array<i64: 2048, 64>}, {pipeline_mode = #tpu.pipeline_mode<synchronous>, transform_indices = @transform_1, window_bounds = array<i64: 64, 64>}, {pipeline_mode = #tpu.pipeline_mode<synchronous>, transform_indices = @transform_2, window_bounds = array<i64: 8, 64>}, {transform_indices = @transform_3, window_bounds = array<i64: 2048, 64>}]} {
    %get3A = arith.constant 0 : index
    %get3A_0 = arith.constant 0 : index
    %get3A_1 = vector.load %arg1[%get3A, %get3A_0] : memref<2048x64xf32, #tpu.memory_space<vmem>>, vector<2048x64xf32>
    %get3A_2 = arith.constant 0 : index
    %get3A_3 = arith.constant 0 : index
    %get3A_4 = vector.load %arg2[%get3A_2, %get3A_3] : memref<64x64xf32, #tpu.memory_space<vmem>>, vector<64x64xf32>
    %dot_general3A = arith.constant dense<0.000000e+00> : vector<2048x64xf32>
    %dot_general3A_5 = tpu.matmul %get3A_1, %get3A_4, %dot_general3A {dimension_numbers = #tpu.dot_dimension_numbers<[1], [0], [0], [1], [0, 0, 1, 1], [], []>, transpose_lhs_hint = false} : vector<2048x64xf32>, vector<64x64xf32>, vector<2048x64xf32> -> vector<2048x64xf32>
    %get3A_6 = arith.constant 0 : index
    %get3A_7 = arith.constant 0 : index
    %get3A_8 = vector.load %arg3[%get3A_6, %get3A_7] : memref<8x64xf32, #tpu.memory_space<vmem>>, vector<1x64xf32>
    %add3A = vector.broadcast %get3A_8 : vector<1x64xf32> to vector<2048x64xf32>
    %add3A_9 = arith.addf %dot_general3A_5, %add3A : vector<2048x64xf32>
    %max3A = arith.constant 0.000000e+00 : f32
    %max3A_10 = vector.broadcast %max3A : f32 to vector<2048x64xf32>
    %max3A_11 = arith.maximumf %add3A_9, %max3A_10 : vector<2048x64xf32>
    %get3A_12 = arith.constant 1 : index
    %get3A_13 = arith.constant 0 : index
    %get3A_14 = vector.load %arg3[%get3A_12, %get3A_13] : memref<8x64xf32, #tpu.memory_space<vmem>>, vector<1x64xf32>
    %mul3A = vector.broadcast %get3A_14 : vector<1x64xf32> to vector<2048x64xf32>
    %mul3A_15 = arith.mulf %max3A_11, %mul3A : vector<2048x64xf32>
    %get3A_16 = arith.constant 2 : index
    %get3A_17 = arith.constant 0 : index
    %get3A_18 = vector.load %arg3[%get3A_16, %get3A_17] : memref<8x64xf32, #tpu.memory_space<vmem>>, vector<1x64xf32>
    %add3A_19 = vector.broadcast %get3A_18 : vector<1x64xf32> to vector<2048x64xf32>
    %add3A_20 = arith.addf %mul3A_15, %add3A_19 : vector<2048x64xf32>
    %reduce_sum3A = arith.constant dense<0.000000e+00> : vector<2048xf32>
    %reduce_sum3A_21 = vector.multi_reduction <add>, %add3A_20, %reduce_sum3A [1] : vector<2048x64xf32> to vector<2048xf32>
    %broadcast_in_dim3A = vector.shape_cast %reduce_sum3A_21 : vector<2048xf32> to vector<2048x1xf32>
    %div3A = arith.constant 6.400000e+01 : f32
    %div3A_22 = vector.broadcast %div3A : f32 to vector<2048x1xf32>
    %div3A_23 = arith.divf %broadcast_in_dim3A, %div3A_22 : vector<2048x1xf32>
    %sub3A = vector.broadcast %div3A_23 : vector<2048x1xf32> to vector<2048x64xf32>
    %sub3A_24 = arith.subf %add3A_20, %sub3A : vector<2048x64xf32>
    %mul3A_25 = arith.mulf %sub3A_24, %sub3A_24 : vector<2048x64xf32>
    %reduce_sum3A_26 = arith.constant dense<0.000000e+00> : vector<2048xf32>
    %reduce_sum3A_27 = vector.multi_reduction <add>, %mul3A_25, %reduce_sum3A_26 [1] : vector<2048x64xf32> to vector<2048xf32>
    %broadcast_in_dim3A_28 = vector.shape_cast %reduce_sum3A_27 : vector<2048xf32> to vector<2048x1xf32>
    %div3A_29 = arith.constant 6.400000e+01 : f32
    %div3A_30 = vector.broadcast %div3A_29 : f32 to vector<2048x1xf32>
    %div3A_31 = arith.divf %broadcast_in_dim3A_28, %div3A_30 : vector<2048x1xf32>
    %add3A_32 = arith.constant 1.000000e-03 : f32
    %add3A_33 = vector.broadcast %add3A_32 : f32 to vector<2048x1xf32>
    %add3A_34 = arith.addf %div3A_31, %add3A_33 : vector<2048x1xf32>
    %rsqrt3A = math.rsqrt %add3A_34 : vector<2048x1xf32>
    %mul3A_35 = vector.broadcast %rsqrt3A : vector<2048x1xf32> to vector<2048x64xf32>
    %mul3A_36 = arith.mulf %sub3A_24, %mul3A_35 : vector<2048x64xf32>
    %get3A_37 = arith.constant 3 : index
    %get3A_38 = arith.constant 0 : index
    %get3A_39 = vector.load %arg3[%get3A_37, %get3A_38] : memref<8x64xf32, #tpu.memory_space<vmem>>, vector<1x64xf32>
    %mul3A_40 = vector.broadcast %get3A_39 : vector<1x64xf32> to vector<2048x64xf32>
    %mul3A_41 = arith.mulf %mul3A_36, %mul3A_40 : vector<2048x64xf32>
    %get3A_42 = arith.constant 4 : index
    %get3A_43 = arith.constant 0 : index
    %get3A_44 = vector.load %arg3[%get3A_42, %get3A_43] : memref<8x64xf32, #tpu.memory_space<vmem>>, vector<1x64xf32>
    %add3A_45 = vector.broadcast %get3A_44 : vector<1x64xf32> to vector<2048x64xf32>
    %add3A_46 = arith.addf %mul3A_41, %add3A_45 : vector<2048x64xf32>
    %swap3A = arith.constant 0 : index
    %swap3A_47 = arith.constant 0 : index
    %swap3A_48 = vector.load %arg4[%swap3A, %swap3A_47] : memref<2048x64xf32, #tpu.memory_space<vmem>>, vector<2048x64xf32>
    tpu.vector_store %arg4[%swap3A, %swap3A_47], %add3A_46 {strides = array<i32>} : memref<2048x64xf32, #tpu.memory_space<vmem>>, vector<2048x64xf32>,
    return
  }
  func.func @transform_0(%arg0: i32) -> (i32, i32) {
    %c0_i32 = arith.constant 0 : i32
    %c0_i32_0 = arith.constant 0 : i32
    return %arg0, %c0_i32 : i32, i32
  }
  func.func @transform_1(%arg0: i32) -> (i32, i32) {
    %c0_i32 = arith.constant 0 : i32
    %c0_i32_0 = arith.constant 0 : i32
    %c0_i32_1 = arith.constant 0 : i32
    return %c0_i32, %c0_i32_0 : i32, i32
  }
  func.func @transform_2(%arg0: i32) -> (i32, i32) {
    %c0_i32 = arith.constant 0 : i32
    %c0_i32_0 = arith.constant 0 : i32
    %c0_i32_1 = arith.constant 0 : i32
    return %c0_i32, %c0_i32_0 : i32, i32
  }
  func.func @transform_3(%arg0: i32) -> (i32, i32) {
    %c0_i32 = arith.constant 0 : i32
    %c0_i32_0 = arith.constant 0 : i32
    return %arg0, %c0_i32 : i32, i32
  }
}

</mosaic_0001>

<sc_bundles>
// kernel: kernel.4.cloned.1.call-start
scs
__scs_entry_jumppad:
0x0: {  	(pc) =	sbr.rel $0x88, $3  }
0x1: {  	(tag) =	ssettag $0x0;
	lr =	simm.s32 $0x1  }
0x2: {  	[smem:$0x3F97] =	sst lr;
	_ =	strace $0xD0000000  }
0x3: {  	_ = 	snop  }
0x4: {  	_ = 	snop  }
0x5: {  	_ = 	snop  }
0x6: {  	_ = 	snop  }
0x7: {  	_ = 	snop  }
__scs_overlays_trampoline_lowered:
0x8: {  	[smem:$0x3FA6] =	sst s0  }
0x9: {  	[smem:$0x3FA7] =	sst s1  }
0xa: {  	[smem:$0x3FA8] =	sst s2  }
0xb: {  	[smem:$0x3FA9] =	sst s3  }
0xc: {  	[smem:$0x3FAA] =	sst s4  }
0xd: {  	[smem:$0x3FAB] =	sst s5  }
0xe: {  	[smem:$0x3FAC] =	sst s6  }
0xf: {  	[smem:$0x3FAD] =	sst s7  }
0x10: {  	[smem:$0x3FAE] =	sst s8  }
0x11: {  	[smem:$0x3FAF] =	sst s9;
	s0 =	simm.s32 @!p0 $0x0  }
0x12: {  	s1 =	sld [smem:$0x3F95];
	s0 =	simm.s32 @p0 $0x1  }
0x13: {  	[smem:$0x3FB0] =	sst s0;
	s0 =	simm.s32 @!p1 $0x0  }
0x14: {  	s2 =	sld [smem:$0x3F94];
	s0 =	simm.s32 @p1 $0x1  }
0x15: {  	[smem:$0x3FB1] =	sst s0;
	s0 =	simm.s32 @!p2 $0x0  }
0x16: {  	s3 =	sld [smem:$0x3FDB];
	s0 =	simm.s32 @p2 $0x1  }
0x17: {  	s4 =	simm.s32 $0x1BF5;
	[smem:$0x3FB3] =	sst s0  }
0x18: {  	s0 =	sld [smem:$0x3F96];
	_ =	swait.ge [sflag:s4], $0x0  }
0x19: {  	s7 =	sld [smem:$0x3F97]  }
0x1a: {  	s8 =	sadd.s32 $0xFFFFE003, lr  }
0x1b: {  	s9 =	sadd.s32 $0xFFFFFEF7, lr;
	s5 =	simm.s32 $0xFFFFFFFF;
	p2 =	slt.u32 s8, $0xFFFFF086  }
0x1c: {  	p1 =	slt.u32 s9, $0xF7A;
	s5 =	simm.s32 @!p2 $0x0  }
0x1d: {  	s5 =	simm.s32 @p1 $0x1;
	p0 =	seq.s32 s7, s2  }
0x1e: {  	s7 =	smul.u32 @!p0 $0xF7A, s2;
	p2 =	seq.s32 @!p0 s5, $0x0  }
0x1f: {  	s9 =	smul.u32 $0xF7A, s1;
	s8 =	simm.s32 @!p0 $0x1BF5;
	p2 =	por !p2, p0  }
0x20: {  	[sflag:s8] =	ssyncset.s32 @!p0 $0xFFFFF086;
	s6 =	sadd.s32 @!p0 s3, s7;
	s7 =	simm.s32 @!p0 $0x108  }
0x21: {  	s3 =	sadd.s32 s3, s9;
	s6 =	sadd.s32 @!p0 $0x88, s6;
	s7 =	simm.s32 @p2 $0x1082  }
0x22: {  	[simem:s7], [sflag:s8] =	dma.local @!p0 [hbm:s6], $0xF7A  }
0x23: {  	s9 =	sor.u32 $0xD0000000, s2;
	s6 =	simm.s32 $0x108;
	_ =	swait.ge @!p0 [sflag:s8], $0x0  }
0x24: {  	s3 =	sadd.s32 $0x88, s3;
	s6 =	simm.s32 @!p1 $0x1082;
	[sflag:s4] =	ssyncset.s32 $0xFFFFF086  }
0x25: {  	[simem:s6], [sflag:s4] =	dma.local [hbm:s3], $0xF7A  }
0x26: {  	[smem:$0x3F97] =	sst s1;
	(tag) =	ssettag s2;
	_ =	strace s9  }
0x27: {  	s1 =	sld [smem:$0x3FA7]  }
0x28: {  	s2 =	sld [smem:$0x3FA8]  }
0x29: {  	s4 =	sld [smem:$0x3FAA]  }
0x2a: {  	p0 =	seq.s32 s5, $0x0;
	s5 =	sld [smem:$0x3FAB]  }
0x2b: {  	s6 =	sld [smem:$0x3FAC]  }
0x2c: {  	s7 =	sld [smem:$0x3FAD]  }
0x2d: {  	s3 =	simm.s32 $0x108;
	s8 =	sld [smem:$0x3FAE]  }
0x2e: {  	s3 =	simm.s32 @!p0 $0x1082;
	s9 =	sld [smem:$0x3FAF]  }
0x2f: {  	lr =	sadd.s32 s0, s3;
	s0 =	sld [smem:$0x3FA6]  }
0x30: {  	s3 =	sld [smem:$0x3FA9]  }
0x31: {  	[smem:$0x3FB2] =	sst s10  }
0x32: {  	s10 =	sld [smem:$0x3FB0];
	_ =	sdelay $0x3  }
0x33: {  	p0 =	seq.s32 s10, $0x1;
	s10 =	sld [smem:$0x3FB2];
	_ =	sdelay $0x3  }
0x34: {  	[smem:$0x3FB2] =	sst s10  }
0x35: {  	s10 =	sld [smem:$0x3FB1];
	_ =	sdelay $0x3  }
0x36: {  	p1 =	seq.s32 s10, $0x1;
	s10 =	sld [smem:$0x3FB2];
	_ =	sdelay $0x3  }
0x37: {  	[smem:$0x3FB2] =	sst s10  }
0x38: {  	s10 =	sld [smem:$0x3FB3]  }
0x39: {  	_ = 	snop;
	(pc) =	sbr.ind lr, $3  }
0x3a: {  	_ = 	snop  }
0x3b: {  	_ = 	snop  }
0x3c: {  	p2 =	seq.s32 s10, $0x1;
	s10 =	sld [smem:$0x3FB2]  }
0x3d: {  	_ =	shalt  }
0x3e: {  	_ =	shalt  }
0x3f: {  	_ =	shalt  }
0x40: {  	_ =	shalt  }
0x41: {  	_ =	shalt  }
0x42: {  	_ =	shalt  }
0x43: {  	_ =	shalt  }
0x44: {  	_ =	shalt  }
0x45: {  	_ =	shalt  }
0x46: {  	_ =	shalt  }
0x47: {  	_ =	shalt  }
0x48: {  	_ =	shalt  }
0x49: {  	_ =	shalt  }
0x4a: {  	_ =	shalt  }
0x4b: {  	_ =	shalt  }
0x4c: {  	_ =	shalt  }
0x4d: {  	_ =	shalt  }
0x4e: {  	_ =	shalt  }
0x4f: {  	_ =	shalt  }
0x50: {  	_ =	shalt  }
0x51: {  	_ =	shalt  }
0x52: {  	_ =	shalt  }
0x53: {  	_ =	shalt  }
0x54: {  	_ =	shalt  }
0x55: {  	_ =	shalt  }
0x56: {  	_ =	shalt  }
0x57: {  	_ =	shalt  }
0x58: {  	_ =	shalt  }
0x59: {  	_ =	shalt  }
0x5a: {  	_ =	shalt  }
0x5b: {  	_ =	shalt  }
0x5c: {  	_ =	shalt  }
0x5d: {  	_ =	shalt  }
0x5e: {  	_ =	shalt  }
0x5f: {  	_ =	shalt  }
0x60: {  	_ =	shalt  }
0x61: {  	_ =	shalt  }
0x62: {  	_ =	shalt  }
0x63: {  	_ =	shalt  }
0x64: {  	_ =	shalt  }
0x65: {  	_ =	shalt  }
0x66: {  	_ =	shalt  }
0x67: {  	_ =	shalt  }
0x68: {  	_ =	shalt  }
0x69: {  	_ =	shalt  }
0x6a: {  	_ =	shalt  }
0x6b: {  	_ =	shalt  }
0x6c: {  	_ =	shalt  }
0x6d: {  	_ =	shalt  }
0x6e: {  	_ =	shalt  }
0x6f: {  	_ =	shalt  }
0x70: {  	_ =	shalt  }
0x71: {  	_ =	shalt  }
0x72: {  	_ =	shalt  }
0x73: {  	_ =	shalt  }
0x74: {  	_ =	shalt  }
0x75: {  	_ =	shalt  }
0x76: {  	_ =	shalt  }
0x77: {  	_ =	shalt  }
0x78: {  	_ =	shalt  }
0x79: {  	_ =	shalt  }
0x7a: {  	_ =	shalt  }
0x7b: {  	_ =	shalt  }
0x7c: {  	_ =	shalt  }
0x7d: {  	_ =	shalt  }
0x7e: {  	_ =	shalt  }
0x7f: {  	_ =	shalt  }
0x80: {  	_ =	shalt  }
0x81: {  	_ =	shalt  }
0x82: {  	_ =	shalt  }
0x83: {  	_ =	shalt  }
0x84: {  	_ =	shalt  }
0x85: {  	_ =	shalt  }
0x86: {  	_ =	shalt  }
0x87: {  	_ =	shalt  }
.Lfunc_end0:
.L_simem_size_0:
called_computation_lowered:
.L_overlay_start_0:
0x88: {  	s2 =	sld [smem:$0x3FD9]  }
0x89: {  	s3 =	sld [smem:$0x3FFE];
	_ =	sdelay $0x1  }
0x8a: {  	s1 =	srdreg.scid  }
0x8b: {  	s0 =	sand.u32 $0x1, s1  }
0x8c: {  	s17 =	sshll.u32 s0, $0xA;
	s2 =	sadd.s32 s3, s2  }
0x8d: {  	s2 =	sadd.s32 s2, s17  }
0x8e: {  	[smem:$0x3FBE] =	sst s2  }
0x8f: {  	_ = 	snop  }
0x90: {  	s2 =	sld [smem:$0x3FD0];
	(tm) =	ssettm $0x1  }
0x91: {  	s18 =	sld [smem:$0x3FFB];
	_ =	sdelay $0x3  }
0x92: {  	_ =	strace s18  }
0x93: {  	s3 =	sld [smem:$0x3FFC];
	_ =	sdelay $0x3  }
0x94: {  	_ =	strace s3  }
0x95: {  	s3 =	sld [smem:$0x3FFD];
	_ =	sdelay $0x3  }
0x96: {  	_ =	strace s3  }
0x97: {  	_ =	strace $0x8FFFFFFF  }
0x98: {  	s19 =	sld [smem:$0x3FDB];
	_ =	sdelay $0x1  }
0x99: {  	s4 =	simm.s32 $_scs_section_size  }
0x9a: {  	s5 =	simm.s32 $_size__tile_overlayer_lowered;
	s6 =	simm.s32 $_tile_overlayer_lowered  }
0x9b: {  	s22 =	simm.s32 $0x1BFF;
	s21 =	sshll.u32 s6, $0x1;
	s3 =	sadd.s32 s4, s19  }
0x9c: {  	s7 =	simm.s32 $0x0;
	s20 =	sshll.u32 s5, $0x1;
	s5 =	sadd.s32 s21, s3  }
0x9d: {  	[timem:s7], [sflag:s22] =	dma.local [hbm:s5], s20  }
0x9e: {  	_ =	swait.ge [sflag:s22], s20  }
0x9f: {  	s4 =	ssub.s32 $0x0, s20;
	[sflag:s22] =	ssyncset.done $0x0  }
0xa0: {  	[sflag:s22] =	ssyncadd.s32 s4;
	_ =	sdelay $0x1  }
0xa1: {  	s23 =	simm.s32 $0x1B8B  }
0xa2: {  	_ =	swait.ge [sflag:s23], $0x1  }
0xa3: {  	[sflag:s23] =	ssyncset.done $0x0  }
0xa4: {  	s25 =	simm.s32 $0x1B8E;
	s24 =	sld [smem:$0x3FFE];
	[sflag:s23] =	ssyncadd.s32 $0xFFFFFFFF  }
0xa5: {  	s26 =	simm.s32 $execute0_lowered;
	[smem:$0x3FD2] =	sst s25  }
0xa6: {  	s5 =	sshll.u32 s26, $0x1;
	_ =	strace $0x80000046;
	[dreg:$0x1] =	wrdreg $0xFFFFFFFF  }
0xa7: {  	s28 =	simm.s32 $_size_execute0_lowered;
	s3 =	sadd.s32 s3, s5;
	[dreg:$0x0] =	wrdreg $0x0  }
0xa8: {  	s5 =	sshll.u32 s28, $0x1;
	[dreg:$0x2] =	wrdreg s3  }
0xa9: {  	[dreg:$0x3] =	wrdreg s5  }
0xaa: {  	[dreg:$0x4] =	wrdreg $0xC0  }
0xab: {  	_ =	task [dreg:s7], $0x5FFFF  }
0xac: {  	[dreg:$0x1] =	wrdreg $0xFFFFFFFF  }
0xad: {  	[dreg:$0x0] =	wrdreg $0x60  }
0xae: {  	[dreg:$0x2] =	wrdreg s24  }
0xaf: {  	[dreg:$0x3] =	wrdreg s2  }
0xb0: {  	[dreg:$0x4] =	wrdreg $0x9  }
0xb1: {  	_ =	task.clear_ibuf [dreg:s7], $0x5FFFF;
	_ =	strace $0x90000046  }
0xb2: {  	s29 =	simm.s32 $0x9;
	_ =	strace $0x80000048  }
0xb3: {  	_ =	swait.ge [sflag:s29], $0x1  }
0xb4: {  	[sflag:s29] =	ssyncadd.s32 $0xFFFFFFFF  }
0xb5: {  	_ =	strace $0x90000048  }
0xb6: {  	_ =	sfence  }
0xb7: {  	s30 =	sld [smem:$0x0];
	_ =	sdelay $0x2  }
0xb8: {  	s31 =	sshll.u32 s1, $0xD;
	s1 =	sshrl.u32 s1, $0x2  }
0xb9: {  	s3 =	sand.u32 $0x4000, s31;
	s1 =	sadd.s32 s1, s30  }
0xba: {  	s0 =	sor.u32 s3, s0;
	s1 =	sshll.u32 s1, $0x11  }
0xbb: {  	s0 =	sor.u32 s1, s0  }
0xbc: {  	s0 =	sadd.s32 $0x8F2B, s0  }
0xbd: {  	[sflag:s0] =	ssyncadd.remote.s32 $0x1  }
0xbe: {  	_ =	sfence.sel $0xFFFF  }
0xbf: {  	[dreg:$0x0] =	wrdreg $0xFFFFFFFF;
	(pc) =	sbr.abs _section_cstart, $3  }
0xc0: {  	[dreg:$0x1] =	wrdreg $0xFFFFFFFF  }
0xc1: {  	_ =	task.clear_ibuf [dreg:s7], $0x2FFFF;
	_ =	strace $0x9FFFFFFF  }
0xc2: {  	(tm) =	ssettm $0x7FFFFFFF  }
0xc3: {  	_ =	shalt  }
tec
execute0_lowered:
.L_overlay_start_1:
0x0: {  	(tag) =	ssettag $0x1  }
0x1: {  	s0 =	rddreg [dreg:$0x0]  }
0x2: {  	s8 =	rddreg [dreg:$0x1];
	s1 =	srdreg.scid;
	s3 =	simm.s32 $0x0  }
0x3: {  	s2 =	stileid.u32;
	s11 =	simm.s32 $0x3;
	s12 =	simm.s32 $0x32  }
0x4: {  	s29 =	simm.s32 $0x1C0;
	s31 =	simm.s32 $0x1F8;
	s13 =	simm.s32 $0x8080  }
0x5: {  	s14 =	simm.s32 $0x268;
	s15 =	simm.s32 $0x8D00;
	s16 =	simm.s32 $0x2A0  }
0x6: {  	s17 =	simm.s32 $0x9980;
	s18 =	simm.s32 $0x2D8;
	s19 =	simm.s32 $0xA600  }
0x7: {  	s20 =	simm.s32 $0x310;
	s21 =	simm.s32 $0xB280;
	s22 =	simm.s32 $0x348  }
0x8: {  	s23 =	simm.s32 $0xBF00;
	s24 =	simm.s32 $0x1;
	s25 =	simm.s32 $0xCB80  }
0x9: {  	s1 =	sand.u32 $0x1, s1;
	[smem:$0x7FF] =	sst s3;
	s2 =	sshll.u32 s2, $0xA  }
0xa: {  	s5 =	sadd.s32 $0xF43C00, s0;
	s4 =	sshll.u32 s1, $0x9;
	s1 =	ssub.s32 $0x2, s1  }
0xb: {  	_ =	strace $0x80000047;
	s2 =	sor.u32 s4, s2;
	s6 =	sshrl.u32 s1, $0x1  }
0xc: {  	s4 =	sadd.s32 $0x1800, s0;
	s7 =	smul.u32 $0x7, s2;
	s26 =	ssub.s32 s1, s6  }
0xd: {  	s28 =	sshll.u32 s2, $0x3;
	s10 =	sor.u32 $0x8, s2;
	s1 =	simm.s32 $0x230  }
0xe: {  	s6 =	simm.s32 $0x0;
	s0 =	smax.u32 s26, $0x1;
	s26 =	simm.s32 $0x2  }
0xf: {  	s30 =	sadd.s32 s4, s7;
	s7 =	sadd.s32 s8, s28;
	[dreg:$0x4] =	wrdreg s0  }
0x10: {  	s8 =	sor.u32 $0x10, s2;
	s0 =	simm.s32 $0x7400;
	[dreg:$0x3] =	wrdreg s30  }
.LBB2_1:
0x11: {  	[dreg:$0x5] =	wrdreg s6  }
0x12: {  	s2 =	rddreg [dreg:$0x3]  }
0x13: {  	[tilespmem:s3], [sflag:$0x3] =	stream.linear.gather [hbm4b:s2+s3], $0x1C0, $0x38;
	[tilespmem:$0xCD80] =	vst v63  }
0x14: {  	_ =	swait.ge [sflag:s11], $0x1C0  }
0x15: {  	[sflag:s11] =	ssyncset.done $0x0  }
0x16: {  	s9 =	simm.s32 $0x380;
	[sflag:s11] =	ssyncadd.s32 $0xFFFFFE40  }
0x17: {  	[tilespmem:s9], [sflag:$0x1] =	stream.indirect.gather [hbm4b:s5+s12], $0x40, s3, s12, $0xb8;
	[tilespmem:$0xCD80] =	vst v63  }
0x18: {  	s28 =	simm.s32 $0x38;
	s30 =	simm.s32 $0x1000  }
0x19: {  	[tilespmem:s30], [sflag:$0x1] =	stream.indirect.gather [hbm4b:s5+s12], $0x40, s28, s12, $0xb8;
	[tilespmem:$0xCD80] =	vst v63  }
0x1a: {  	s6 =	simm.s32 $0x70;
	s9 =	simm.s32 $0x1C80  }
0x1b: {  	[tilespmem:s9], [sflag:$0x1] =	stream.indirect.gather [hbm4b:s5+s12], $0x40, s6, s12, $0xb8;
	[tilespmem:$0xCD80] =	vst v63  }
0x1c: {  	s28 =	simm.s32 $0xA8;
	s30 =	simm.s32 $0x2900  }
0x1d: {  	[tilespmem:s30], [sflag:$0x1] =	stream.indirect.gather [hbm4b:s5+s12], $0x40, s28, s12, $0xb8;
	[tilespmem:$0xCD80] =	vst v63  }
0x1e: {  	s6 =	simm.s32 $0xE0;
	s9 =	simm.s32 $0x3580  }
0x1f: {  	[tilespmem:s9], [sflag:$0x1] =	stream.indirect.gather [hbm4b:s5+s12], $0x40, s6, s12, $0xb8;
	[tilespmem:$0xCD80] =	vst v63  }
0x20: {  	s28 =	simm.s32 $0x118;
	s30 =	simm.s32 $0x4200  }
0x21: {  	[tilespmem:s30], [sflag:$0x1] =	stream.indirect.gather [hbm4b:s5+s12], $0x40, s28, s12, $0xb8;
	[tilespmem:$0xCD80] =	vst v63  }
0x22: {  	s6 =	simm.s32 $0x150;
	s9 =	simm.s32 $0x4E80  }
0x23: {  	[tilespmem:s9], [sflag:$0x1] =	stream.indirect.gather [hbm4b:s5+s12], $0x40, s6, s12, $0xb8;
	[tilespmem:$0xCD80] =	vst v63  }
0x24: {  	s28 =	simm.s32 $0x188;
	s30 =	simm.s32 $0x5B00;
	s6 =	simm.s32 $0x0  }
0x25: {  	[tilespmem:s30], [sflag:$0x1] =	stream.indirect.gather [hbm4b:s5+s12], $0x40, s28, s12, $0xb8;
	[tilespmem:$0xCD80] =	vst v63  }
.LBB2_2:
0x26: {  	s28 =	sshll.u32 s6, $0x4  }
0x27: {  	s9 =	sor.u32 s10, s28  }
0x28: {  	s2 =	smul.u32 $0x7, s9;
	_ =	sdelay $0x1  }
0x29: {  	s30 =	simm.s32 $0x0;
	s2 =	sadd.s32 s4, s2  }
0x2a: {  	[tilespmem:s29], [sflag:$0x3] =	stream.linear.gather [hbm4b:s2+s30], $0x1C0, $0x38;
	[tilespmem:$0xCD80] =	vst v63  }
0x2b: {  	_ =	swait.ge [sflag:s11], $0x1C0  }
0x2c: {  	[sflag:s11] =	ssyncset.done $0x0  }
0x2d: {  	s30 =	simm.s32 $0x6780;
	[sflag:s11] =	ssyncadd.s32 $0xFFFFFE40  }
0x2e: {  	[tilespmem:s30], [sflag:$0x2] =	stream.indirect.gather [hbm4b:s5+s12], $0x40, s29, s12, $0xb8;
	[tilespmem:$0xCD80] =	vst v63  }
0x2f: {  	_ = 	snop  }
0x30: {  	[tilespmem:s0], [sflag:$0x2] =	stream.indirect.gather [hbm4b:s5+s12], $0x40, s31, s12, $0xb8;
	[tilespmem:$0xCD80] =	vst v63  }
0x31: {  	_ = 	snop  }
0x32: {  	[tilespmem:s13], [sflag:$0x2] =	stream.indirect.gather [hbm4b:s5+s12], $0x40, s1, s12, $0xb8;
	[tilespmem:$0xCD80] =	vst v63  }
0x33: {  	_ = 	snop  }
0x34: {  	[tilespmem:s15], [sflag:$0x2] =	stream.indirect.gather [hbm4b:s5+s12], $0x40, s14, s12, $0xb8;
	[tilespmem:$0xCD80] =	vst v63  }
0x35: {  	_ = 	snop  }
0x36: {  	[tilespmem:s17], [sflag:$0x2] =	stream.indirect.gather [hbm4b:s5+s12], $0x40, s16, s12, $0xb8;
	[tilespmem:$0xCD80] =	vst v63  }
0x37: {  	_ = 	snop  }
0x38: {  	[tilespmem:s19], [sflag:$0x2] =	stream.indirect.gather [hbm4b:s5+s12], $0x40, s18, s12, $0xb8;
	[tilespmem:$0xCD80] =	vst v63  }
0x39: {  	_ = 	snop  }
0x3a: {  	[tilespmem:s21], [sflag:$0x2] =	stream.indirect.gather [hbm4b:s5+s12], $0x40, s20, s12, $0xb8;
	[tilespmem:$0xCD80] =	vst v63  }
0x3b: {  	_ = 	snop  }
0x3c: {  	[tilespmem:s23], [sflag:$0x2] =	stream.indirect.gather [hbm4b:s5+s12], $0x40, s22, s12, $0xb8;
	[tilespmem:$0xCD80] =	vst v63  }
0x3d: {  	_ =	swait.ge [sflag:s24], $0xC80  }
0x3e: {  	[sflag:s24] =	ssyncset.done $0x0  }
0x3f: {  	[sflag:s24] =	ssyncadd.s32 $0xFFFFF380  }
0x40: {  	_ =	swait.ge [sflag:s24], $0xC80  }
0x41: {  	[sflag:s24] =	ssyncset.done $0x0  }
0x42: {  	[sflag:s24] =	ssyncadd.s32 $0xFFFFF380  }
0x43: {  	_ =	swait.ge [sflag:s24], $0xC80  }
0x44: {  	[sflag:s24] =	ssyncset.done $0x0  }
0x45: {  	[sflag:s24] =	ssyncadd.s32 $0xFFFFF380  }
0x46: {  	_ =	swait.ge [sflag:s24], $0xC80  }
0x47: {  	[sflag:s24] =	ssyncset.done $0x0  }
0x48: {  	[sflag:s24] =	ssyncadd.s32 $0xFFFFF380  }
0x49: {  	_ =	swait.ge [sflag:s24], $0xC80  }
0x4a: {  	[sflag:s24] =	ssyncset.done $0x0  }
0x4b: {  	[sflag:s24] =	ssyncadd.s32 $0xFFFFF380  }
0x4c: {  	_ =	swait.ge [sflag:s24], $0xC80  }
0x4d: {  	[sflag:s24] =	ssyncset.done $0x0  }
0x4e: {  	[sflag:s24] =	ssyncadd.s32 $0xFFFFF380  }
0x4f: {  	_ =	swait.ge [sflag:s24], $0xC80  }
0x50: {  	[sflag:s24] =	ssyncset.done $0x0  }
0x51: {  	[sflag:s24] =	ssyncadd.s32 $0xFFFFF380  }
0x52: {  	_ =	swait.ge [sflag:s24], $0xC80  }
0x53: {  	[sflag:s24] =	ssyncset.done $0x0  }
0x54: {  	s30 =	simm.s32 $0x0;
	[sflag:s24] =	ssyncadd.s32 $0xFFFFF380  }
0x55: {  	v1 =	vld [tilespmem:s30+$0x3B0]  }
0x56: {  	v2 =	vld [tilespmem:s30+$0x380]  }
0x57: {  	v0 =	vimm.f32 $0.0e+00;
	v3 =	vld [tilespmem:s30+$0x390]  }
0x58: {  	v5 =	vimm.f32 $0.0e+00;
	v6 =	vimm.f32 $0.0e+00;
	v7 =	vimm.f32 $0.0e+00;
	s2 =	simm.s32 $0x100;
	v4 =	vld [tilespmem:s30+$0x3A0]  }
.LBB2_3:
0x59: {  	p0 =	sne.s32 s2, $0x3100  }
.Ltmp0:
0x5a: {  	s30 =	sshra.s32 s2, $0x2;
	s2 =	sadd.s32 $0x100, s2;
	v0 =	vadd.f32 v1, v0;
	(pc) =	sbr.rel @p0 .LBB2_3-.Ltmp0, $4  }
0x5b: {  	v1 =	vld [tilespmem:s30+$0x3B0];
	v5 =	vadd.f32 v2, v5  }
0x5c: {  	v2 =	vld [tilespmem:s30+$0x380];
	v6 =	vadd.f32 v3, v6  }
0x5d: {  	v3 =	vld [tilespmem:s30+$0x390];
	v7 =	vadd.f32 v4, v7  }
0x5e: {  	v4 =	vld [tilespmem:s30+$0x3A0]  }
0x5f: {  	_ = 	snop  }
0x60: {  	v0 =	vadd.f32 v1, v0  }
0x61: {  	v2 =	vadd.f32 v2, v5  }
0x62: {  	v3 =	vadd.f32 v3, v6;
	[tilespmem:$0xCBB0] =	vst v0  }
0x63: {  	v4 =	vadd.f32 v4, v7;
	[tilespmem:$0xCB80] =	vst v2  }
0x64: {  	[tilespmem:$0xCB90] =	vst v3  }
0x65: {  	s30 =	simm.s32 $0x0;
	[tilespmem:$0xCBA0] =	vst v4  }
0x66: {  	v1 =	vld [tilespmem:s30+$0x1030]  }
0x67: {  	v2 =	vld [tilespmem:s30+$0x1000]  }
0x68: {  	v5 =	vimm.f32 $0.0e+00;
	v3 =	vld [tilespmem:s30+$0x1010]  }
0x69: {  	s2 =	simm.s32 $0x100;
	v0 =	vimm.f32 $0.0e+00;
	v6 =	vimm.f32 $0.0e+00;
	v7 =	vimm.f32 $0.0e+00;
	v4 =	vld [tilespmem:s30+$0x1020]  }
.LBB2_5:
0x6a: {  	p0 =	sne.s32 s2, $0x3100  }
.Ltmp1:
0x6b: {  	s30 =	sshra.s32 s2, $0x2;
	s2 =	sadd.s32 $0x100, s2;
	v0 =	vadd.f32 v1, v0;
	(pc) =	sbr.rel @p0 .LBB2_5-.Ltmp1, $4  }
0x6c: {  	v1 =	vld [tilespmem:s30+$0x1030];
	v5 =	vadd.f32 v2, v5  }
0x6d: {  	v2 =	vld [tilespmem:s30+$0x1000];
	v6 =	vadd.f32 v3, v6  }
0x6e: {  	v3 =	vld [tilespmem:s30+$0x1010];
	v7 =	vadd.f32 v4, v7  }
0x6f: {  	v4 =	vld [tilespmem:s30+$0x1020]  }
0x70: {  	_ = 	snop  }
0x71: {  	v0 =	vadd.f32 v1, v0  }
0x72: {  	v2 =	vadd.f32 v2, v5  }
0x73: {  	v3 =	vadd.f32 v3, v6;
	[tilespmem:$0xCBF0] =	vst v0  }
0x74: {  	v4 =	vadd.f32 v4, v7;
	[tilespmem:$0xCBC0] =	vst v2  }
0x75: {  	[tilespmem:$0xCBD0] =	vst v3  }
0x76: {  	s30 =	simm.s32 $0x0;
	[tilespmem:$0xCBE0] =	vst v4  }
0x77: {  	v1 =	vld [tilespmem:s30+$0x1CB0]  }
0x78: {  	v2 =	vld [tilespmem:s30+$0x1C80]  }
0x79: {  	v5 =	vimm.f32 $0.0e+00;
	v3 =	vld [tilespmem:s30+$0x1C90]  }
0x7a: {  	s2 =	simm.s32 $0x100;
	v0 =	vimm.f32 $0.0e+00;
	v6 =	vimm.f32 $0.0e+00;
	v7 =	vimm.f32 $0.0e+00;
	v4 =	vld [tilespmem:s30+$0x1CA0]  }
.LBB2_7:
0x7b: {  	p0 =	sne.s32 s2, $0x3100  }
.Ltmp2:
0x7c: {  	s30 =	sshra.s32 s2, $0x2;
	s2 =	sadd.s32 $0x100, s2;
	v0 =	vadd.f32 v1, v0;
	(pc) =	sbr.rel @p0 .LBB2_7-.Ltmp2, $4  }
0x7d: {  	v1 =	vld [tilespmem:s30+$0x1CB0];
	v5 =	vadd.f32 v2, v5  }
0x7e: {  	v2 =	vld [tilespmem:s30+$0x1C80];
	v6 =	vadd.f32 v3, v6  }
0x7f: {  	v3 =	vld [tilespmem:s30+$0x1C90];
	v7 =	vadd.f32 v4, v7  }
0x80: {  	v4 =	vld [tilespmem:s30+$0x1CA0]  }
0x81: {  	_ = 	snop  }
0x82: {  	v0 =	vadd.f32 v1, v0  }
0x83: {  	v2 =	vadd.f32 v2, v5  }
0x84: {  	v3 =	vadd.f32 v3, v6;
	[tilespmem:$0xCC30] =	vst v0  }
0x85: {  	v4 =	vadd.f32 v4, v7;
	[tilespmem:$0xCC00] =	vst v2  }
0x86: {  	[tilespmem:$0xCC10] =	vst v3  }
0x87: {  	s30 =	simm.s32 $0x0;
	[tilespmem:$0xCC20] =	vst v4  }
0x88: {  	v1 =	vld [tilespmem:s30+$0x2930]  }
0x89: {  	v2 =	vld [tilespmem:s30+$0x2900]  }
0x8a: {  	v5 =	vimm.f32 $0.0e+00;
	v3 =	vld [tilespmem:s30+$0x2910]  }
0x8b: {  	s2 =	simm.s32 $0x100;
	v0 =	vimm.f32 $0.0e+00;
	v6 =	vimm.f32 $0.0e+00;
	v7 =	vimm.f32 $0.0e+00;
	v4 =	vld [tilespmem:s30+$0x2920]  }
.LBB2_9:
0x8c: {  	p0 =	sne.s32 s2, $0x3100  }
.Ltmp3:
0x8d: {  	s30 =	sshra.s32 s2, $0x2;
	s2 =	sadd.s32 $0x100, s2;
	v0 =	vadd.f32 v1, v0;
	(pc) =	sbr.rel @p0 .LBB2_9-.Ltmp3, $4  }
0x8e: {  	v1 =	vld [tilespmem:s30+$0x2930];
	v5 =	vadd.f32 v2, v5  }
0x8f: {  	v2 =	vld [tilespmem:s30+$0x2900];
	v6 =	vadd.f32 v3, v6  }
0x90: {  	v3 =	vld [tilespmem:s30+$0x2910];
	v7 =	vadd.f32 v4, v7  }
0x91: {  	v4 =	vld [tilespmem:s30+$0x2920]  }
0x92: {  	_ = 	snop  }
0x93: {  	v0 =	vadd.f32 v1, v0  }
0x94: {  	v2 =	vadd.f32 v2, v5  }
0x95: {  	v3 =	vadd.f32 v3, v6;
	[tilespmem:$0xCC70] =	vst v0  }
0x96: {  	v4 =	vadd.f32 v4, v7;
	[tilespmem:$0xCC40] =	vst v2  }
0x97: {  	[tilespmem:$0xCC50] =	vst v3  }
0x98: {  	s30 =	simm.s32 $0x0;
	[tilespmem:$0xCC60] =	vst v4  }
0x99: {  	v1 =	vld [tilespmem:s30+$0x35B0]  }
0x9a: {  	v2 =	vld [tilespmem:s30+$0x3580]  }
0x9b: {  	v5 =	vimm.f32 $0.0e+00;
	v3 =	vld [tilespmem:s30+$0x3590]  }
0x9c: {  	s2 =	simm.s32 $0x100;
	v0 =	vimm.f32 $0.0e+00;
	v6 =	vimm.f32 $0.0e+00;
	v7 =	vimm.f32 $0.0e+00;
	v4 =	vld [tilespmem:s30+$0x35A0]  }
.LBB2_11:
0x9d: {  	p0 =	sne.s32 s2, $0x3100  }
.Ltmp4:
0x9e: {  	s30 =	sshra.s32 s2, $0x2;
	s2 =	sadd.s32 $0x100, s2;
	v0 =	vadd.f32 v1, v0;
	(pc) =	sbr.rel @p0 .LBB2_11-.Ltmp4, $4  }
0x9f: {  	v1 =	vld [tilespmem:s30+$0x35B0];
	v5 =	vadd.f32 v2, v5  }
0xa0: {  	v2 =	vld [tilespmem:s30+$0x3580];
	v6 =	vadd.f32 v3, v6  }
0xa1: {  	v3 =	vld [tilespmem:s30+$0x3590];
	v7 =	vadd.f32 v4, v7  }
0xa2: {  	v4 =	vld [tilespmem:s30+$0x35A0]  }
0xa3: {  	_ = 	snop  }
0xa4: {  	v0 =	vadd.f32 v1, v0  }
0xa5: {  	v2 =	vadd.f32 v2, v5  }
0xa6: {  	v3 =	vadd.f32 v3, v6;
	[tilespmem:$0xCCB0] =	vst v0  }
0xa7: {  	v4 =	vadd.f32 v4, v7;
	[tilespmem:$0xCC80] =	vst v2  }
0xa8: {  	[tilespmem:$0xCC90] =	vst v3  }
0xa9: {  	s30 =	simm.s32 $0x0;
	[tilespmem:$0xCCA0] =	vst v4  }
0xaa: {  	v1 =	vld [tilespmem:s30+$0x4230]  }
0xab: {  	v2 =	vld [tilespmem:s30+$0x4200]  }
0xac: {  	v5 =	vimm.f32 $0.0e+00;
	v3 =	vld [tilespmem:s30+$0x4210]  }
0xad: {  	s2 =	simm.s32 $0x100;
	v0 =	vimm.f32 $0.0e+00;
	v6 =	vimm.f32 $0.0e+00;
	v7 =	vimm.f32 $0.0e+00;
	v4 =	vld [tilespmem:s30+$0x4220]  }
.LBB2_13:
0xae: {  	p0 =	sne.s32 s2, $0x3100  }
.Ltmp5:
0xaf: {  	s30 =	sshra.s32 s2, $0x2;
	s2 =	sadd.s32 $0x100, s2;
	v0 =	vadd.f32 v1, v0;
	(pc) =	sbr.rel @p0 .LBB2_13-.Ltmp5, $4  }
0xb0: {  	v1 =	vld [tilespmem:s30+$0x4230];
	v5 =	vadd.f32 v2, v5  }
0xb1: {  	v2 =	vld [tilespmem:s30+$0x4200];
	v6 =	vadd.f32 v3, v6  }
0xb2: {  	v3 =	vld [tilespmem:s30+$0x4210];
	v7 =	vadd.f32 v4, v7  }
0xb3: {  	v4 =	vld [tilespmem:s30+$0x4220]  }
0xb4: {  	_ = 	snop  }
0xb5: {  	v0 =	vadd.f32 v1, v0  }
0xb6: {  	v2 =	vadd.f32 v2, v5  }
0xb7: {  	v3 =	vadd.f32 v3, v6;
	[tilespmem:$0xCCF0] =	vst v0  }
0xb8: {  	v4 =	vadd.f32 v4, v7;
	[tilespmem:$0xCCC0] =	vst v2  }
0xb9: {  	[tilespmem:$0xCCD0] =	vst v3  }
0xba: {  	s30 =	simm.s32 $0x0;
	[tilespmem:$0xCCE0] =	vst v4  }
0xbb: {  	v1 =	vld [tilespmem:s30+$0x4EB0]  }
0xbc: {  	v2 =	vld [tilespmem:s30+$0x4E80]  }
0xbd: {  	v5 =	vimm.f32 $0.0e+00;
	v3 =	vld [tilespmem:s30+$0x4E90]  }
0xbe: {  	s2 =	simm.s32 $0x100;
	v0 =	vimm.f32 $0.0e+00;
	v6 =	vimm.f32 $0.0e+00;
	v7 =	vimm.f32 $0.0e+00;
	v4 =	vld [tilespmem:s30+$0x4EA0]  }
.LBB2_15:
0xbf: {  	p0 =	sne.s32 s2, $0x3100  }
.Ltmp6:
0xc0: {  	s30 =	sshra.s32 s2, $0x2;
	s2 =	sadd.s32 $0x100, s2;
	v0 =	vadd.f32 v1, v0;
	(pc) =	sbr.rel @p0 .LBB2_15-.Ltmp6, $4  }
0xc1: {  	v1 =	vld [tilespmem:s30+$0x4EB0];
	v5 =	vadd.f32 v2, v5  }
0xc2: {  	v2 =	vld [tilespmem:s30+$0x4E80];
	v6 =	vadd.f32 v3, v6  }
0xc3: {  	v3 =	vld [tilespmem:s30+$0x4E90];
	v7 =	vadd.f32 v4, v7  }
0xc4: {  	v4 =	vld [tilespmem:s30+$0x4EA0]  }
0xc5: {  	_ = 	snop  }
0xc6: {  	v0 =	vadd.f32 v1, v0  }
0xc7: {  	v2 =	vadd.f32 v2, v5  }
0xc8: {  	v3 =	vadd.f32 v3, v6;
	[tilespmem:$0xCD30] =	vst v0  }
0xc9: {  	v4 =	vadd.f32 v4, v7;
	[tilespmem:$0xCD00] =	vst v2  }
0xca: {  	[tilespmem:$0xCD10] =	vst v3  }
0xcb: {  	s30 =	simm.s32 $0x0;
	[tilespmem:$0xCD20] =	vst v4  }
0xcc: {  	v1 =	vld [tilespmem:s30+$0x5B30]  }
0xcd: {  	v2 =	vld [tilespmem:s30+$0x5B00]  }
0xce: {  	v5 =	vimm.f32 $0.0e+00;
	v3 =	vld [tilespmem:s30+$0x5B10]  }
0xcf: {  	s2 =	simm.s32 $0x100;
	v0 =	vimm.f32 $0.0e+00;
	v6 =	vimm.f32 $0.0e+00;
	v7 =	vimm.f32 $0.0e+00;
	v4 =	vld [tilespmem:s30+$0x5B20]  }
.LBB2_17:
0xd0: {  	p0 =	sne.s32 s2, $0x3100  }
.Ltmp7:
0xd1: {  	s30 =	sshra.s32 s2, $0x2;
	s2 =	sadd.s32 $0x100, s2;
	v0 =	vadd.f32 v1, v0;
	(pc) =	sbr.rel @p0 .LBB2_17-.Ltmp7, $4  }
0xd2: {  	v1 =	vld [tilespmem:s30+$0x5B30];
	v5 =	vadd.f32 v2, v5  }
0xd3: {  	v2 =	vld [tilespmem:s30+$0x5B00];
	v6 =	vadd.f32 v3, v6  }
0xd4: {  	v3 =	vld [tilespmem:s30+$0x5B10];
	v7 =	vadd.f32 v4, v7  }
0xd5: {  	v4 =	vld [tilespmem:s30+$0x5B20]  }
0xd6: {  	_ = 	snop  }
0xd7: {  	v0 =	vadd.f32 v1, v0  }
0xd8: {  	v2 =	vadd.f32 v2, v5  }
0xd9: {  	v3 =	vadd.f32 v3, v6;
	[tilespmem:$0xCD70] =	vst v0  }
0xda: {  	v4 =	vadd.f32 v4, v7;
	[tilespmem:$0xCD40] =	vst v2  }
0xdb: {  	s2 =	sshll.u32 s6, $0x7;
	[tilespmem:$0xCD50] =	vst v3  }
0xdc: {  	p0 =	seq.s32 s6, $0x1F;
	s2 =	sadd.s32 s2, s7;
	[tilespmem:$0xCD60] =	vst v4  }
0xdd: {  	[hbm4b:s2+s3] =	stream.linear.scatter [tilespmem:s25], [sflag:$0x3], $0x200, $0x38;
	[tilespmem:$0xCD80] =	vst v63  }
0xde: {  	s2 =	sadd.s32 @!p0 s28, s8  }
0xdf: {  	_ =	swait.ge [sflag:s11], $0x200;
	s2 =	smul.u32 @!p0 $0x7, s2  }
0xe0: {  	[sflag:s11] =	ssyncset.done $0x0  }
0xe1: {  	s28 =	simm.s32 @!p0 $0x0;
	[sflag:s11] =	ssyncadd.s32 $0xFFFFFE00;
	s2 =	sadd.s32 @!p0 s4, s2  }
0xe2: {  	[tilespmem:s28], [sflag:$0x3] =	stream.linear.gather @!p0 [hbm4b:s2+s28], $0x1C0, $0x38;
	[tilespmem:$0xCD80] =	vst v63  }
0xe3: {  	s2 =	simm.s32 @!p0 $0x3  }
0xe4: {  	_ =	swait.ge @!p0 [sflag:s2], $0x1C0  }
0xe5: {  	[sflag:s2] =	ssyncset.done @!p0 $0x0  }
0xe6: {  	s30 =	simm.s32 @!p0 $0x380;
	[sflag:s2] =	ssyncadd.s32 @!p0 $0xFFFFFE40;
	s2 =	simm.s32 @!p0 $0x32  }
0xe7: {  	[tilespmem:s30], [sflag:$0x1] =	stream.indirect.gather @!p0 [hbm4b:s5+s2], $0x40, s28, s2, $0xb8;
	[tilespmem:$0xCD80] =	vst v63  }
0xe8: {  	s28 =	simm.s32 @!p0 $0x38;
	s30 =	simm.s32 @!p0 $0x1000  }
0xe9: {  	[tilespmem:s30], [sflag:$0x1] =	stream.indirect.gather @!p0 [hbm4b:s5+s2], $0x40, s28, s2, $0xb8;
	[tilespmem:$0xCD80] =	vst v63  }
0xea: {  	s28 =	simm.s32 @!p0 $0x70;
	s30 =	simm.s32 @!p0 $0x1C80  }
0xeb: {  	[tilespmem:s30], [sflag:$0x1] =	stream.indirect.gather @!p0 [hbm4b:s5+s2], $0x40, s28, s2, $0xb8;
	[tilespmem:$0xCD80] =	vst v63  }
0xec: {  	s28 =	simm.s32 @!p0 $0xA8;
	s30 =	simm.s32 @!p0 $0x2900  }
0xed: {  	[tilespmem:s30], [sflag:$0x1] =	stream.indirect.gather @!p0 [hbm4b:s5+s2], $0x40, s28, s2, $0xb8;
	[tilespmem:$0xCD80] =	vst v63  }
0xee: {  	s28 =	simm.s32 @!p0 $0xE0;
	s30 =	simm.s32 @!p0 $0x3580  }
0xef: {  	[tilespmem:s30], [sflag:$0x1] =	stream.indirect.gather @!p0 [hbm4b:s5+s2], $0x40, s28, s2, $0xb8;
	[tilespmem:$0xCD80] =	vst v63  }
0xf0: {  	s28 =	simm.s32 @!p0 $0x118;
	s30 =	simm.s32 @!p0 $0x4200  }
0xf1: {  	[tilespmem:s30], [sflag:$0x1] =	stream.indirect.gather @!p0 [hbm4b:s5+s2], $0x40, s28, s2, $0xb8;
	[tilespmem:$0xCD80] =	vst v63  }
0xf2: {  	s28 =	simm.s32 @!p0 $0x150;
	s30 =	simm.s32 @!p0 $0x4E80  }
0xf3: {  	[tilespmem:s30], [sflag:$0x1] =	stream.indirect.gather @!p0 [hbm4b:s5+s2], $0x40, s28, s2, $0xb8;
	[tilespmem:$0xCD80] =	vst v63  }
0xf4: {  	s28 =	simm.s32 @!p0 $0x188;
	s30 =	simm.s32 @!p0 $0x5B00  }
0xf5: {  	[tilespmem:s30], [sflag:$0x1] =	stream.indirect.gather @!p0 [hbm4b:s5+s2], $0x40, s28, s2, $0xb8;
	[tilespmem:$0xCD80] =	vst v63  }
0xf6: {  	_ =	swait.ge [sflag:s26], $0xC80  }
0xf7: {  	[sflag:s26] =	ssyncset.done $0x0  }
0xf8: {  	[sflag:s26] =	ssyncadd.s32 $0xFFFFF380  }
0xf9: {  	_ =	swait.ge [sflag:s26], $0xC80  }
0xfa: {  	[sflag:s26] =	ssyncset.done $0x0  }
0xfb: {  	[sflag:s26] =	ssyncadd.s32 $0xFFFFF380  }
0xfc: {  	_ =	swait.ge [sflag:s26], $0xC80  }
0xfd: {  	[sflag:s26] =	ssyncset.done $0x0  }
0xfe: {  	[sflag:s26] =	ssyncadd.s32 $0xFFFFF380  }
0xff: {  	_ =	swait.ge [sflag:s26], $0xC80  }
0x100: {  	[sflag:s26] =	ssyncset.done $0x0  }
0x101: {  	[sflag:s26] =	ssyncadd.s32 $0xFFFFF380  }
0x102: {  	_ =	swait.ge [sflag:s26], $0xC80  }
0x103: {  	[sflag:s26] =	ssyncset.done $0x0  }
0x104: {  	[sflag:s26] =	ssyncadd.s32 $0xFFFFF380  }
0x105: {  	_ =	swait.ge [sflag:s26], $0xC80  }
0x106: {  	[sflag:s26] =	ssyncset.done $0x0  }
0x107: {  	[sflag:s26] =	ssyncadd.s32 $0xFFFFF380  }
0x108: {  	_ =	swait.ge [sflag:s26], $0xC80  }
0x109: {  	[sflag:s26] =	ssyncset.done $0x0  }
0x10a: {  	[sflag:s26] =	ssyncadd.s32 $0xFFFFF380  }
0x10b: {  	_ =	swait.ge [sflag:s26], $0xC80  }
0x10c: {  	[sflag:s26] =	ssyncset.done $0x0  }
0x10d: {  	s30 =	simm.s32 $0x0;
	[sflag:s26] =	ssyncadd.s32 $0xFFFFF380  }
0x10e: {  	v1 =	vld [tilespmem:s30+$0x67B0]  }
0x10f: {  	v2 =	vld [tilespmem:s30+$0x6780]  }
0x110: {  	v5 =	vimm.f32 $0.0e+00;
	v3 =	vld [tilespmem:s30+$0x6790]  }
0x111: {  	v0 =	vimm.f32 $0.0e+00;
	v6 =	vimm.f32 $0.0e+00;
	v7 =	vimm.f32 $0.0e+00;
	s2 =	simm.s32 $0x100;
	v4 =	vld [tilespmem:s30+$0x67A0]  }
.LBB2_19:
0x112: {  	p0 =	sne.s32 s2, $0x3100  }
.Ltmp8:
0x113: {  	s28 =	sshra.s32 s2, $0x2;
	s2 =	sadd.s32 $0x100, s2;
	v0 =	vadd.f32 v1, v0;
	(pc) =	sbr.rel @p0 .LBB2_19-.Ltmp8, $4  }
0x114: {  	v1 =	vld [tilespmem:s28+$0x67B0];
	v5 =	vadd.f32 v2, v5  }
0x115: {  	v2 =	vld [tilespmem:s28+$0x6780];
	v6 =	vadd.f32 v3, v6  }
0x116: {  	v3 =	vld [tilespmem:s28+$0x6790];
	v7 =	vadd.f32 v4, v7  }
0x117: {  	v4 =	vld [tilespmem:s28+$0x67A0]  }
0x118: {  	_ = 	snop  }
0x119: {  	v0 =	vadd.f32 v1, v0  }
0x11a: {  	v2 =	vadd.f32 v2, v5  }
0x11b: {  	v3 =	vadd.f32 v3, v6;
	[tilespmem:$0xCBB0] =	vst v0  }
0x11c: {  	v4 =	vadd.f32 v4, v7;
	[tilespmem:$0xCB80] =	vst v2  }
0x11d: {  	[tilespmem:$0xCB90] =	vst v3  }
0x11e: {  	s28 =	simm.s32 $0x0;
	[tilespmem:$0xCBA0] =	vst v4  }
0x11f: {  	v1 =	vld [tilespmem:s28+$0x7430]  }
0x120: {  	v2 =	vld [tilespmem:s28+$0x7400]  }
0x121: {  	v5 =	vimm.f32 $0.0e+00;
	v3 =	vld [tilespmem:s28+$0x7410]  }
0x122: {  	s2 =	simm.s32 $0x100;
	v0 =	vimm.f32 $0.0e+00;
	v6 =	vimm.f32 $0.0e+00;
	v7 =	vimm.f32 $0.0e+00;
	v4 =	vld [tilespmem:s28+$0x7420]  }
.LBB2_21:
0x123: {  	p0 =	sne.s32 s2, $0x3100  }
.Ltmp9:
0x124: {  	s28 =	sshra.s32 s2, $0x2;
	s2 =	sadd.s32 $0x100, s2;
	v0 =	vadd.f32 v1, v0;
	(pc) =	sbr.rel @p0 .LBB2_21-.Ltmp9, $4  }
0x125: {  	v1 =	vld [tilespmem:s28+$0x7430];
	v5 =	vadd.f32 v2, v5  }
0x126: {  	v2 =	vld [tilespmem:s28+$0x7400];
	v6 =	vadd.f32 v3, v6  }
0x127: {  	v3 =	vld [tilespmem:s28+$0x7410];
	v7 =	vadd.f32 v4, v7  }
0x128: {  	v4 =	vld [tilespmem:s28+$0x7420]  }
0x129: {  	_ = 	snop  }
0x12a: {  	v0 =	vadd.f32 v1, v0  }
0x12b: {  	v2 =	vadd.f32 v2, v5  }
0x12c: {  	v3 =	vadd.f32 v3, v6;
	[tilespmem:$0xCBF0] =	vst v0  }
0x12d: {  	v4 =	vadd.f32 v4, v7;
	[tilespmem:$0xCBC0] =	vst v2  }
0x12e: {  	[tilespmem:$0xCBD0] =	vst v3  }
0x12f: {  	s28 =	simm.s32 $0x0;
	[tilespmem:$0xCBE0] =	vst v4  }
0x130: {  	v1 =	vld [tilespmem:s28+$0x80B0]  }
0x131: {  	v2 =	vld [tilespmem:s28+$0x8080]  }
0x132: {  	v5 =	vimm.f32 $0.0e+00;
	v3 =	vld [tilespmem:s28+$0x8090]  }
0x133: {  	s2 =	simm.s32 $0x100;
	v0 =	vimm.f32 $0.0e+00;
	v6 =	vimm.f32 $0.0e+00;
	v7 =	vimm.f32 $0.0e+00;
	v4 =	vld [tilespmem:s28+$0x80A0]  }
.LBB2_23:
0x134: {  	p0 =	sne.s32 s2, $0x3100  }
.Ltmp10:
0x135: {  	s28 =	sshra.s32 s2, $0x2;
	s2 =	sadd.s32 $0x100, s2;
	v0 =	vadd.f32 v1, v0;
	(pc) =	sbr.rel @p0 .LBB2_23-.Ltmp10, $4  }
0x136: {  	v1 =	vld [tilespmem:s28+$0x80B0];
	v5 =	vadd.f32 v2, v5  }
0x137: {  	v2 =	vld [tilespmem:s28+$0x8080];
	v6 =	vadd.f32 v3, v6  }
0x138: {  	v3 =	vld [tilespmem:s28+$0x8090];
	v7 =	vadd.f32 v4, v7  }
0x139: {  	v4 =	vld [tilespmem:s28+$0x80A0]  }
0x13a: {  	_ = 	snop  }
0x13b: {  	v0 =	vadd.f32 v1, v0  }
0x13c: {  	v2 =	vadd.f32 v2, v5  }
0x13d: {  	v3 =	vadd.f32 v3, v6;
	[tilespmem:$0xCC30] =	vst v0  }
0x13e: {  	v4 =	vadd.f32 v4, v7;
	[tilespmem:$0xCC00] =	vst v2  }
0x13f: {  	[tilespmem:$0xCC10] =	vst v3  }
0x140: {  	s28 =	simm.s32 $0x0;
	[tilespmem:$0xCC20] =	vst v4  }
0x141: {  	v1 =	vld [tilespmem:s28+$0x8D30]  }
0x142: {  	v2 =	vld [tilespmem:s28+$0x8D00]  }
0x143: {  	v5 =	vimm.f32 $0.0e+00;
	v3 =	vld [tilespmem:s28+$0x8D10]  }
0x144: {  	s2 =	simm.s32 $0x100;
	v0 =	vimm.f32 $0.0e+00;
	v6 =	vimm.f32 $0.0e+00;
	v7 =	vimm.f32 $0.0e+00;
	v4 =	vld [tilespmem:s28+$0x8D20]  }
.LBB2_25:
0x145: {  	p0 =	sne.s32 s2, $0x3100  }
.Ltmp11:
0x146: {  	s28 =	sshra.s32 s2, $0x2;
	s2 =	sadd.s32 $0x100, s2;
	v0 =	vadd.f32 v1, v0;
	(pc) =	sbr.rel @p0 .LBB2_25-.Ltmp11, $4  }
0x147: {  	v1 =	vld [tilespmem:s28+$0x8D30];
	v5 =	vadd.f32 v2, v5  }
0x148: {  	v2 =	vld [tilespmem:s28+$0x8D00];
	v6 =	vadd.f32 v3, v6  }
0x149: {  	v3 =	vld [tilespmem:s28+$0x8D10];
	v7 =	vadd.f32 v4, v7  }
0x14a: {  	v4 =	vld [tilespmem:s28+$0x8D20]  }
0x14b: {  	_ = 	snop  }
0x14c: {  	v0 =	vadd.f32 v1, v0  }
0x14d: {  	v2 =	vadd.f32 v2, v5  }
0x14e: {  	v3 =	vadd.f32 v3, v6;
	[tilespmem:$0xCC70] =	vst v0  }
0x14f: {  	v4 =	vadd.f32 v4, v7;
	[tilespmem:$0xCC40] =	vst v2  }
0x150: {  	[tilespmem:$0xCC50] =	vst v3  }
0x151: {  	s28 =	simm.s32 $0x0;
	[tilespmem:$0xCC60] =	vst v4  }
0x152: {  	v1 =	vld [tilespmem:s28+$0x99B0]  }
0x153: {  	v2 =	vld [tilespmem:s28+$0x9980]  }
0x154: {  	v5 =	vimm.f32 $0.0e+00;
	v3 =	vld [tilespmem:s28+$0x9990]  }
0x155: {  	s2 =	simm.s32 $0x100;
	v0 =	vimm.f32 $0.0e+00;
	v6 =	vimm.f32 $0.0e+00;
	v7 =	vimm.f32 $0.0e+00;
	v4 =	vld [tilespmem:s28+$0x99A0]  }
.LBB2_27:
0x156: {  	p0 =	sne.s32 s2, $0x3100  }
.Ltmp12:
0x157: {  	s28 =	sshra.s32 s2, $0x2;
	s2 =	sadd.s32 $0x100, s2;
	v0 =	vadd.f32 v1, v0;
	(pc) =	sbr.rel @p0 .LBB2_27-.Ltmp12, $4  }
0x158: {  	v1 =	vld [tilespmem:s28+$0x99B0];
	v5 =	vadd.f32 v2, v5  }
0x159: {  	v2 =	vld [tilespmem:s28+$0x9980];
	v6 =	vadd.f32 v3, v6  }
0x15a: {  	v3 =	vld [tilespmem:s28+$0x9990];
	v7 =	vadd.f32 v4, v7  }
0x15b: {  	v4 =	vld [tilespmem:s28+$0x99A0]  }
0x15c: {  	_ = 	snop  }
0x15d: {  	v0 =	vadd.f32 v1, v0  }
0x15e: {  	v2 =	vadd.f32 v2, v5  }
0x15f: {  	v3 =	vadd.f32 v3, v6;
	[tilespmem:$0xCCB0] =	vst v0  }
0x160: {  	v4 =	vadd.f32 v4, v7;
	[tilespmem:$0xCC80] =	vst v2  }
0x161: {  	[tilespmem:$0xCC90] =	vst v3  }
0x162: {  	s28 =	simm.s32 $0x0;
	[tilespmem:$0xCCA0] =	vst v4  }
0x163: {  	v1 =	vld [tilespmem:s28+$0xA630]  }
0x164: {  	v2 =	vld [tilespmem:s28+$0xA600]  }
0x165: {  	v5 =	vimm.f32 $0.0e+00;
	v3 =	vld [tilespmem:s28+$0xA610]  }
0x166: {  	s2 =	simm.s32 $0x100;
	v0 =	vimm.f32 $0.0e+00;
	v6 =	vimm.f32 $0.0e+00;
	v7 =	vimm.f32 $0.0e+00;
	v4 =	vld [tilespmem:s28+$0xA620]  }
.LBB2_29:
0x167: {  	p0 =	sne.s32 s2, $0x3100  }
.Ltmp13:
0x168: {  	s28 =	sshra.s32 s2, $0x2;
	s2 =	sadd.s32 $0x100, s2;
	v0 =	vadd.f32 v1, v0;
	(pc) =	sbr.rel @p0 .LBB2_29-.Ltmp13, $4  }
0x169: {  	v1 =	vld [tilespmem:s28+$0xA630];
	v5 =	vadd.f32 v2, v5  }
0x16a: {  	v2 =	vld [tilespmem:s28+$0xA600];
	v6 =	vadd.f32 v3, v6  }
0x16b: {  	v3 =	vld [tilespmem:s28+$0xA610];
	v7 =	vadd.f32 v4, v7  }
0x16c: {  	v4 =	vld [tilespmem:s28+$0xA620]  }
0x16d: {  	_ = 	snop  }
0x16e: {  	v0 =	vadd.f32 v1, v0  }
0x16f: {  	v2 =	vadd.f32 v2, v5  }
0x170: {  	v3 =	vadd.f32 v3, v6;
	[tilespmem:$0xCCF0] =	vst v0  }
0x171: {  	v4 =	vadd.f32 v4, v7;
	[tilespmem:$0xCCC0] =	vst v2  }
0x172: {  	[tilespmem:$0xCCD0] =	vst v3  }
0x173: {  	s28 =	simm.s32 $0x0;
	[tilespmem:$0xCCE0] =	vst v4  }
0x174: {  	v1 =	vld [tilespmem:s28+$0xB2B0]  }
0x175: {  	v2 =	vld [tilespmem:s28+$0xB280]  }
0x176: {  	v5 =	vimm.f32 $0.0e+00;
	v3 =	vld [tilespmem:s28+$0xB290]  }
0x177: {  	s2 =	simm.s32 $0x100;
	v0 =	vimm.f32 $0.0e+00;
	v6 =	vimm.f32 $0.0e+00;
	v7 =	vimm.f32 $0.0e+00;
	v4 =	vld [tilespmem:s28+$0xB2A0]  }
.LBB2_31:
0x178: {  	p0 =	sne.s32 s2, $0x3100  }
.Ltmp14:
0x179: {  	s28 =	sshra.s32 s2, $0x2;
	s2 =	sadd.s32 $0x100, s2;
	v0 =	vadd.f32 v1, v0;
	(pc) =	sbr.rel @p0 .LBB2_31-.Ltmp14, $4  }
0x17a: {  	v1 =	vld [tilespmem:s28+$0xB2B0];
	v5 =	vadd.f32 v2, v5  }
0x17b: {  	v2 =	vld [tilespmem:s28+$0xB280];
	v6 =	vadd.f32 v3, v6  }
0x17c: {  	v3 =	vld [tilespmem:s28+$0xB290];
	v7 =	vadd.f32 v4, v7  }
0x17d: {  	v4 =	vld [tilespmem:s28+$0xB2A0]  }
0x17e: {  	_ = 	snop  }
0x17f: {  	v0 =	vadd.f32 v1, v0  }
0x180: {  	v2 =	vadd.f32 v2, v5  }
0x181: {  	v3 =	vadd.f32 v3, v6;
	[tilespmem:$0xCD30] =	vst v0  }
0x182: {  	v4 =	vadd.f32 v4, v7;
	[tilespmem:$0xCD00] =	vst v2  }
0x183: {  	[tilespmem:$0xCD10] =	vst v3  }
0x184: {  	s28 =	simm.s32 $0x0;
	[tilespmem:$0xCD20] =	vst v4  }
0x185: {  	v1 =	vld [tilespmem:s28+$0xBF30]  }
0x186: {  	v2 =	vld [tilespmem:s28+$0xBF00]  }
0x187: {  	v5 =	vimm.f32 $0.0e+00;
	v3 =	vld [tilespmem:s28+$0xBF10]  }
0x188: {  	s2 =	simm.s32 $0x100;
	v0 =	vimm.f32 $0.0e+00;
	v6 =	vimm.f32 $0.0e+00;
	v7 =	vimm.f32 $0.0e+00;
	v4 =	vld [tilespmem:s28+$0xBF20]  }
.LBB2_33:
0x189: {  	p0 =	sne.s32 s2, $0x3100  }
.Ltmp15:
0x18a: {  	s28 =	sshra.s32 s2, $0x2;
	s2 =	sadd.s32 $0x100, s2;
	v0 =	vadd.f32 v1, v0;
	(pc) =	sbr.rel @p0 .LBB2_33-.Ltmp15, $4  }
0x18b: {  	v1 =	vld [tilespmem:s28+$0xBF30];
	v5 =	vadd.f32 v2, v5  }
0x18c: {  	v2 =	vld [tilespmem:s28+$0xBF00];
	v6 =	vadd.f32 v3, v6  }
0x18d: {  	v3 =	vld [tilespmem:s28+$0xBF10];
	v7 =	vadd.f32 v4, v7  }
0x18e: {  	v4 =	vld [tilespmem:s28+$0xBF20]  }
0x18f: {  	_ = 	snop  }
0x190: {  	v0 =	vadd.f32 v1, v0  }
0x191: {  	v2 =	vadd.f32 v2, v5  }
0x192: {  	v3 =	vadd.f32 v3, v6;
	[tilespmem:$0xCD70] =	vst v0  }
0x193: {  	s6 =	sadd.s32 $0x1, s6;
	v4 =	vadd.f32 v4, v7;
	[tilespmem:$0xCD40] =	vst v2  }
0x194: {  	s2 =	sshll.u32 s9, $0x3;
	s30 =	rddreg [dreg:$0x1];
	p0 =	sne.s32 s6, $0x20;
	[tilespmem:$0xCD50] =	vst v3  }
.Ltmp16:
0x195: {  	s2 =	sadd.s32 s30, s2;
	[tilespmem:$0xCD60] =	vst v4;
	(pc) =	sbr.rel @p0 .LBB2_2-.Ltmp16, $4  }
0x196: {  	[hbm4b:s2+s3] =	stream.linear.scatter [tilespmem:s25], [sflag:$0x3], $0x200, $0x38;
	[tilespmem:$0xCD80] =	vst v63  }
0x197: {  	_ =	swait.ge [sflag:s11], $0x200  }
0x198: {  	[sflag:s11] =	ssyncset.done $0x0  }
0x199: {  	[sflag:s11] =	ssyncadd.s32 $0xFFFFFE00  }
0x19a: {  	s6 =	rddreg [dreg:$0x5]  }
0x19b: {  	s2 =	rddreg [dreg:$0x4];
	s6 =	sadd.s32 $0x1, s6  }
0x19c: {  	p0 =	sne.s32 s6, s2  }
.Ltmp17:
0x19d: {  	_ = 	snop;
	(pc) =	sbr.rel @p0 .LBB2_1-.Ltmp17, $1  }
0x19e: {  	_ =	sdelay $0x3  }
0x19f: {  	_ =	sfence.sel $0x180000  }
0x1a0: {  	[bflag:$0x0] =	sbarrier.arrive $0xFFFF  }
0x1a1: {  	_ =	strace $0x90000047  }
0x1a2: {  	s0 =	stileid.u32;
	[bflag:$0x2] =	sbarrier.arrive $0xFFFF  }
0x1a3: {  	p0 =	sne.s32 s0, $0x0;
	s0 =	rddreg [dreg:$0x2]  }
0x1a4: {  	s0 =	sadd.s32 @!p0 $0x100000, s0  }
0x1a5: {  	[sflag:s0] =	ssyncadd.tile.s32 @!p0 $0x1;
	_ =	shalt  }
.Lfunc_end2:
_tile_overlayer_lowered:
.L_overlay_start_2:
0x1a6: {  	(tag) =	ssettag $0x2  }
0x1a7: {  	s0 =	rddreg [dreg:$0x0];
	s2 =	stileid.u32  }
0x1a8: {  	s1 =	rddreg [dreg:$0x1];
	p0 =	sne.s32 s2, $0x0  }
0x1a9: {  	s3 =	rddreg [dreg:$0x2];
	[bflag:$0x3] =	sbarrier.arrive $0xFFFF;
	s2 =	simm.s32 @!p0 $0x1C03  }
0x1aa: {  	[timem:s3], [sflag:s2] =	dma.local @!p0 [hbm:s0], s1  }
0x1ab: {  	s0 =	simm.s32 @!p0 $0x3  }
0x1ac: {  	_ =	swait.ge @!p0 [sflag:s0], s1  }
0x1ad: {  	s1 =	ssub.s32 @!p0 $0x0, s1;
	[sflag:s0] =	ssyncset.done @!p0 $0x0  }
0x1ae: {  	[sflag:s0] =	ssyncadd.s32 @!p0 s1  }
0x1af: {  	[bflag:$0x3] =	sbarrier.arrive $0xFFFF  }
0x1b0: {  	_ =	shalt  }

</sc_bundles>
